<compile_context>
chip_gen: v7x
topology: tpu7x:2x2x1
jax: 0.10.2.dev20260603
libtpu: 0.0.44.dev20260713+nightly
codegen_flags: <defaults>
</compile_context>

<pallas_src>
import functools
import math

import jax
import jax.numpy as jnp
import numpy as np
from jax import lax
from jax.experimental import pallas as pl
from jax.experimental.pallas import tpu as pltpu
from jax.experimental.pallas import tpu_sc as plsc

N_NODES = 10000
N_EDGES = 160000
D_IN = 128
D_TP = 32
D_KEY = 16
D_EDGE = 16
FC = 128

E_PAD = 163840
NW = 32
AV_W = 48
ROW_W = 128
ACC_ROWS = 10240

BN_NODE = 1000
BE1 = 2048
BE2 = 4096

_f32 = jnp.float32
_bf16 = jnp.bfloat16


def _node_pre_body(nd_ref, win_ref, wq_ref, dotw_ref, tab_ref):
    nd = nd_ref[...]
    t = jnp.dot(nd, win_ref[...], preferred_element_type=_f32) * (
        1.0 / math.sqrt(float(D_IN)))
    q = jnp.dot(t, wq_ref[...], preferred_element_type=_f32) * (
        1.0 / math.sqrt(float(D_TP)))
    qdw = jnp.dot(q, dotw_ref[...], preferred_element_type=_f32) * (
        1.0 / float(D_KEY))
    tab_ref[:, 0:D_TP] = t
    tab_ref[:, D_TP:D_TP + D_KEY] = qdw
    tab_ref[:, D_TP + D_KEY:D_IN] = jnp.zeros(
        (t.shape[0], D_IN - D_TP - D_KEY), _f32)


def _node_pre(node_data, w_in, w_q, dot_w):
    return pl.pallas_call(
        _node_pre_body,
        grid=(N_NODES // BN_NODE,),
        in_specs=[
            pl.BlockSpec((BN_NODE, D_IN), lambda i: (i, 0)),
            pl.BlockSpec((D_IN, D_TP), lambda i: (0, 0)),
            pl.BlockSpec((D_TP, D_KEY), lambda i: (0, 0)),
            pl.BlockSpec((D_KEY, D_KEY), lambda i: (0, 0)),
        ],
        out_specs=pl.BlockSpec((BN_NODE, D_IN), lambda i: (i, 0)),
        out_shape=jax.ShapeDtypeStruct((N_NODES, D_IN), _f32),
    )(node_data, w_in, w_q, dot_w)


def _gather_body(nchunk, npad, tab_hbm, src_hbm, dst_hbm, gs_out, gd_out,
                 src_v, dst_v, gs_a, gs_b, gd_a, gd_b, sem_g, sem_w):
    c = lax.axis_index("c")
    s = lax.axis_index("s")
    wid = s * 2 + c
    row0 = wid * nchunk
    base_al = pl.multiple_of((row0 // 8) * 8, 8)
    r = row0 - base_al
    pltpu.sync_copy(src_hbm.at[pl.ds(base_al, npad)], src_v)
    pltpu.sync_copy(dst_hbm.at[pl.ds(base_al, npad)], dst_v)
    base = wid * nchunk * 128

    def outer(jj, carry):
        c0 = 2 * jj
        c1 = 2 * jj + 1
        cps = [
            pltpu.async_copy(tab_hbm.at[src_v.at[r + c0]], gs_a, sem_g),
            pltpu.async_copy(tab_hbm.at[dst_v.at[r + c0]], gd_a, sem_g),
            pltpu.async_copy(tab_hbm.at[src_v.at[r + c1]], gs_b, sem_g),
            pltpu.async_copy(tab_hbm.at[dst_v.at[r + c1]], gd_b, sem_g),
        ]

        @pl.when(jj > 0)
        def _():
            for buf in (gs_a, gd_a, gs_b, gd_b):
                pltpu.make_async_copy(gs_out.at[pl.ds(0, 128)], buf,
                                      sem_w).wait()

        cps[0].wait()
        pltpu.async_copy(gs_a, gs_out.at[pl.ds(base + c0 * 128, 128)], sem_w)
        cps[1].wait()
        pltpu.async_copy(gd_a, gd_out.at[pl.ds(base + c0 * 128, 128)], sem_w)
        cps[2].wait()
        pltpu.async_copy(gs_b, gs_out.at[pl.ds(base + c1 * 128, 128)], sem_w)
        cps[3].wait()
        pltpu.async_copy(gd_b, gd_out.at[pl.ds(base + c1 * 128, 128)], sem_w)
        return carry

    lax.fori_loop(0, nchunk // 2, outer, 0)
    for buf in (gs_a, gd_a, gs_b, gd_b):
        pltpu.make_async_copy(gs_out.at[pl.ds(0, 128)], buf, sem_w).wait()


def _gather(tab, src2d, dst2d):
    epad = src2d.shape[0] * 128
    nchunk = epad // (NW * 128)
    npad = nchunk + ((8 - nchunk % 8) % 8)
    mesh = plsc.VectorSubcoreMesh(core_axis_name="c", subcore_axis_name="s")
    fn = functools.partial(
        pl.kernel,
        mesh=mesh,
        out_type=[
            jax.ShapeDtypeStruct((epad, D_IN), _f32),
            jax.ShapeDtypeStruct((epad, D_IN), _f32),
        ],
        scratch_types=[
            pltpu.VMEM((npad, 128), jnp.int32),
            pltpu.VMEM((npad, 128), jnp.int32),
            pltpu.VMEM((128, D_IN), _f32),
            pltpu.VMEM((128, D_IN), _f32),
            pltpu.VMEM((128, D_IN), _f32),
            pltpu.VMEM((128, D_IN), _f32),
            pltpu.SemaphoreType.DMA,
            pltpu.SemaphoreType.DMA,
        ],
    )(functools.partial(_gather_body, nchunk, npad))
    return fn(tab, src2d, dst2d)


def _edge1_body(ed_ref, gs_ref, gd_ref, sh_ref,
                wk1_ref, bk1_ref, wk2_ref, bk2_ref, wk3p_ref, bk3p_ref,
                wv1_ref, bv1_ref, wv2_ref, bv2_ref, wv3p_ref, bv3p_ref,
                sk_ref, sv_ref, av_ref, m_ref):
    ed = ed_ref[...].astype(_bf16)
    ts = gs_ref[:, 0:D_TP]
    qd = gd_ref[:, D_TP:D_TP + D_KEY]
    sh = sh_ref[...]

    hk = jnp.maximum(
        jnp.dot(ed, wk1_ref[...], preferred_element_type=_f32) + bk1_ref[...],
        0.0)
    hk = jnp.maximum(
        jnp.dot(hk.astype(_bf16), wk2_ref[...], preferred_element_type=_f32)
        + bk2_ref[...], 0.0)
    g2k = jnp.dot(hk.astype(_bf16), wk3p_ref[...],
                  preferred_element_type=_f32)
    hv = jnp.maximum(
        jnp.dot(ed, wv1_ref[...], preferred_element_type=_f32) + bv1_ref[...],
        0.0)
    hv = jnp.maximum(
        jnp.dot(hv.astype(_bf16), wv2_ref[...], preferred_element_type=_f32)
        + bv2_ref[...], 0.0)
    g2v = jnp.dot(hv.astype(_bf16), wv3p_ref[...],
                  preferred_element_type=_f32)

    ts16 = jnp.concatenate([ts] * D_KEY, axis=1)
    ts32 = jnp.concatenate([ts] * D_TP, axis=1)
    k = jnp.dot((g2k * ts16).astype(_bf16), sk_ref[...],
                preferred_element_type=_f32)
    k = k + jnp.dot(ts, bk3p_ref[...], preferred_element_type=_f32)
    v = jnp.dot((g2v * ts32).astype(_bf16), sv_ref[...],
                preferred_element_type=_f32)
    v = v + jnp.dot(ts, bv3p_ref[...], preferred_element_type=_f32)

    a = jnp.sum(k * qd, axis=1, keepdims=True) * sh
    av_ref[:, 0:D_TP] = v * sh
    av_ref[:, D_TP:D_TP + 1] = a
    av_ref[:, D_TP + 1:AV_W] = jnp.zeros((a.shape[0], AV_W - D_TP - 1), _f32)

    i = pl.program_id(0)

    @pl.when(i == 0)
    def _():
        m_ref[0, 0] = -1e30

    m_ref[0, 0] = jnp.maximum(m_ref[0, 0], jnp.max(a))


def _edge1(ed, gs, gd, sh, wk, wv, sk, sv):
    epad = ed.shape[0]
    full = lambda shape: pl.BlockSpec(shape, lambda i: (0, 0))
    return pl.pallas_call(
        _edge1_body,
        grid=(epad // BE1,),
        in_specs=[
            pl.BlockSpec((BE1, D_EDGE), lambda i: (i, 0)),
            pl.BlockSpec((BE1, D_IN), lambda i: (i, 0)),
            pl.BlockSpec((BE1, D_IN), lambda i: (i, 0)),
            pl.BlockSpec((BE1, 1), lambda i: (i, 0)),
            full((D_EDGE, FC)), full((1, FC)),
            full((FC, FC)), full((1, FC)),
            full((FC, D_KEY * D_TP)), full((D_TP, D_KEY)),
            full((D_EDGE, FC)), full((1, FC)),
            full((FC, FC)), full((1, FC)),
            full((FC, D_TP * D_TP)), full((D_TP, D_TP)),
            full((D_KEY * D_TP, D_KEY)), full((D_TP * D_TP, D_TP)),
        ],
        out_specs=[
            pl.BlockSpec((BE1, AV_W), lambda i: (i, 0)),
            pl.BlockSpec((1, 1), lambda i: (0, 0),
                         memory_space=pltpu.SMEM),
        ],
        out_shape=[
            jax.ShapeDtypeStruct((epad, AV_W), _f32),
            jax.ShapeDtypeStruct((1, 1), _f32),
        ],
    )(ed, gs, gd, sh, *wk, *wv, sk, sv)


def _edge2_body(n_valid, av_ref, m_ref, ev_ref):
    i = pl.program_id(0)
    row = av_ref[...]
    a = row[:, D_TP:D_TP + 1]
    e = jnp.exp(a - m_ref[0, 0])
    eid = i * BE2 + lax.broadcasted_iota(jnp.int32, (BE2, 1), 0)
    e = jnp.where(eid < n_valid, e, 0.0)
    ev_ref[:, 0:D_TP] = e * row[:, 0:D_TP]
    ev_ref[:, D_TP:D_TP + 1] = e
    ev_ref[:, D_TP + 1:ROW_W] = jnp.zeros((BE2, ROW_W - D_TP - 1), _f32)


def _edge2(av, m, n_valid):
    epad = av.shape[0]
    return pl.pallas_call(
        functools.partial(_edge2_body, n_valid),
        grid=(epad // BE2,),
        in_specs=[
            pl.BlockSpec((BE2, AV_W), lambda i: (i, 0)),
            pl.BlockSpec((1, 1), lambda i: (0, 0), memory_space=pltpu.SMEM),
        ],
        out_specs=pl.BlockSpec((BE2, ROW_W), lambda i: (i, 0)),
        out_shape=jax.ShapeDtypeStruct((epad, ROW_W), _f32),
    )(av, m)


def _scatter_body(nchunk, npad, ev_hbm, dst_hbm, zeros_hbm, acc_out,
                  dst_v, rows_a, rows_b, acc_sh, sem):
    c = lax.axis_index("c")
    s = lax.axis_index("s")
    wid = s * 2 + c
    nrows = ACC_ROWS // 16
    pltpu.sync_copy(zeros_hbm.at[pl.ds(s * nrows, nrows)],
                    acc_sh.at[pl.ds(s * nrows, nrows)])
    row0 = wid * nchunk
    base_al = pl.multiple_of((row0 // 8) * 8, 8)
    r = row0 - base_al
    pltpu.sync_copy(dst_hbm.at[pl.ds(base_al, npad)], dst_v)
    plsc.subcore_barrier()
    base = wid * nchunk * 128

    def body(jj, carry):
        c0 = 2 * jj
        c1 = 2 * jj + 1
        cp_a = pltpu.async_copy(
            ev_hbm.at[pl.ds(base + c0 * 128, 128)], rows_a, sem)
        cp_b = pltpu.async_copy(
            ev_hbm.at[pl.ds(base + c1 * 128, 128)], rows_b, sem)
        cp_a.wait()
        pltpu.sync_copy(rows_a, acc_sh.at[dst_v.at[r + c0]], add=True)
        cp_b.wait()
        pltpu.sync_copy(rows_b, acc_sh.at[dst_v.at[r + c1]], add=True)
        return carry

    lax.fori_loop(0, nchunk // 2, body, 0)
    plsc.subcore_barrier()
    pltpu.sync_copy(acc_sh.at[pl.ds(s * nrows, nrows)],
                    acc_out.at[c, pl.ds(s * nrows, nrows)])


def _scatter(ev, dst2d, zeros_nd):
    nchunk = dst2d.shape[0] // NW
    npad = nchunk + ((8 - nchunk % 8) % 8)
    mesh = plsc.VectorSubcoreMesh(core_axis_name="c", subcore_axis_name="s")
    fn = functools.partial(
        pl.kernel,
        mesh=mesh,
        out_type=jax.ShapeDtypeStruct((2, ACC_ROWS, ROW_W), _f32),
        scratch_types=[
            pltpu.VMEM((npad, 128), jnp.int32),
            pltpu.VMEM((128, ROW_W), _f32),
            pltpu.VMEM((128, ROW_W), _f32),
            pltpu.VMEM_SHARED((ACC_ROWS, ROW_W), _f32),
            pltpu.SemaphoreType.DMA,
        ],
    )(functools.partial(_scatter_body, nchunk, npad))
    return fn(ev, dst2d, zeros_nd)


def _post_a_body(acc_ref, acc2_ref, m0_ref, m1_ref, nd_ref, wout_ref,
                 outpre_ref, stats_ref):
    acc = acc_ref[...]
    acc2 = acc2_ref[...]
    m0 = m0_ref[0, 0]
    m1 = m1_ref[0, 0]
    mg = jnp.maximum(m0, m1)
    ssum = (acc[0] + acc[1]) * jnp.exp(m0 - mg) + (
        acc2[0] + acc2[1]) * jnp.exp(m1 - mg)
    z = ssum[:, D_TP:D_TP + 1]
    pos = z > 0.0
    msg = jnp.where(pos, ssum[:, 0:D_TP], 0.0) / jnp.where(pos, z, 1.0)
    out = jnp.dot(msg, wout_ref[...], preferred_element_type=_f32) * (
        1.0 / math.sqrt(float(D_TP))) + nd_ref[...]
    outpre_ref[...] = out
    i = pl.program_id(0)

    @pl.when(i == 0)
    def _():
        stats_ref[...] = jnp.zeros_like(stats_ref)

    stats_ref[...] += jnp.concatenate(
        [jnp.sum(out, axis=0, keepdims=True),
         jnp.sum(out * out, axis=0, keepdims=True)], axis=0)


def _post_a(acc, acc2, m0, m1, node_data, w_out):
    return pl.pallas_call(
        _post_a_body,
        grid=(N_NODES // BN_NODE,),
        in_specs=[
            pl.BlockSpec((2, BN_NODE, ROW_W), lambda i: (0, i, 0)),
            pl.BlockSpec((2, BN_NODE, ROW_W), lambda i: (0, i, 0)),
            pl.BlockSpec((1, 1), lambda i: (0, 0), memory_space=pltpu.SMEM),
            pl.BlockSpec((1, 1), lambda i: (0, 0), memory_space=pltpu.SMEM),
            pl.BlockSpec((BN_NODE, D_IN), lambda i: (i, 0)),
            pl.BlockSpec((D_TP, D_IN), lambda i: (0, 0)),
        ],
        out_specs=[
            pl.BlockSpec((BN_NODE, D_IN), lambda i: (i, 0)),
            pl.BlockSpec((2, D_IN), lambda i: (0, 0)),
        ],
        out_shape=[
            jax.ShapeDtypeStruct((N_NODES, D_IN), _f32),
            jax.ShapeDtypeStruct((2, D_IN), _f32),
        ],
    )(acc, acc2, m0, m1, node_data, w_out)


def _post_b_body(outpre_ref, stats_ref, gamma_ref, beta_ref, out_ref):
    stats = stats_ref[...]
    mean = stats[0:1] * (1.0 / float(N_NODES))
    ex2 = stats[1:2] * (1.0 / float(N_NODES))
    var = ex2 - mean * mean
    rstd = lax.rsqrt(var + 1e-5)
    out_ref[...] = ((outpre_ref[...] - mean) * rstd * gamma_ref[...]
                    + beta_ref[...])


def _post_b(outpre, stats, gamma, beta):
    return pl.pallas_call(
        _post_b_body,
        grid=(N_NODES // BN_NODE,),
        in_specs=[
            pl.BlockSpec((BN_NODE, D_IN), lambda i: (i, 0)),
            pl.BlockSpec((2, D_IN), lambda i: (0, 0)),
            pl.BlockSpec((1, D_IN), lambda i: (0, 0)),
            pl.BlockSpec((1, D_IN), lambda i: (0, 0)),
        ],
        out_specs=pl.BlockSpec((BN_NODE, D_IN), lambda i: (i, 0)),
        out_shape=jax.ShapeDtypeStruct((N_NODES, D_IN), _f32),
    )(outpre, stats, gamma, beta)


def kernel(node_data, edge_index, edge_data, edge_spherical_harmonics,
           W_in, W_q, Wk1, bk1, Wk2, bk2, Wk3, bk3,
           Wv1, bv1, Wv2, bv2, Wv3, bv3, dot_w, W_out, bn_gamma, bn_beta):
    pad = E_PAD - N_EDGES
    src2d = jnp.pad(edge_index[0], (0, pad)).reshape(E_PAD // 128, 128)
    dst2d = jnp.pad(edge_index[1], (0, pad)).reshape(E_PAD // 128, 128)
    ed = jnp.pad(edge_data, ((0, pad), (0, 0)))
    sh = jnp.pad(edge_spherical_harmonics[:, 0:1], ((0, pad), (0, 0)))

    s32 = 1.0 / math.sqrt(float(D_TP))
    wk3p = (jnp.transpose(Wk3.reshape(FC, D_TP, D_KEY), (0, 2, 1))
            .reshape(FC, D_KEY * D_TP) * s32).astype(_bf16)
    wv3p = (jnp.transpose(Wv3.reshape(FC, D_TP, D_TP), (0, 2, 1))
            .reshape(FC, D_TP * D_TP) * s32).astype(_bf16)
    bk3p = bk3.reshape(D_TP, D_KEY) * s32
    bv3p = bv3.reshape(D_TP, D_TP) * s32
    sk = jnp.asarray(np.kron(np.eye(D_KEY), np.ones((D_TP, 1))), _bf16)
    sv = jnp.asarray(np.kron(np.eye(D_TP), np.ones((D_TP, 1))), _bf16)
    wk = (Wk1.astype(_bf16), bk1.reshape(1, FC),
          Wk2.astype(_bf16), bk2.reshape(1, FC), wk3p, bk3p)
    wv = (Wv1.astype(_bf16), bv1.reshape(1, FC),
          Wv2.astype(_bf16), bv2.reshape(1, FC), wv3p, bv3p)

    tab = _node_pre(node_data, W_in, W_q, dot_w)
    H = E_PAD // 2
    HR = H // 128
    zeros_acc = jnp.zeros((ACC_ROWS, ROW_W), _f32)
    gs0, gd0 = _gather(tab, src2d[0:HR], dst2d[0:HR])
    gs1, gd1 = _gather(tab, src2d[HR:], dst2d[HR:])
    av0, m0 = _edge1(ed[0:H], gs0, gd0, sh[0:H], wk, wv, sk, sv)
    av1, m1 = _edge1(ed[H:], gs1, gd1, sh[H:], wk, wv, sk, sv)
    ev0 = _edge2(av0, m0, H)
    ev1 = _edge2(av1, m1, N_EDGES - H)
    acc0 = _scatter(ev0, dst2d[0:HR], zeros_acc)
    acc1 = _scatter(ev1, dst2d[HR:], zeros_acc)
    outpre, stats = _post_a(acc0, acc1, m0, m1, node_data, W_out)
    return _post_b(outpre, stats, bn_gamma.reshape(1, D_IN),
                   bn_beta.reshape(1, D_IN))

# --- scband reference (transcript-rebuilt; emitter-appended) ---
"""Pipeline reference for scband-conv-layer-31671088841250 (READ-ONLY COPY).

The authoritative reference and input builder live on the scoring server;
editing this copy changes nothing except your own understanding.
"""

import jax, jax.numpy as jnp
import numpy as np

N_NODES = 10000
N_EDGES = 160000
D_IN = 128
D_TP = 32
D_KEY = 16
D_EDGE = 16
FC = 128


def setup_inputs(seed: int = 0) -> dict:
    key = jax.random.key(seed)
    ks = jax.random.split(key, 20)
    def w(i, shape):
        return jax.random.normal(ks[i], shape, dtype=jnp.float32) * 0.1
    inp = {}
    inp['node_data'] = jax.random.normal(ks[0], (N_NODES, D_IN), dtype=jnp.float32)
    inp['edge_index'] = jax.random.randint(ks[1], (2, N_EDGES), 0, N_NODES, dtype=jnp.int32)
    inp['edge_data'] = jax.random.normal(ks[2], (N_EDGES, D_EDGE), dtype=jnp.float32)
    inp['edge_spherical_harmonics'] = jax.random.normal(ks[3], (N_EDGES, 1), dtype=jnp.float32)
    # input_linear: 128x0e -> 32x0e
    inp['W_in'] = w(4, (D_IN, D_TP))
    # query_transform: 32x0e -> 16x0e
    inp['W_q'] = w(5, (D_TP, D_KEY))
    # fc_key MLP: 16 -> 128 -> 128 -> weight_numel(tp_key) = 32*1*16 = 512
    inp['Wk1'] = w(6, (D_EDGE, FC)); inp['bk1'] = jnp.zeros((FC,), jnp.float32)
    inp['Wk2'] = w(7, (FC, FC)); inp['bk2'] = jnp.zeros((FC,), jnp.float32)
    inp['Wk3'] = w(8, (FC, D_TP * D_KEY)); inp['bk3'] = jnp.zeros((D_TP * D_KEY,), jnp.float32)
    # fc_value MLP: 16 -> 128 -> 128 -> weight_numel(tp_value) = 32*1*32 = 1024
    inp['Wv1'] = w(9, (D_EDGE, FC)); inp['bv1'] = jnp.zeros((FC,), jnp.float32)
    inp['Wv2'] = w(10, (FC, FC)); inp['bv2'] = jnp.zeros((FC,), jnp.float32)
    inp['Wv3'] = w(11, (FC, D_TP * D_TP)); inp['bv3'] = jnp.zeros((D_TP * D_TP,), jnp.float32)
    # dot: FCTP(16x0e, 16x0e -> 0e), internal weights [16,16]
    inp['dot_w'] = w(12, (D_KEY, D_KEY))
    # output_linear: 32x0e -> 128x0e
    inp['W_out'] = w(13, (D_TP, D_IN))
    # BatchNorm affine params
    inp['bn_gamma'] = jnp.ones((D_IN,), jnp.float32)
    inp['bn_beta'] = jnp.zeros((D_IN,), jnp.float32)
    return inp


def reference(node_data, edge_index, edge_data, edge_spherical_harmonics,
              W_in, W_q, Wk1, bk1, Wk2, bk2, Wk3, bk3,
              Wv1, bv1, Wv2, bv2, Wv3, bv3, dot_w, W_out, bn_gamma, bn_beta):
    src = edge_index[0]
    dst = edge_index[1]
    # input_linear (o3.Linear on scalar irreps, path-normalized)
    t = (node_data @ W_in) / jnp.sqrt(float(D_IN))
    # query_transform
    q = (t @ W_q) / jnp.sqrt(float(D_TP))
    # fc_key MLP -> per-edge tensor-product weights for tp_key
    hk = jax.nn.relu(edge_data @ Wk1 + bk1)
    hk = jax.nn.relu(hk @ Wk2 + bk2)
    wk = (hk @ Wk3 + bk3).reshape(-1, D_TP, D_KEY)
    # fc_value MLP -> per-edge weights for tp_value
    hv = jax.nn.relu(edge_data @ Wv1 + bv1)
    hv = jax.nn.relu(hv @ Wv2 + bv2)
    wv = (hv @ Wv3 + bv3).reshape(-1, D_TP, D_TP)
    ts = t[src]  # gather source node features per edge
    sh = edge_spherical_harmonics[:, 0:1]  # 1x0e spherical harmonics
    # FullyConnectedTensorProduct on scalar irreps (shared_weights=False)
    k = jnp.einsum('ef,efk->ek', ts, wk) * sh / jnp.sqrt(float(D_TP))
    v = jnp.einsum('ef,efk->ek', ts, wv) * sh / jnp.sqrt(float(D_TP))
    # dot(q[dst], k) -> scalar attention logit per edge
    a = jnp.einsum('ei,ij,ej->e', q[dst], dot_w, k)[:, None] / float(D_KEY)
    # numerically-stable segment softmax over incoming edges of each dst node
    m = jax.ops.segment_max(a, dst, num_segments=N_NODES)
    a = jnp.exp(a - m[dst])
    z = jax.ops.segment_sum(a, dst, num_segments=N_NODES)
    a = a / z[dst]
    # weighted scatter-sum of values
    msg = jax.ops.segment_sum(a * v, dst, num_segments=N_NODES)
    # output_linear
    out = (msg @ W_out) / jnp.sqrt(float(D_TP))
    # residual: F.pad(node_data, (0, out-128)) is identity here (128 == 128)
    out = out + node_data
    # BatchNorm over scalar irreps (batch statistics, training-style)
    mean = out.mean(axis=0)
    var = out.var(axis=0)
    out = (out - mean) / jnp.sqrt(var + 1e-5) * bn_gamma + bn_beta
    return out

if __name__ == "__main__":
    import jax
    _d = setup_inputs()
    print(jax.jit(kernel)(*tuple(_d.values())))

</pallas_src>

<mosaic_0001>
#map = affine_map<(d0, d1) -> (0, 0)>
module attributes {stable_mosaic.version = 14 : i64} {
  func.func @_gather_body(%arg0: i32, %arg1: i32, %arg2: memref<10000x128xf32, #tpu.memory_space<hbm>>, %arg3: memref<640x128xi32, #tpu.memory_space<hbm>>, %arg4: memref<640x128xi32, #tpu.memory_space<hbm>>, %arg5: memref<81920x128xf32, #tpu.memory_space<hbm>>, %arg6: memref<81920x128xf32, #tpu.memory_space<hbm>>, %arg7: memref<24x128xi32, #tpu.memory_space<vmem>>, %arg8: memref<24x128xi32, #tpu.memory_space<vmem>>, %arg9: memref<128x128xf32, #tpu.memory_space<vmem>>, %arg10: memref<128x128xf32, #tpu.memory_space<vmem>>, %arg11: memref<128x128xf32, #tpu.memory_space<vmem>>, %arg12: memref<128x128xf32, #tpu.memory_space<vmem>>, %arg13: memref<!tpu.dma_semaphore, #tpu.memory_space<semaphore_mem>>, %arg14: memref<!tpu.dma_semaphore, #tpu.memory_space<semaphore_mem>>) attributes {dimension_semantics = [#tpu.dimension_semantics<core_parallel>, #tpu.dimension_semantics<subcore_parallel>], iteration_bounds = array<i64: 2, 16>, scalar_prefetch = 0 : i64, scratch_operands = 8 : i64, tpu.core_type = #tpu.core_type<sc_vector_subcore>, window_params = [{transform_indices = #map}, {transform_indices = #map}, {transform_indices = #map}, {transform_indices = #map}, {transform_indices = #map}]} {
    %mul3A = arith.constant 2 : i32
    %mul3A_0 = arith.muli %arg1, %mul3A : i32
    %add3A = arith.addi %mul3A_0, %arg0 : i32
    %mul3A_1 = arith.constant 20 : i32
    %mul3A_2 = arith.muli %add3A, %mul3A_1 : i32
    %jit3A = arith.constant 8 : i32
    %div3A = arith.divsi %mul3A_2, %jit3A : i32
    %sign3A = arith.constant 0 : i32
    %sign3A_3 = arith.cmpi sgt, %mul3A_2, %sign3A : i32
    %sign3A_4 = arith.extui %sign3A_3 : i1 to i32
    %sign3A_5 = arith.constant 0 : i32
    %sign3A_6 = arith.cmpi slt, %mul3A_2, %sign3A_5 : i32
    %sign3A_7 = arith.extui %sign3A_6 : i1 to i32
    %sign3A_8 = arith.subi %sign3A_4, %sign3A_7 : i32
    %sign3A_9 = arith.constant 0 : i32
    %sign3A_10 = arith.cmpi sgt, %jit3A, %sign3A_9 : i32
    %sign3A_11 = arith.extui %sign3A_10 : i1 to i32
    %sign3A_12 = arith.constant 0 : i32
    %sign3A_13 = arith.cmpi slt, %jit3A, %sign3A_12 : i32
    %sign3A_14 = arith.extui %sign3A_13 : i1 to i32
    %sign3A_15 = arith.subi %sign3A_11, %sign3A_14 : i32
    %ne3A = arith.cmpi ne, %sign3A_8, %sign3A_15 : i32
    %rem3A = arith.remsi %mul3A_2, %jit3A : i32
    %ne3A_16 = arith.constant 0 : i32
    %ne3A_17 = arith.cmpi ne, %rem3A, %ne3A_16 : i32
    %and3A = arith.andi %ne3A, %ne3A_17 : i1
    %sub3A = arith.constant 1 : i32
    %sub3A_18 = arith.subi %div3A, %sub3A : i32
    %select_n3A = arith.select %and3A, %sub3A_18, %div3A : i32
    %mul3A_19 = arith.constant 8 : i32
    %mul3A_20 = arith.muli %select_n3A, %mul3A_19 : i32
    %multiple_of3A = tpu.assume_multiple %mul3A_20, 8 : i32
    %sub3A_21 = arith.subi %mul3A_2, %multiple_of3A : i32
    "tpu.region"() ({
      %run_scoped3A = tpu.sem_alloc : memref<!tpu.dma_semaphore, #tpu.memory_space<semaphore_mem>>
      %dma_start3A = arith.constant 0 : i32
      %dma_start3A_54 = tpu.memref_slice %arg3[%multiple_of3A, %dma_start3A] : memref<640x128xi32, #tpu.memory_space<hbm>> -> memref<24x128xi32, #tpu.memory_space<hbm>>
      %dma_start3A_55 = arith.constant 0 : i32
      %dma_start3A_56 = tpu.memref_slice %arg3[%multiple_of3A, %dma_start3A_55] : memref<640x128xi32, #tpu.memory_space<hbm>> -> memref<24x128xi32, #tpu.memory_space<hbm>>
      tpu.enqueue_dma source(%dma_start3A_56 : memref<24x128xi32, #tpu.memory_space<hbm>>) target(%arg7 : memref<24x128xi32, #tpu.memory_space<vmem>>) target_semaphore(%run_scoped3A : memref<!tpu.dma_semaphore, #tpu.memory_space<semaphore_mem>>)
      %dma_wait3A_57 = arith.constant 0 : i32
      %dma_wait3A_58 = tpu.memref_slice %arg3[%multiple_of3A, %dma_wait3A_57] : memref<640x128xi32, #tpu.memory_space<hbm>> -> memref<24x128xi32, #tpu.memory_space<hbm>>
      %dma_wait3A_59 = arith.constant 0 : i32
      %dma_wait3A_60 = tpu.memref_slice %arg3[%multiple_of3A, %dma_wait3A_59] : memref<640x128xi32, #tpu.memory_space<hbm>> -> memref<24x128xi32, #tpu.memory_space<hbm>>
      tpu.wait_dma2 semaphore(%run_scoped3A : memref<!tpu.dma_semaphore, #tpu.memory_space<semaphore_mem>>) src(%dma_wait3A_60 : memref<24x128xi32, #tpu.memory_space<hbm>>) dst(%arg7 : memref<24x128xi32, #tpu.memory_space<vmem>>)
      tpu.yield
    }) : () -> ()
    "tpu.region"() ({
      %run_scoped3A = tpu.sem_alloc : memref<!tpu.dma_semaphore, #tpu.memory_space<semaphore_mem>>
      %dma_start3A = arith.constant 0 : i32
      %dma_start3A_54 = tpu.memref_slice %arg4[%multiple_of3A, %dma_start3A] : memref<640x128xi32, #tpu.memory_space<hbm>> -> memref<24x128xi32, #tpu.memory_space<hbm>>
      %dma_start3A_55 = arith.constant 0 : i32
      %dma_start3A_56 = tpu.memref_slice %arg4[%multiple_of3A, %dma_start3A_55] : memref<640x128xi32, #tpu.memory_space<hbm>> -> memref<24x128xi32, #tpu.memory_space<hbm>>
      tpu.enqueue_dma source(%dma_start3A_56 : memref<24x128xi32, #tpu.memory_space<hbm>>) target(%arg8 : memref<24x128xi32, #tpu.memory_space<vmem>>) target_semaphore(%run_scoped3A : memref<!tpu.dma_semaphore, #tpu.memory_space<semaphore_mem>>)
      %dma_wait3A_57 = arith.constant 0 : i32
      %dma_wait3A_58 = tpu.memref_slice %arg4[%multiple_of3A, %dma_wait3A_57] : memref<640x128xi32, #tpu.memory_space<hbm>> -> memref<24x128xi32, #tpu.memory_space<hbm>>
      %dma_wait3A_59 = arith.constant 0 : i32
      %dma_wait3A_60 = tpu.memref_slice %arg4[%multiple_of3A, %dma_wait3A_59] : memref<640x128xi32, #tpu.memory_space<hbm>> -> memref<24x128xi32, #tpu.memory_space<hbm>>
      tpu.wait_dma2 semaphore(%run_scoped3A : memref<!tpu.dma_semaphore, #tpu.memory_space<semaphore_mem>>) src(%dma_wait3A_60 : memref<24x128xi32, #tpu.memory_space<hbm>>) dst(%arg8 : memref<24x128xi32, #tpu.memory_space<vmem>>)
      tpu.yield
    }) : () -> ()
    %mul3A_22 = arith.constant 20 : i32
    %mul3A_23 = arith.muli %add3A, %mul3A_22 : i32
    %mul3A_24 = arith.constant 128 : i32
    %mul3A_25 = arith.muli %mul3A_23, %mul3A_24 : i32
    %scan3A = arith.constant 0 : i32
    %scan3A_26 = arith.constant 0 : i32
    %scan3A_27 = arith.constant 10 : i32
    %scan3A_28 = arith.addi %scan3A_26, %scan3A_27 : i32
    %scan3A_29 = arith.constant 1 : i32
    scf.for %scan3A_54 = %scan3A_26 to %scan3A_28 step %scan3A_29  : i32 {
      %mul3A_55 = arith.constant 2 : i32
      %mul3A_56 = arith.muli %mul3A_55, %scan3A_54 : i32
      %mul3A_57 = arith.constant 2 : i32
      %mul3A_58 = arith.muli %mul3A_57, %scan3A_54 : i32
      %add3A_59 = arith.constant 1 : i32
      %add3A_60 = arith.addi %mul3A_58, %add3A_59 : i32
      %add3A_61 = arith.addi %sub3A_21, %mul3A_56 : i32
      %dma_start3A = arith.constant 0 : i32
      %dma_start3A_62 = tpu.memref_slice %arg7[%add3A_61, %dma_start3A] : memref<24x128xi32, #tpu.memory_space<vmem>> -> memref<1x128xi32, #tpu.memory_space<vmem>>
      %dma_start3A_63 = tpu.memref_squeeze %dma_start3A_62 : memref<1x128xi32, #tpu.memory_space<vmem>> -> memref<128xi32, #tpu.memory_space<vmem>>
      %dma_start3A_64 = arith.constant 0 : i32
      %dma_start3A_65 = arith.constant 0 : i32
      %dma_start3A_66 = tpu.memref_slice %arg2[%dma_start3A_64, %dma_start3A_65] : memref<10000x128xf32, #tpu.memory_space<hbm>> -> memref<10000x128xf32, #tpu.memory_space<hbm>>
      tpu.enqueue_indirect_dma source(%dma_start3A_66 : memref<10000x128xf32, #tpu.memory_space<hbm>>) target(%arg9 : memref<128x128xf32, #tpu.memory_space<vmem>>) offsets(%dma_start3A_63 : memref<128xi32, #tpu.memory_space<vmem>>) semaphore(%arg13 : memref<!tpu.dma_semaphore, #tpu.memory_space<semaphore_mem>>)
      %add3A_67 = arith.addi %sub3A_21, %mul3A_56 : i32
      %dma_start3A_68 = arith.constant 0 : i32
      %dma_start3A_69 = tpu.memref_slice %arg8[%add3A_67, %dma_start3A_68] : memref<24x128xi32, #tpu.memory_space<vmem>> -> memref<1x128xi32, #tpu.memory_space<vmem>>
      %dma_start3A_70 = tpu.memref_squeeze %dma_start3A_69 : memref<1x128xi32, #tpu.memory_space<vmem>> -> memref<128xi32, #tpu.memory_space<vmem>>
      %dma_start3A_71 = arith.constant 0 : i32
      %dma_start3A_72 = arith.constant 0 : i32
      %dma_start3A_73 = tpu.memref_slice %arg2[%dma_start3A_71, %dma_start3A_72] : memref<10000x128xf32, #tpu.memory_space<hbm>> -> memref<10000x128xf32, #tpu.memory_space<hbm>>
      tpu.enqueue_indirect_dma source(%dma_start3A_73 : memref<10000x128xf32, #tpu.memory_space<hbm>>) target(%arg11 : memref<128x128xf32, #tpu.memory_space<vmem>>) offsets(%dma_start3A_70 : memref<128xi32, #tpu.memory_space<vmem>>) semaphore(%arg13 : memref<!tpu.dma_semaphore, #tpu.memory_space<semaphore_mem>>)
      %add3A_74 = arith.addi %sub3A_21, %add3A_60 : i32
      %dma_start3A_75 = arith.constant 0 : i32
      %dma_start3A_76 = tpu.memref_slice %arg7[%add3A_74, %dma_start3A_75] : memref<24x128xi32, #tpu.memory_space<vmem>> -> memref<1x128xi32, #tpu.memory_space<vmem>>
      %dma_start3A_77 = tpu.memref_squeeze %dma_start3A_76 : memref<1x128xi32, #tpu.memory_space<vmem>> -> memref<128xi32, #tpu.memory_space<vmem>>
      %dma_start3A_78 = arith.constant 0 : i32
      %dma_start3A_79 = arith.constant 0 : i32
      %dma_start3A_80 = tpu.memref_slice %arg2[%dma_start3A_78, %dma_start3A_79] : memref<10000x128xf32, #tpu.memory_space<hbm>> -> memref<10000x128xf32, #tpu.memory_space<hbm>>
      tpu.enqueue_indirect_dma source(%dma_start3A_80 : memref<10000x128xf32, #tpu.memory_space<hbm>>) target(%arg10 : memref<128x128xf32, #tpu.memory_space<vmem>>) offsets(%dma_start3A_77 : memref<128xi32, #tpu.memory_space<vmem>>) semaphore(%arg13 : memref<!tpu.dma_semaphore, #tpu.memory_space<semaphore_mem>>)
      %add3A_81 = arith.addi %sub3A_21, %add3A_60 : i32
      %dma_start3A_82 = arith.constant 0 : i32
      %dma_start3A_83 = tpu.memref_slice %arg8[%add3A_81, %dma_start3A_82] : memref<24x128xi32, #tpu.memory_space<vmem>> -> memref<1x128xi32, #tpu.memory_space<vmem>>
      %dma_start3A_84 = tpu.memref_squeeze %dma_start3A_83 : memref<1x128xi32, #tpu.memory_space<vmem>> -> memref<128xi32, #tpu.memory_space<vmem>>
      %dma_start3A_85 = arith.constant 0 : i32
      %dma_start3A_86 = arith.constant 0 : i32
      %dma_start3A_87 = tpu.memref_slice %arg2[%dma_start3A_85, %dma_start3A_86] : memref<10000x128xf32, #tpu.memory_space<hbm>> -> memref<10000x128xf32, #tpu.memory_space<hbm>>
      tpu.enqueue_indirect_dma source(%dma_start3A_87 : memref<10000x128xf32, #tpu.memory_space<hbm>>) target(%arg12 : memref<128x128xf32, #tpu.memory_space<vmem>>) offsets(%dma_start3A_84 : memref<128xi32, #tpu.memory_space<vmem>>) semaphore(%arg13 : memref<!tpu.dma_semaphore, #tpu.memory_space<semaphore_mem>>)
      %gt3A = arith.constant 0 : i32
      %gt3A_88 = arith.cmpi sgt, %scan3A_54, %gt3A : i32
      %convert_element_type3A = arith.extui %gt3A_88 : i1 to i32
      %cond3A = arith.constant 0 : i32
      %cond3A_89 = arith.cmpi ne, %convert_element_type3A, %cond3A : i32
      scf.if %cond3A_89 {
        %dma_wait3A_142 = arith.constant 0 : i32
        %dma_wait3A_143 = arith.constant 0 : i32
        %dma_wait3A_144 = tpu.memref_slice %arg5[%dma_wait3A_142, %dma_wait3A_143] : memref<81920x128xf32, #tpu.memory_space<hbm>> -> memref<128x128xf32, #tpu.memory_space<hbm>>
        %dma_wait3A_145 = arith.constant 0 : i32
        %dma_wait3A_146 = arith.constant 0 : i32
        %dma_wait3A_147 = tpu.memref_slice %arg5[%dma_wait3A_145, %dma_wait3A_146] : memref<81920x128xf32, #tpu.memory_space<hbm>> -> memref<128x128xf32, #tpu.memory_space<hbm>>
        tpu.wait_dma2 semaphore(%arg14 : memref<!tpu.dma_semaphore, #tpu.memory_space<semaphore_mem>>) src(%dma_wait3A_147 : memref<128x128xf32, #tpu.memory_space<hbm>>) dst(%arg9 : memref<128x128xf32, #tpu.memory_space<vmem>>)
        %dma_wait3A_148 = arith.constant 0 : i32
        %dma_wait3A_149 = arith.constant 0 : i32
        %dma_wait3A_150 = tpu.memref_slice %arg5[%dma_wait3A_148, %dma_wait3A_149] : memref<81920x128xf32, #tpu.memory_space<hbm>> -> memref<128x128xf32, #tpu.memory_space<hbm>>
        %dma_wait3A_151 = arith.constant 0 : i32
        %dma_wait3A_152 = arith.constant 0 : i32
        %dma_wait3A_153 = tpu.memref_slice %arg5[%dma_wait3A_151, %dma_wait3A_152] : memref<81920x128xf32, #tpu.memory_space<hbm>> -> memref<128x128xf32, #tpu.memory_space<hbm>>
        tpu.wait_dma2 semaphore(%arg14 : memref<!tpu.dma_semaphore, #tpu.memory_space<semaphore_mem>>) src(%dma_wait3A_153 : memref<128x128xf32, #tpu.memory_space<hbm>>) dst(%arg11 : memref<128x128xf32, #tpu.memory_space<vmem>>)
        %dma_wait3A_154 = arith.constant 0 : i32
        %dma_wait3A_155 = arith.constant 0 : i32
        %dma_wait3A_156 = tpu.memref_slice %arg5[%dma_wait3A_154, %dma_wait3A_155] : memref<81920x128xf32, #tpu.memory_space<hbm>> -> memref<128x128xf32, #tpu.memory_space<hbm>>
        %dma_wait3A_157 = arith.constant 0 : i32
        %dma_wait3A_158 = arith.constant 0 : i32
        %dma_wait3A_159 = tpu.memref_slice %arg5[%dma_wait3A_157, %dma_wait3A_158] : memref<81920x128xf32, #tpu.memory_space<hbm>> -> memref<128x128xf32, #tpu.memory_space<hbm>>
        tpu.wait_dma2 semaphore(%arg14 : memref<!tpu.dma_semaphore, #tpu.memory_space<semaphore_mem>>) src(%dma_wait3A_159 : memref<128x128xf32, #tpu.memory_space<hbm>>) dst(%arg10 : memref<128x128xf32, #tpu.memory_space<vmem>>)
        %dma_wait3A_160 = arith.constant 0 : i32
        %dma_wait3A_161 = arith.constant 0 : i32
        %dma_wait3A_162 = tpu.memref_slice %arg5[%dma_wait3A_160, %dma_wait3A_161] : memref<81920x128xf32, #tpu.memory_space<hbm>> -> memref<128x128xf32, #tpu.memory_space<hbm>>
        %dma_wait3A_163 = arith.constant 0 : i32
        %dma_wait3A_164 = arith.constant 0 : i32
        %dma_wait3A_165 = tpu.memref_slice %arg5[%dma_wait3A_163, %dma_wait3A_164] : memref<81920x128xf32, #tpu.memory_space<hbm>> -> memref<128x128xf32, #tpu.memory_space<hbm>>
        tpu.wait_dma2 semaphore(%arg14 : memref<!tpu.dma_semaphore, #tpu.memory_space<semaphore_mem>>) src(%dma_wait3A_165 : memref<128x128xf32, #tpu.memory_space<hbm>>) dst(%arg12 : memref<128x128xf32, #tpu.memory_space<vmem>>)
      } else {
      }
      %dma_wait3A_90 = arith.constant 0 : i32
      %dma_wait3A_91 = tpu.memref_slice %arg7[%add3A_61, %dma_wait3A_90] : memref<24x128xi32, #tpu.memory_space<vmem>> -> memref<1x128xi32, #tpu.memory_space<vmem>>
      %dma_wait3A_92 = tpu.memref_squeeze %dma_wait3A_91 : memref<1x128xi32, #tpu.memory_space<vmem>> -> memref<128xi32, #tpu.memory_space<vmem>>
      %dma_wait3A_93 = arith.constant 0 : i32
      %dma_wait3A_94 = arith.constant 0 : i32
      %dma_wait3A_95 = tpu.memref_slice %arg2[%dma_wait3A_93, %dma_wait3A_94] : memref<10000x128xf32, #tpu.memory_space<hbm>> -> memref<10000x128xf32, #tpu.memory_space<hbm>>
      tpu.wait_indirect_dma semaphore(%arg13 : memref<!tpu.dma_semaphore, #tpu.memory_space<semaphore_mem>>) src(%dma_wait3A_95 : memref<10000x128xf32, #tpu.memory_space<hbm>>) dst(%arg9 : memref<128x128xf32, #tpu.memory_space<vmem>>)
      %mul3A_96 = arith.constant 128 : i32
      %mul3A_97 = arith.muli %mul3A_56, %mul3A_96 : i32
      %add3A_98 = arith.addi %mul3A_25, %mul3A_97 : i32
      %dma_start3A_99 = arith.constant 0 : i32
      %dma_start3A_100 = tpu.memref_slice %arg5[%add3A_98, %dma_start3A_99] : memref<81920x128xf32, #tpu.memory_space<hbm>> -> memref<128x128xf32, #tpu.memory_space<hbm>>
      %dma_start3A_101 = arith.constant 0 : i32
      %dma_start3A_102 = tpu.memref_slice %arg5[%add3A_98, %dma_start3A_101] : memref<81920x128xf32, #tpu.memory_space<hbm>> -> memref<128x128xf32, #tpu.memory_space<hbm>>
      tpu.enqueue_dma source(%arg9 : memref<128x128xf32, #tpu.memory_space<vmem>>) target(%dma_start3A_102 : memref<128x128xf32, #tpu.memory_space<hbm>>) target_semaphore(%arg14 : memref<!tpu.dma_semaphore, #tpu.memory_space<semaphore_mem>>)
      %dma_wait3A_103 = arith.constant 0 : i32
      %dma_wait3A_104 = tpu.memref_slice %arg8[%add3A_67, %dma_wait3A_103] : memref<24x128xi32, #tpu.memory_space<vmem>> -> memref<1x128xi32, #tpu.memory_space<vmem>>
      %dma_wait3A_105 = tpu.memref_squeeze %dma_wait3A_104 : memref<1x128xi32, #tpu.memory_space<vmem>> -> memref<128xi32, #tpu.memory_space<vmem>>
      %dma_wait3A_106 = arith.constant 0 : i32
      %dma_wait3A_107 = arith.constant 0 : i32
      %dma_wait3A_108 = tpu.memref_slice %arg2[%dma_wait3A_106, %dma_wait3A_107] : memref<10000x128xf32, #tpu.memory_space<hbm>> -> memref<10000x128xf32, #tpu.memory_space<hbm>>
      tpu.wait_indirect_dma semaphore(%arg13 : memref<!tpu.dma_semaphore, #tpu.memory_space<semaphore_mem>>) src(%dma_wait3A_108 : memref<10000x128xf32, #tpu.memory_space<hbm>>) dst(%arg11 : memref<128x128xf32, #tpu.memory_space<vmem>>)
      %mul3A_109 = arith.constant 128 : i32
      %mul3A_110 = arith.muli %mul3A_56, %mul3A_109 : i32
      %add3A_111 = arith.addi %mul3A_25, %mul3A_110 : i32
      %dma_start3A_112 = arith.constant 0 : i32
      %dma_start3A_113 = tpu.memref_slice %arg6[%add3A_111, %dma_start3A_112] : memref<81920x128xf32, #tpu.memory_space<hbm>> -> memref<128x128xf32, #tpu.memory_space<hbm>>
      %dma_start3A_114 = arith.constant 0 : i32
      %dma_start3A_115 = tpu.memref_slice %arg6[%add3A_111, %dma_start3A_114] : memref<81920x128xf32, #tpu.memory_space<hbm>> -> memref<128x128xf32, #tpu.memory_space<hbm>>
      tpu.enqueue_dma source(%arg11 : memref<128x128xf32, #tpu.memory_space<vmem>>) target(%dma_start3A_115 : memref<128x128xf32, #tpu.memory_space<hbm>>) target_semaphore(%arg14 : memref<!tpu.dma_semaphore, #tpu.memory_space<semaphore_mem>>)
      %dma_wait3A_116 = arith.constant 0 : i32
      %dma_wait3A_117 = tpu.memref_slice %arg7[%add3A_74, %dma_wait3A_116] : memref<24x128xi32, #tpu.memory_space<vmem>> -> memref<1x128xi32, #tpu.memory_space<vmem>>
      %dma_wait3A_118 = tpu.memref_squeeze %dma_wait3A_117 : memref<1x128xi32, #tpu.memory_space<vmem>> -> memref<128xi32, #tpu.memory_space<vmem>>
      %dma_wait3A_119 = arith.constant 0 : i32
      %dma_wait3A_120 = arith.constant 0 : i32
      %dma_wait3A_121 = tpu.memref_slice %arg2[%dma_wait3A_119, %dma_wait3A_120] : memref<10000x128xf32, #tpu.memory_space<hbm>> -> memref<10000x128xf32, #tpu.memory_space<hbm>>
      tpu.wait_indirect_dma semaphore(%arg13 : memref<!tpu.dma_semaphore, #tpu.memory_space<semaphore_mem>>) src(%dma_wait3A_121 : memref<10000x128xf32, #tpu.memory_space<hbm>>) dst(%arg10 : memref<128x128xf32, #tpu.memory_space<vmem>>)
      %mul3A_122 = arith.constant 128 : i32
      %mul3A_123 = arith.muli %add3A_60, %mul3A_122 : i32
      %add3A_124 = arith.addi %mul3A_25, %mul3A_123 : i32
      %dma_start3A_125 = arith.constant 0 : i32
      %dma_start3A_126 = tpu.memref_slice %arg5[%add3A_124, %dma_start3A_125] : memref<81920x128xf32, #tpu.memory_space<hbm>> -> memref<128x128xf32, #tpu.memory_space<hbm>>
      %dma_start3A_127 = arith.constant 0 : i32
      %dma_start3A_128 = tpu.memref_slice %arg5[%add3A_124, %dma_start3A_127] : memref<81920x128xf32, #tpu.memory_space<hbm>> -> memref<128x128xf32, #tpu.memory_space<hbm>>
      tpu.enqueue_dma source(%arg10 : memref<128x128xf32, #tpu.memory_space<vmem>>) target(%dma_start3A_128 : memref<128x128xf32, #tpu.memory_space<hbm>>) target_semaphore(%arg14 : memref<!tpu.dma_semaphore, #tpu.memory_space<semaphore_mem>>)
      %dma_wait3A_129 = arith.constant 0 : i32
      %dma_wait3A_130 = tpu.memref_slice %arg8[%add3A_81, %dma_wait3A_129] : memref<24x128xi32, #tpu.memory_space<vmem>> -> memref<1x128xi32, #tpu.memory_space<vmem>>
      %dma_wait3A_131 = tpu.memref_squeeze %dma_wait3A_130 : memref<1x128xi32, #tpu.memory_space<vmem>> -> memref<128xi32, #tpu.memory_space<vmem>>
      %dma_wait3A_132 = arith.constant 0 : i32
      %dma_wait3A_133 = arith.constant 0 : i32
      %dma_wait3A_134 = tpu.memref_slice %arg2[%dma_wait3A_132, %dma_wait3A_133] : memref<10000x128xf32, #tpu.memory_space<hbm>> -> memref<10000x128xf32, #tpu.memory_space<hbm>>
      tpu.wait_indirect_dma semaphore(%arg13 : memref<!tpu.dma_semaphore, #tpu.memory_space<semaphore_mem>>) src(%dma_wait3A_134 : memref<10000x128xf32, #tpu.memory_space<hbm>>) dst(%arg12 : memref<128x128xf32, #tpu.memory_space<vmem>>)
      %mul3A_135 = arith.constant 128 : i32
      %mul3A_136 = arith.muli %add3A_60, %mul3A_135 : i32
      %add3A_137 = arith.addi %mul3A_25, %mul3A_136 : i32
      %dma_start3A_138 = arith.constant 0 : i32
      %dma_start3A_139 = tpu.memref_slice %arg6[%add3A_137, %dma_start3A_138] : memref<81920x128xf32, #tpu.memory_space<hbm>> -> memref<128x128xf32, #tpu.memory_space<hbm>>
      %dma_start3A_140 = arith.constant 0 : i32
      %dma_start3A_141 = tpu.memref_slice %arg6[%add3A_137, %dma_start3A_140] : memref<81920x128xf32, #tpu.memory_space<hbm>> -> memref<128x128xf32, #tpu.memory_space<hbm>>
      tpu.enqueue_dma source(%arg12 : memref<128x128xf32, #tpu.memory_space<vmem>>) target(%dma_start3A_141 : memref<128x128xf32, #tpu.memory_space<hbm>>) target_semaphore(%arg14 : memref<!tpu.dma_semaphore, #tpu.memory_space<semaphore_mem>>)
    }
    %scan3A_30 = arith.constant 10 : i32
    %dma_wait3A = arith.constant 0 : i32
    %dma_wait3A_31 = arith.constant 0 : i32
    %dma_wait3A_32 = tpu.memref_slice %arg5[%dma_wait3A, %dma_wait3A_31] : memref<81920x128xf32, #tpu.memory_space<hbm>> -> memref<128x128xf32, #tpu.memory_space<hbm>>
    %dma_wait3A_33 = arith.constant 0 : i32
    %dma_wait3A_34 = arith.constant 0 : i32
    %dma_wait3A_35 = tpu.memref_slice %arg5[%dma_wait3A_33, %dma_wait3A_34] : memref<81920x128xf32, #tpu.memory_space<hbm>> -> memref<128x128xf32, #tpu.memory_space<hbm>>
    tpu.wait_dma2 semaphore(%arg14 : memref<!tpu.dma_semaphore, #tpu.memory_space<semaphore_mem>>) src(%dma_wait3A_35 : memref<128x128xf32, #tpu.memory_space<hbm>>) dst(%arg9 : memref<128x128xf32, #tpu.memory_space<vmem>>)
    %dma_wait3A_36 = arith.constant 0 : i32
    %dma_wait3A_37 = arith.constant 0 : i32
    %dma_wait3A_38 = tpu.memref_slice %arg5[%dma_wait3A_36, %dma_wait3A_37] : memref<81920x128xf32, #tpu.memory_space<hbm>> -> memref<128x128xf32, #tpu.memory_space<hbm>>
    %dma_wait3A_39 = arith.constant 0 : i32
    %dma_wait3A_40 = arith.constant 0 : i32
    %dma_wait3A_41 = tpu.memref_slice %arg5[%dma_wait3A_39, %dma_wait3A_40] : memref<81920x128xf32, #tpu.memory_space<hbm>> -> memref<128x128xf32, #tpu.memory_space<hbm>>
    tpu.wait_dma2 semaphore(%arg14 : memref<!tpu.dma_semaphore, #tpu.memory_space<semaphore_mem>>) src(%dma_wait3A_41 : memref<128x128xf32, #tpu.memory_space<hbm>>) dst(%arg11 : memref<128x128xf32, #tpu.memory_space<vmem>>)
    %dma_wait3A_42 = arith.constant 0 : i32
    %dma_wait3A_43 = arith.constant 0 : i32
    %dma_wait3A_44 = tpu.memref_slice %arg5[%dma_wait3A_42, %dma_wait3A_43] : memref<81920x128xf32, #tpu.memory_space<hbm>> -> memref<128x128xf32, #tpu.memory_space<hbm>>
    %dma_wait3A_45 = arith.constant 0 : i32
    %dma_wait3A_46 = arith.constant 0 : i32
    %dma_wait3A_47 = tpu.memref_slice %arg5[%dma_wait3A_45, %dma_wait3A_46] : memref<81920x128xf32, #tpu.memory_space<hbm>> -> memref<128x128xf32, #tpu.memory_space<hbm>>
    tpu.wait_dma2 semaphore(%arg14 : memref<!tpu.dma_semaphore, #tpu.memory_space<semaphore_mem>>) src(%dma_wait3A_47 : memref<128x128xf32, #tpu.memory_space<hbm>>) dst(%arg10 : memref<128x128xf32, #tpu.memory_space<vmem>>)
    %dma_wait3A_48 = arith.constant 0 : i32
    %dma_wait3A_49 = arith.constant 0 : i32
    %dma_wait3A_50 = tpu.memref_slice %arg5[%dma_wait3A_48, %dma_wait3A_49] : memref<81920x128xf32, #tpu.memory_space<hbm>> -> memref<128x128xf32, #tpu.memory_space<hbm>>
    %dma_wait3A_51 = arith.constant 0 : i32
    %dma_wait3A_52 = arith.constant 0 : i32
    %dma_wait3A_53 = tpu.memref_slice %arg5[%dma_wait3A_51, %dma_wait3A_52] : memref<81920x128xf32, #tpu.memory_space<hbm>> -> memref<128x128xf32, #tpu.memory_space<hbm>>
    tpu.wait_dma2 semaphore(%arg14 : memref<!tpu.dma_semaphore, #tpu.memory_space<semaphore_mem>>) src(%dma_wait3A_53 : memref<128x128xf32, #tpu.memory_space<hbm>>) dst(%arg12 : memref<128x128xf32, #tpu.memory_space<vmem>>)
    return
  }
}

#map = affine_map<(d0, d1) -> (0, 0)>
module attributes {stable_mosaic.version = 14 : i64} {
  func.func @_gather_body(%arg0: i32, %arg1: i32, %arg2: memref<10000x128xf32, #tpu.memory_space<hbm>>, %arg3: memref<640x128xi32, #tpu.memory_space<hbm>>, %arg4: memref<640x128xi32, #tpu.memory_space<hbm>>, %arg5: memref<81920x128xf32, #tpu.memory_space<hbm>>, %arg6: memref<81920x128xf32, #tpu.memory_space<hbm>>, %arg7: memref<24x128xi32, #tpu.memory_space<vmem>>, %arg8: memref<24x128xi32, #tpu.memory_space<vmem>>, %arg9: memref<128x128xf32, #tpu.memory_space<vmem>>, %arg10: memref<128x128xf32, #tpu.memory_space<vmem>>, %arg11: memref<128x128xf32, #tpu.memory_space<vmem>>, %arg12: memref<128x128xf32, #tpu.memory_space<vmem>>, %arg13: memref<!tpu.dma_semaphore, #tpu.memory_space<semaphore_mem>>, %arg14: memref<!tpu.dma_semaphore, #tpu.memory_space<semaphore_mem>>) attributes {dimension_semantics = [#tpu.dimension_semantics<core_parallel>, #tpu.dimension_semantics<subcore_parallel>], iteration_bounds = array<i64: 2, 16>, scalar_prefetch = 0 : i64, scratch_operands = 8 : i64, tpu.core_type = #tpu.core_type<sc_vector_subcore>, window_params = [{transform_indices = #map}, {transform_indices = #map}, {transform_indices = #map}, {transform_indices = #map}, {transform_indices = #map}]} {
    %mul3A = arith.constant 2 : i32
    %mul3A_0 = arith.muli %arg1, %mul3A : i32
    %add3A = arith.addi %mul3A_0, %arg0 : i32
    %mul3A_1 = arith.constant 20 : i32
    %mul3A_2 = arith.muli %add3A, %mul3A_1 : i32
    %jit3A = arith.constant 8 : i32
    %div3A = arith.divsi %mul3A_2, %jit3A : i32
    %sign3A = arith.constant 0 : i32
    %sign3A_3 = arith.cmpi sgt, %mul3A_2, %sign3A : i32
    %sign3A_4 = arith.extui %sign3A_3 : i1 to i32
    %sign3A_5 = arith.constant 0 : i32
    %sign3A_6 = arith.cmpi slt, %mul3A_2, %sign3A_5 : i32
    %sign3A_7 = arith.extui %sign3A_6 : i1 to i32
    %sign3A_8 = arith.subi %sign3A_4, %sign3A_7 : i32
    %sign3A_9 = arith.constant 0 : i32
    %sign3A_10 = arith.cmpi sgt, %jit3A, %sign3A_9 : i32
    %sign3A_11 = arith.extui %sign3A_10 : i1 to i32
    %sign3A_12 = arith.constant 0 : i32
    %sign3A_13 = arith.cmpi slt, %jit3A, %sign3A_12 : i32
    %sign3A_14 = arith.extui %sign3A_13 : i1 to i32
    %sign3A_15 = arith.subi %sign3A_11, %sign3A_14 : i32
    %ne3A = arith.cmpi ne, %sign3A_8, %sign3A_15 : i32
    %rem3A = arith.remsi %mul3A_2, %jit3A : i32
    %ne3A_16 = arith.constant 0 : i32
    %ne3A_17 = arith.cmpi ne, %rem3A, %ne3A_16 : i32
    %and3A = arith.andi %ne3A, %ne3A_17 : i1
    %sub3A = arith.constant 1 : i32
    %sub3A_18 = arith.subi %div3A, %sub3A : i32
    %select_n3A = arith.select %and3A, %sub3A_18, %div3A : i32
    %mul3A_19 = arith.constant 8 : i32
    %mul3A_20 = arith.muli %select_n3A, %mul3A_19 : i32
    %multiple_of3A = tpu.assume_multiple %mul3A_20, 8 : i32
    %sub3A_21 = arith.subi %mul3A_2, %multiple_of3A : i32
    "tpu.region"() ({
      %run_scoped3A = tpu.sem_alloc : memref<!tpu.dma_semaphore, #tpu.memory_space<semaphore_mem>>
      %dma_start3A = arith.constant 0 : i32
      %dma_start3A_54 = tpu.memref_slice %arg3[%multiple_of3A, %dma_start3A] : memref<640x128xi32, #tpu.memory_space<hbm>> -> memref<24x128xi32, #tpu.memory_space<hbm>>
      %dma_start3A_55 = arith.constant 0 : i32
      %dma_start3A_56 = tpu.memref_slice %arg3[%multiple_of3A, %dma_start3A_55] : memref<640x128xi32, #tpu.memory_space<hbm>> -> memref<24x128xi32, #tpu.memory_space<hbm>>
      tpu.enqueue_dma source(%dma_start3A_56 : memref<24x128xi32, #tpu.memory_space<hbm>>) target(%arg7 : memref<24x128xi32, #tpu.memory_space<vmem>>) target_semaphore(%run_scoped3A : memref<!tpu.dma_semaphore, #tpu.memory_space<semaphore_mem>>)
      %dma_wait3A_57 = arith.constant 0 : i32
      %dma_wait3A_58 = tpu.memref_slice %arg3[%multiple_of3A, %dma_wait3A_57] : memref<640x128xi32, #tpu.memory_space<hbm>> -> memref<24x128xi32, #tpu.memory_space<hbm>>
      %dma_wait3A_59 = arith.constant 0 : i32
      %dma_wait3A_60 = tpu.memref_slice %arg3[%multiple_of3A, %dma_wait3A_59] : memref<640x128xi32, #tpu.memory_space<hbm>> -> memref<24x128xi32, #tpu.memory_space<hbm>>
      tpu.wait_dma2 semaphore(%run_scoped3A : memref<!tpu.dma_semaphore, #tpu.memory_space<semaphore_mem>>) src(%dma_wait3A_60 : memref<24x128xi32, #tpu.memory_space<hbm>>) dst(%arg7 : memref<24x128xi32, #tpu.memory_space<vmem>>)
      tpu.yield
    }) : () -> ()
    "tpu.region"() ({
      %run_scoped3A = tpu.sem_alloc : memref<!tpu.dma_semaphore, #tpu.memory_space<semaphore_mem>>
      %dma_start3A = arith.constant 0 : i32
      %dma_start3A_54 = tpu.memref_slice %arg4[%multiple_of3A, %dma_start3A] : memref<640x128xi32, #tpu.memory_space<hbm>> -> memref<24x128xi32, #tpu.memory_space<hbm>>
      %dma_start3A_55 = arith.constant 0 : i32
      %dma_start3A_56 = tpu.memref_slice %arg4[%multiple_of3A, %dma_start3A_55] : memref<640x128xi32, #tpu.memory_space<hbm>> -> memref<24x128xi32, #tpu.memory_space<hbm>>
      tpu.enqueue_dma source(%dma_start3A_56 : memref<24x128xi32, #tpu.memory_space<hbm>>) target(%arg8 : memref<24x128xi32, #tpu.memory_space<vmem>>) target_semaphore(%run_scoped3A : memref<!tpu.dma_semaphore, #tpu.memory_space<semaphore_mem>>)
      %dma_wait3A_57 = arith.constant 0 : i32
      %dma_wait3A_58 = tpu.memref_slice %arg4[%multiple_of3A, %dma_wait3A_57] : memref<640x128xi32, #tpu.memory_space<hbm>> -> memref<24x128xi32, #tpu.memory_space<hbm>>
      %dma_wait3A_59 = arith.constant 0 : i32
      %dma_wait3A_60 = tpu.memref_slice %arg4[%multiple_of3A, %dma_wait3A_59] : memref<640x128xi32, #tpu.memory_space<hbm>> -> memref<24x128xi32, #tpu.memory_space<hbm>>
      tpu.wait_dma2 semaphore(%run_scoped3A : memref<!tpu.dma_semaphore, #tpu.memory_space<semaphore_mem>>) src(%dma_wait3A_60 : memref<24x128xi32, #tpu.memory_space<hbm>>) dst(%arg8 : memref<24x128xi32, #tpu.memory_space<vmem>>)
      tpu.yield
    }) : () -> ()
    %mul3A_22 = arith.constant 20 : i32
    %mul3A_23 = arith.muli %add3A, %mul3A_22 : i32
    %mul3A_24 = arith.constant 128 : i32
    %mul3A_25 = arith.muli %mul3A_23, %mul3A_24 : i32
    %scan3A = arith.constant 0 : i32
    %scan3A_26 = arith.constant 0 : i32
    %scan3A_27 = arith.constant 10 : i32
    %scan3A_28 = arith.addi %scan3A_26, %scan3A_27 : i32
    %scan3A_29 = arith.constant 1 : i32
    scf.for %scan3A_54 = %scan3A_26 to %scan3A_28 step %scan3A_29  : i32 {
      %mul3A_55 = arith.constant 2 : i32
      %mul3A_56 = arith.muli %mul3A_55, %scan3A_54 : i32
      %mul3A_57 = arith.constant 2 : i32
      %mul3A_58 = arith.muli %mul3A_57, %scan3A_54 : i32
      %add3A_59 = arith.constant 1 : i32
      %add3A_60 = arith.addi %mul3A_58, %add3A_59 : i32
      %add3A_61 = arith.addi %sub3A_21, %mul3A_56 : i32
      %dma_start3A = arith.constant 0 : i32
      %dma_start3A_62 = tpu.memref_slice %arg7[%add3A_61, %dma_start3A] : memref<24x128xi32, #tpu.memory_space<vmem>> -> memref<1x128xi32, #tpu.memory_space<vmem>>
      %dma_start3A_63 = tpu.memref_squeeze %dma_start3A_62 : memref<1x128xi32, #tpu.memory_space<vmem>> -> memref<128xi32, #tpu.memory_space<vmem>>
      %dma_start3A_64 = arith.constant 0 : i32
      %dma_start3A_65 = arith.constant 0 : i32
      %dma_start3A_66 = tpu.memref_slice %arg2[%dma_start3A_64, %dma_start3A_65] : memref<10000x128xf32, #tpu.memory_space<hbm>> -> memref<10000x128xf32, #tpu.memory_space<hbm>>
      tpu.enqueue_indirect_dma source(%dma_start3A_66 : memref<10000x128xf32, #tpu.memory_space<hbm>>) target(%arg9 : memref<128x128xf32, #tpu.memory_space<vmem>>) offsets(%dma_start3A_63 : memref<128xi32, #tpu.memory_space<vmem>>) semaphore(%arg13 : memref<!tpu.dma_semaphore, #tpu.memory_space<semaphore_mem>>)
      %add3A_67 = arith.addi %sub3A_21, %mul3A_56 : i32
      %dma_start3A_68 = arith.constant 0 : i32
      %dma_start3A_69 = tpu.memref_slice %arg8[%add3A_67, %dma_start3A_68] : memref<24x128xi32, #tpu.memory_space<vmem>> -> memref<1x128xi32, #tpu.memory_space<vmem>>
      %dma_start3A_70 = tpu.memref_squeeze %dma_start3A_69 : memref<1x128xi32, #tpu.memory_space<vmem>> -> memref<128xi32, #tpu.memory_space<vmem>>
      %dma_start3A_71 = arith.constant 0 : i32
      %dma_start3A_72 = arith.constant 0 : i32
      %dma_start3A_73 = tpu.memref_slice %arg2[%dma_start3A_71, %dma_start3A_72] : memref<10000x128xf32, #tpu.memory_space<hbm>> -> memref<10000x128xf32, #tpu.memory_space<hbm>>
      tpu.enqueue_indirect_dma source(%dma_start3A_73 : memref<10000x128xf32, #tpu.memory_space<hbm>>) target(%arg11 : memref<128x128xf32, #tpu.memory_space<vmem>>) offsets(%dma_start3A_70 : memref<128xi32, #tpu.memory_space<vmem>>) semaphore(%arg13 : memref<!tpu.dma_semaphore, #tpu.memory_space<semaphore_mem>>)
      %add3A_74 = arith.addi %sub3A_21, %add3A_60 : i32
      %dma_start3A_75 = arith.constant 0 : i32
      %dma_start3A_76 = tpu.memref_slice %arg7[%add3A_74, %dma_start3A_75] : memref<24x128xi32, #tpu.memory_space<vmem>> -> memref<1x128xi32, #tpu.memory_space<vmem>>
      %dma_start3A_77 = tpu.memref_squeeze %dma_start3A_76 : memref<1x128xi32, #tpu.memory_space<vmem>> -> memref<128xi32, #tpu.memory_space<vmem>>
      %dma_start3A_78 = arith.constant 0 : i32
      %dma_start3A_79 = arith.constant 0 : i32
      %dma_start3A_80 = tpu.memref_slice %arg2[%dma_start3A_78, %dma_start3A_79] : memref<10000x128xf32, #tpu.memory_space<hbm>> -> memref<10000x128xf32, #tpu.memory_space<hbm>>
      tpu.enqueue_indirect_dma source(%dma_start3A_80 : memref<10000x128xf32, #tpu.memory_space<hbm>>) target(%arg10 : memref<128x128xf32, #tpu.memory_space<vmem>>) offsets(%dma_start3A_77 : memref<128xi32, #tpu.memory_space<vmem>>) semaphore(%arg13 : memref<!tpu.dma_semaphore, #tpu.memory_space<semaphore_mem>>)
      %add3A_81 = arith.addi %sub3A_21, %add3A_60 : i32
      %dma_start3A_82 = arith.constant 0 : i32
      %dma_start3A_83 = tpu.memref_slice %arg8[%add3A_81, %dma_start3A_82] : memref<24x128xi32, #tpu.memory_space<vmem>> -> memref<1x128xi32, #tpu.memory_space<vmem>>
      %dma_start3A_84 = tpu.memref_squeeze %dma_start3A_83 : memref<1x128xi32, #tpu.memory_space<vmem>> -> memref<128xi32, #tpu.memory_space<vmem>>
      %dma_start3A_85 = arith.constant 0 : i32
      %dma_start3A_86 = arith.constant 0 : i32
      %dma_start3A_87 = tpu.memref_slice %arg2[%dma_start3A_85, %dma_start3A_86] : memref<10000x128xf32, #tpu.memory_space<hbm>> -> memref<10000x128xf32, #tpu.memory_space<hbm>>
      tpu.enqueue_indirect_dma source(%dma_start3A_87 : memref<10000x128xf32, #tpu.memory_space<hbm>>) target(%arg12 : memref<128x128xf32, #tpu.memory_space<vmem>>) offsets(%dma_start3A_84 : memref<128xi32, #tpu.memory_space<vmem>>) semaphore(%arg13 : memref<!tpu.dma_semaphore, #tpu.memory_space<semaphore_mem>>)
      %gt3A = arith.constant 0 : i32
      %gt3A_88 = arith.cmpi sgt, %scan3A_54, %gt3A : i32
      %convert_element_type3A = arith.extui %gt3A_88 : i1 to i32
      %cond3A = arith.constant 0 : i32
      %cond3A_89 = arith.cmpi ne, %convert_element_type3A, %cond3A : i32
      scf.if %cond3A_89 {
        %dma_wait3A_142 = arith.constant 0 : i32
        %dma_wait3A_143 = arith.constant 0 : i32
        %dma_wait3A_144 = tpu.memref_slice %arg5[%dma_wait3A_142, %dma_wait3A_143] : memref<81920x128xf32, #tpu.memory_space<hbm>> -> memref<128x128xf32, #tpu.memory_space<hbm>>
        %dma_wait3A_145 = arith.constant 0 : i32
        %dma_wait3A_146 = arith.constant 0 : i32
        %dma_wait3A_147 = tpu.memref_slice %arg5[%dma_wait3A_145, %dma_wait3A_146] : memref<81920x128xf32, #tpu.memory_space<hbm>> -> memref<128x128xf32, #tpu.memory_space<hbm>>
        tpu.wait_dma2 semaphore(%arg14 : memref<!tpu.dma_semaphore, #tpu.memory_space<semaphore_mem>>) src(%dma_wait3A_147 : memref<128x128xf32, #tpu.memory_space<hbm>>) dst(%arg9 : memref<128x128xf32, #tpu.memory_space<vmem>>)
        %dma_wait3A_148 = arith.constant 0 : i32
        %dma_wait3A_149 = arith.constant 0 : i32
        %dma_wait3A_150 = tpu.memref_slice %arg5[%dma_wait3A_148, %dma_wait3A_149] : memref<81920x128xf32, #tpu.memory_space<hbm>> -> memref<128x128xf32, #tpu.memory_space<hbm>>
        %dma_wait3A_151 = arith.constant 0 : i32
        %dma_wait3A_152 = arith.constant 0 : i32
        %dma_wait3A_153 = tpu.memref_slice %arg5[%dma_wait3A_151, %dma_wait3A_152] : memref<81920x128xf32, #tpu.memory_space<hbm>> -> memref<128x128xf32, #tpu.memory_space<hbm>>
        tpu.wait_dma2 semaphore(%arg14 : memref<!tpu.dma_semaphore, #tpu.memory_space<semaphore_mem>>) src(%dma_wait3A_153 : memref<128x128xf32, #tpu.memory_space<hbm>>) dst(%arg11 : memref<128x128xf32, #tpu.memory_space<vmem>>)
        %dma_wait3A_154 = arith.constant 0 : i32
        %dma_wait3A_155 = arith.constant 0 : i32
        %dma_wait3A_156 = tpu.memref_slice %arg5[%dma_wait3A_154, %dma_wait3A_155] : memref<81920x128xf32, #tpu.memory_space<hbm>> -> memref<128x128xf32, #tpu.memory_space<hbm>>
        %dma_wait3A_157 = arith.constant 0 : i32
        %dma_wait3A_158 = arith.constant 0 : i32
        %dma_wait3A_159 = tpu.memref_slice %arg5[%dma_wait3A_157, %dma_wait3A_158] : memref<81920x128xf32, #tpu.memory_space<hbm>> -> memref<128x128xf32, #tpu.memory_space<hbm>>
        tpu.wait_dma2 semaphore(%arg14 : memref<!tpu.dma_semaphore, #tpu.memory_space<semaphore_mem>>) src(%dma_wait3A_159 : memref<128x128xf32, #tpu.memory_space<hbm>>) dst(%arg10 : memref<128x128xf32, #tpu.memory_space<vmem>>)
        %dma_wait3A_160 = arith.constant 0 : i32
        %dma_wait3A_161 = arith.constant 0 : i32
        %dma_wait3A_162 = tpu.memref_slice %arg5[%dma_wait3A_160, %dma_wait3A_161] : memref<81920x128xf32, #tpu.memory_space<hbm>> -> memref<128x128xf32, #tpu.memory_space<hbm>>
        %dma_wait3A_163 = arith.constant 0 : i32
        %dma_wait3A_164 = arith.constant 0 : i32
        %dma_wait3A_165 = tpu.memref_slice %arg5[%dma_wait3A_163, %dma_wait3A_164] : memref<81920x128xf32, #tpu.memory_space<hbm>> -> memref<128x128xf32, #tpu.memory_space<hbm>>
        tpu.wait_dma2 semaphore(%arg14 : memref<!tpu.dma_semaphore, #tpu.memory_space<semaphore_mem>>) src(%dma_wait3A_165 : memref<128x128xf32, #tpu.memory_space<hbm>>) dst(%arg12 : memref<128x128xf32, #tpu.memory_space<vmem>>)
      } else {
      }
      %dma_wait3A_90 = arith.constant 0 : i32
      %dma_wait3A_91 = tpu.memref_slice %arg7[%add3A_61, %dma_wait3A_90] : memref<24x128xi32, #tpu.memory_space<vmem>> -> memref<1x128xi32, #tpu.memory_space<vmem>>
      %dma_wait3A_92 = tpu.memref_squeeze %dma_wait3A_91 : memref<1x128xi32, #tpu.memory_space<vmem>> -> memref<128xi32, #tpu.memory_space<vmem>>
      %dma_wait3A_93 = arith.constant 0 : i32
      %dma_wait3A_94 = arith.constant 0 : i32
      %dma_wait3A_95 = tpu.memref_slice %arg2[%dma_wait3A_93, %dma_wait3A_94] : memref<10000x128xf32, #tpu.memory_space<hbm>> -> memref<10000x128xf32, #tpu.memory_space<hbm>>
      tpu.wait_indirect_dma semaphore(%arg13 : memref<!tpu.dma_semaphore, #tpu.memory_space<semaphore_mem>>) src(%dma_wait3A_95 : memref<10000x128xf32, #tpu.memory_space<hbm>>) dst(%arg9 : memref<128x128xf32, #tpu.memory_space<vmem>>)
      %mul3A_96 = arith.constant 128 : i32
      %mul3A_97 = arith.muli %mul3A_56, %mul3A_96 : i32
      %add3A_98 = arith.addi %mul3A_25, %mul3A_97 : i32
      %dma_start3A_99 = arith.constant 0 : i32
      %dma_start3A_100 = tpu.memref_slice %arg5[%add3A_98, %dma_start3A_99] : memref<81920x128xf32, #tpu.memory_space<hbm>> -> memref<128x128xf32, #tpu.memory_space<hbm>>
      %dma_start3A_101 = arith.constant 0 : i32
      %dma_start3A_102 = tpu.memref_slice %arg5[%add3A_98, %dma_start3A_101] : memref<81920x128xf32, #tpu.memory_space<hbm>> -> memref<128x128xf32, #tpu.memory_space<hbm>>
      tpu.enqueue_dma source(%arg9 : memref<128x128xf32, #tpu.memory_space<vmem>>) target(%dma_start3A_102 : memref<128x128xf32, #tpu.memory_space<hbm>>) target_semaphore(%arg14 : memref<!tpu.dma_semaphore, #tpu.memory_space<semaphore_mem>>)
      %dma_wait3A_103 = arith.constant 0 : i32
      %dma_wait3A_104 = tpu.memref_slice %arg8[%add3A_67, %dma_wait3A_103] : memref<24x128xi32, #tpu.memory_space<vmem>> -> memref<1x128xi32, #tpu.memory_space<vmem>>
      %dma_wait3A_105 = tpu.memref_squeeze %dma_wait3A_104 : memref<1x128xi32, #tpu.memory_space<vmem>> -> memref<128xi32, #tpu.memory_space<vmem>>
      %dma_wait3A_106 = arith.constant 0 : i32
      %dma_wait3A_107 = arith.constant 0 : i32
      %dma_wait3A_108 = tpu.memref_slice %arg2[%dma_wait3A_106, %dma_wait3A_107] : memref<10000x128xf32, #tpu.memory_space<hbm>> -> memref<10000x128xf32, #tpu.memory_space<hbm>>
      tpu.wait_indirect_dma semaphore(%arg13 : memref<!tpu.dma_semaphore, #tpu.memory_space<semaphore_mem>>) src(%dma_wait3A_108 : memref<10000x128xf32, #tpu.memory_space<hbm>>) dst(%arg11 : memref<128x128xf32, #tpu.memory_space<vmem>>)
      %mul3A_109 = arith.constant 128 : i32
      %mul3A_110 = arith.muli %mul3A_56, %mul3A_109 : i32
      %add3A_111 = arith.addi %mul3A_25, %mul3A_110 : i32
      %dma_start3A_112 = arith.constant 0 : i32
      %dma_start3A_113 = tpu.memref_slice %arg6[%add3A_111, %dma_start3A_112] : memref<81920x128xf32, #tpu.memory_space<hbm>> -> memref<128x128xf32, #tpu.memory_space<hbm>>
      %dma_start3A_114 = arith.constant 0 : i32
      %dma_start3A_115 = tpu.memref_slice %arg6[%add3A_111, %dma_start3A_114] : memref<81920x128xf32, #tpu.memory_space<hbm>> -> memref<128x128xf32, #tpu.memory_space<hbm>>
      tpu.enqueue_dma source(%arg11 : memref<128x128xf32, #tpu.memory_space<vmem>>) target(%dma_start3A_115 : memref<128x128xf32, #tpu.memory_space<hbm>>) target_semaphore(%arg14 : memref<!tpu.dma_semaphore, #tpu.memory_space<semaphore_mem>>)
      %dma_wait3A_116 = arith.constant 0 : i32
      %dma_wait3A_117 = tpu.memref_slice %arg7[%add3A_74, %dma_wait3A_116] : memref<24x128xi32, #tpu.memory_space<vmem>> -> memref<1x128xi32, #tpu.memory_space<vmem>>
      %dma_wait3A_118 = tpu.memref_squeeze %dma_wait3A_117 : memref<1x128xi32, #tpu.memory_space<vmem>> -> memref<128xi32, #tpu.memory_space<vmem>>
      %dma_wait3A_119 = arith.constant 0 : i32
      %dma_wait3A_120 = arith.constant 0 : i32
      %dma_wait3A_121 = tpu.memref_slice %arg2[%dma_wait3A_119, %dma_wait3A_120] : memref<10000x128xf32, #tpu.memory_space<hbm>> -> memref<10000x128xf32, #tpu.memory_space<hbm>>
      tpu.wait_indirect_dma semaphore(%arg13 : memref<!tpu.dma_semaphore, #tpu.memory_space<semaphore_mem>>) src(%dma_wait3A_121 : memref<10000x128xf32, #tpu.memory_space<hbm>>) dst(%arg10 : memref<128x128xf32, #tpu.memory_space<vmem>>)
      %mul3A_122 = arith.constant 128 : i32
      %mul3A_123 = arith.muli %add3A_60, %mul3A_122 : i32
      %add3A_124 = arith.addi %mul3A_25, %mul3A_123 : i32
      %dma_start3A_125 = arith.constant 0 : i32
      %dma_start3A_126 = tpu.memref_slice %arg5[%add3A_124, %dma_start3A_125] : memref<81920x128xf32, #tpu.memory_space<hbm>> -> memref<128x128xf32, #tpu.memory_space<hbm>>
      %dma_start3A_127 = arith.constant 0 : i32
      %dma_start3A_128 = tpu.memref_slice %arg5[%add3A_124, %dma_start3A_127] : memref<81920x128xf32, #tpu.memory_space<hbm>> -> memref<128x128xf32, #tpu.memory_space<hbm>>
      tpu.enqueue_dma source(%arg10 : memref<128x128xf32, #tpu.memory_space<vmem>>) target(%dma_start3A_128 : memref<128x128xf32, #tpu.memory_space<hbm>>) target_semaphore(%arg14 : memref<!tpu.dma_semaphore, #tpu.memory_space<semaphore_mem>>)
      %dma_wait3A_129 = arith.constant 0 : i32
      %dma_wait3A_130 = tpu.memref_slice %arg8[%add3A_81, %dma_wait3A_129] : memref<24x128xi32, #tpu.memory_space<vmem>> -> memref<1x128xi32, #tpu.memory_space<vmem>>
      %dma_wait3A_131 = tpu.memref_squeeze %dma_wait3A_130 : memref<1x128xi32, #tpu.memory_space<vmem>> -> memref<128xi32, #tpu.memory_space<vmem>>
      %dma_wait3A_132 = arith.constant 0 : i32
      %dma_wait3A_133 = arith.constant 0 : i32
      %dma_wait3A_134 = tpu.memref_slice %arg2[%dma_wait3A_132, %dma_wait3A_133] : memref<10000x128xf32, #tpu.memory_space<hbm>> -> memref<10000x128xf32, #tpu.memory_space<hbm>>
      tpu.wait_indirect_dma semaphore(%arg13 : memref<!tpu.dma_semaphore, #tpu.memory_space<semaphore_mem>>) src(%dma_wait3A_134 : memref<10000x128xf32, #tpu.memory_space<hbm>>) dst(%arg12 : memref<128x128xf32, #tpu.memory_space<vmem>>)
      %mul3A_135 = arith.constant 128 : i32
      %mul3A_136 = arith.muli %add3A_60, %mul3A_135 : i32
      %add3A_137 = arith.addi %mul3A_25, %mul3A_136 : i32
      %dma_start3A_138 = arith.constant 0 : i32
      %dma_start3A_139 = tpu.memref_slice %arg6[%add3A_137, %dma_start3A_138] : memref<81920x128xf32, #tpu.memory_space<hbm>> -> memref<128x128xf32, #tpu.memory_space<hbm>>
      %dma_start3A_140 = arith.constant 0 : i32
      %dma_start3A_141 = tpu.memref_slice %arg6[%add3A_137, %dma_start3A_140] : memref<81920x128xf32, #tpu.memory_space<hbm>> -> memref<128x128xf32, #tpu.memory_space<hbm>>
      tpu.enqueue_dma source(%arg12 : memref<128x128xf32, #tpu.memory_space<vmem>>) target(%dma_start3A_141 : memref<128x128xf32, #tpu.memory_space<hbm>>) target_semaphore(%arg14 : memref<!tpu.dma_semaphore, #tpu.memory_space<semaphore_mem>>)
    }
    %scan3A_30 = arith.constant 10 : i32
    %dma_wait3A = arith.constant 0 : i32
    %dma_wait3A_31 = arith.constant 0 : i32
    %dma_wait3A_32 = tpu.memref_slice %arg5[%dma_wait3A, %dma_wait3A_31] : memref<81920x128xf32, #tpu.memory_space<hbm>> -> memref<128x128xf32, #tpu.memory_space<hbm>>
    %dma_wait3A_33 = arith.constant 0 : i32
    %dma_wait3A_34 = arith.constant 0 : i32
    %dma_wait3A_35 = tpu.memref_slice %arg5[%dma_wait3A_33, %dma_wait3A_34] : memref<81920x128xf32, #tpu.memory_space<hbm>> -> memref<128x128xf32, #tpu.memory_space<hbm>>
    tpu.wait_dma2 semaphore(%arg14 : memref<!tpu.dma_semaphore, #tpu.memory_space<semaphore_mem>>) src(%dma_wait3A_35 : memref<128x128xf32, #tpu.memory_space<hbm>>) dst(%arg9 : memref<128x128xf32, #tpu.memory_space<vmem>>)
    %dma_wait3A_36 = arith.constant 0 : i32
    %dma_wait3A_37 = arith.constant 0 : i32
    %dma_wait3A_38 = tpu.memref_slice %arg5[%dma_wait3A_36, %dma_wait3A_37] : memref<81920x128xf32, #tpu.memory_space<hbm>> -> memref<128x128xf32, #tpu.memory_space<hbm>>
    %dma_wait3A_39 = arith.constant 0 : i32
    %dma_wait3A_40 = arith.constant 0 : i32
    %dma_wait3A_41 = tpu.memref_slice %arg5[%dma_wait3A_39, %dma_wait3A_40] : memref<81920x128xf32, #tpu.memory_space<hbm>> -> memref<128x128xf32, #tpu.memory_space<hbm>>
    tpu.wait_dma2 semaphore(%arg14 : memref<!tpu.dma_semaphore, #tpu.memory_space<semaphore_mem>>) src(%dma_wait3A_41 : memref<128x128xf32, #tpu.memory_space<hbm>>) dst(%arg11 : memref<128x128xf32, #tpu.memory_space<vmem>>)
    %dma_wait3A_42 = arith.constant 0 : i32
    %dma_wait3A_43 = arith.constant 0 : i32
    %dma_wait3A_44 = tpu.memref_slice %arg5[%dma_wait3A_42, %dma_wait3A_43] : memref<81920x128xf32, #tpu.memory_space<hbm>> -> memref<128x128xf32, #tpu.memory_space<hbm>>
    %dma_wait3A_45 = arith.constant 0 : i32
    %dma_wait3A_46 = arith.constant 0 : i32
    %dma_wait3A_47 = tpu.memref_slice %arg5[%dma_wait3A_45, %dma_wait3A_46] : memref<81920x128xf32, #tpu.memory_space<hbm>> -> memref<128x128xf32, #tpu.memory_space<hbm>>
    tpu.wait_dma2 semaphore(%arg14 : memref<!tpu.dma_semaphore, #tpu.memory_space<semaphore_mem>>) src(%dma_wait3A_47 : memref<128x128xf32, #tpu.memory_space<hbm>>) dst(%arg10 : memref<128x128xf32, #tpu.memory_space<vmem>>)
    %dma_wait3A_48 = arith.constant 0 : i32
    %dma_wait3A_49 = arith.constant 0 : i32
    %dma_wait3A_50 = tpu.memref_slice %arg5[%dma_wait3A_48, %dma_wait3A_49] : memref<81920x128xf32, #tpu.memory_space<hbm>> -> memref<128x128xf32, #tpu.memory_space<hbm>>
    %dma_wait3A_51 = arith.constant 0 : i32
    %dma_wait3A_52 = arith.constant 0 : i32
    %dma_wait3A_53 = tpu.memref_slice %arg5[%dma_wait3A_51, %dma_wait3A_52] : memref<81920x128xf32, #tpu.memory_space<hbm>> -> memref<128x128xf32, #tpu.memory_space<hbm>>
    tpu.wait_dma2 semaphore(%arg14 : memref<!tpu.dma_semaphore, #tpu.memory_space<semaphore_mem>>) src(%dma_wait3A_53 : memref<128x128xf32, #tpu.memory_space<hbm>>) dst(%arg12 : memref<128x128xf32, #tpu.memory_space<vmem>>)
    return
  }
}

#map = affine_map<(d0, d1) -> (0, 0)>
#map1 = affine_map<(d0, d1) -> (0, 0, 0)>
module attributes {stable_mosaic.version = 14 : i64} {
  func.func @_scatter_body(%arg0: i32, %arg1: i32, %arg2: memref<81920x128xf32, #tpu.memory_space<hbm>>, %arg3: memref<640x128xi32, #tpu.memory_space<hbm>>, %arg4: memref<10240x128xf32, #tpu.memory_space<hbm>>, %arg5: memref<2x10240x128xf32, #tpu.memory_space<hbm>>, %arg6: memref<24x128xi32, #tpu.memory_space<vmem>>, %arg7: memref<128x128xf32, #tpu.memory_space<vmem>>, %arg8: memref<128x128xf32, #tpu.memory_space<vmem>>, %arg9: memref<10240x128xf32, #tpu.memory_space<vmem_shared>>, %arg10: memref<!tpu.dma_semaphore, #tpu.memory_space<semaphore_mem>>) attributes {dimension_semantics = [#tpu.dimension_semantics<core_parallel>, #tpu.dimension_semantics<subcore_parallel>], iteration_bounds = array<i64: 2, 16>, scalar_prefetch = 0 : i64, scratch_operands = 5 : i64, tpu.core_type = #tpu.core_type<sc_vector_subcore>, window_params = [{transform_indices = #map}, {transform_indices = #map}, {transform_indices = #map}, {transform_indices = #map1}]} {
    %mul3A = arith.constant 2 : i32
    %mul3A_0 = arith.muli %arg1, %mul3A : i32
    %add3A = arith.addi %mul3A_0, %arg0 : i32
    %mul3A_1 = arith.constant 640 : i32
    %mul3A_2 = arith.muli %arg1, %mul3A_1 : i32
    %mul3A_3 = arith.constant 640 : i32
    %mul3A_4 = arith.muli %arg1, %mul3A_3 : i32
    "tpu.region"() ({
      %run_scoped3A = tpu.sem_alloc : memref<!tpu.dma_semaphore, #tpu.memory_space<semaphore_mem>>
      %dma_start3A = arith.constant 0 : i32
      %dma_start3A_40 = tpu.memref_slice %arg9[%mul3A_4, %dma_start3A] : memref<10240x128xf32, #tpu.memory_space<vmem_shared>> -> memref<640x128xf32, #tpu.memory_space<vmem_shared>>
      %dma_start3A_41 = arith.constant 0 : i32
      %dma_start3A_42 = tpu.memref_slice %arg4[%mul3A_2, %dma_start3A_41] : memref<10240x128xf32, #tpu.memory_space<hbm>> -> memref<640x128xf32, #tpu.memory_space<hbm>>
      tpu.enqueue_dma source(%dma_start3A_42 : memref<640x128xf32, #tpu.memory_space<hbm>>) target(%dma_start3A_40 : memref<640x128xf32, #tpu.memory_space<vmem_shared>>) target_semaphore(%run_scoped3A : memref<!tpu.dma_semaphore, #tpu.memory_space<semaphore_mem>>)
      %dma_wait3A = arith.constant 0 : i32
      %dma_wait3A_43 = tpu.memref_slice %arg9[%mul3A_4, %dma_wait3A] : memref<10240x128xf32, #tpu.memory_space<vmem_shared>> -> memref<640x128xf32, #tpu.memory_space<vmem_shared>>
      %dma_wait3A_44 = arith.constant 0 : i32
      %dma_wait3A_45 = tpu.memref_slice %arg4[%mul3A_2, %dma_wait3A_44] : memref<10240x128xf32, #tpu.memory_space<hbm>> -> memref<640x128xf32, #tpu.memory_space<hbm>>
      tpu.wait_dma2 semaphore(%run_scoped3A : memref<!tpu.dma_semaphore, #tpu.memory_space<semaphore_mem>>) src(%dma_wait3A_45 : memref<640x128xf32, #tpu.memory_space<hbm>>) dst(%dma_wait3A_43 : memref<640x128xf32, #tpu.memory_space<vmem_shared>>)
      tpu.yield
    }) : () -> ()
    %mul3A_5 = arith.constant 20 : i32
    %mul3A_6 = arith.muli %add3A, %mul3A_5 : i32
    %jit3A = arith.constant 8 : i32
    %div3A = arith.divsi %mul3A_6, %jit3A : i32
    %sign3A = arith.constant 0 : i32
    %sign3A_7 = arith.cmpi sgt, %mul3A_6, %sign3A : i32
    %sign3A_8 = arith.extui %sign3A_7 : i1 to i32
    %sign3A_9 = arith.constant 0 : i32
    %sign3A_10 = arith.cmpi slt, %mul3A_6, %sign3A_9 : i32
    %sign3A_11 = arith.extui %sign3A_10 : i1 to i32
    %sign3A_12 = arith.subi %sign3A_8, %sign3A_11 : i32
    %sign3A_13 = arith.constant 0 : i32
    %sign3A_14 = arith.cmpi sgt, %jit3A, %sign3A_13 : i32
    %sign3A_15 = arith.extui %sign3A_14 : i1 to i32
    %sign3A_16 = arith.constant 0 : i32
    %sign3A_17 = arith.cmpi slt, %jit3A, %sign3A_16 : i32
    %sign3A_18 = arith.extui %sign3A_17 : i1 to i32
    %sign3A_19 = arith.subi %sign3A_15, %sign3A_18 : i32
    %ne3A = arith.cmpi ne, %sign3A_12, %sign3A_19 : i32
    %rem3A = arith.remsi %mul3A_6, %jit3A : i32
    %ne3A_20 = arith.constant 0 : i32
    %ne3A_21 = arith.cmpi ne, %rem3A, %ne3A_20 : i32
    %and3A = arith.andi %ne3A, %ne3A_21 : i1
    %sub3A = arith.constant 1 : i32
    %sub3A_22 = arith.subi %div3A, %sub3A : i32
    %select_n3A = arith.select %and3A, %sub3A_22, %div3A : i32
    %mul3A_23 = arith.constant 8 : i32
    %mul3A_24 = arith.muli %select_n3A, %mul3A_23 : i32
    %multiple_of3A = tpu.assume_multiple %mul3A_24, 8 : i32
    %sub3A_25 = arith.subi %mul3A_6, %multiple_of3A : i32
    "tpu.region"() ({
      %run_scoped3A = tpu.sem_alloc : memref<!tpu.dma_semaphore, #tpu.memory_space<semaphore_mem>>
      %dma_start3A = arith.constant 0 : i32
      %dma_start3A_40 = tpu.memref_slice %arg3[%multiple_of3A, %dma_start3A] : memref<640x128xi32, #tpu.memory_space<hbm>> -> memref<24x128xi32, #tpu.memory_space<hbm>>
      %dma_start3A_41 = arith.constant 0 : i32
      %dma_start3A_42 = tpu.memref_slice %arg3[%multiple_of3A, %dma_start3A_41] : memref<640x128xi32, #tpu.memory_space<hbm>> -> memref<24x128xi32, #tpu.memory_space<hbm>>
      tpu.enqueue_dma source(%dma_start3A_42 : memref<24x128xi32, #tpu.memory_space<hbm>>) target(%arg6 : memref<24x128xi32, #tpu.memory_space<vmem>>) target_semaphore(%run_scoped3A : memref<!tpu.dma_semaphore, #tpu.memory_space<semaphore_mem>>)
      %dma_wait3A = arith.constant 0 : i32
      %dma_wait3A_43 = tpu.memref_slice %arg3[%multiple_of3A, %dma_wait3A] : memref<640x128xi32, #tpu.memory_space<hbm>> -> memref<24x128xi32, #tpu.memory_space<hbm>>
      %dma_wait3A_44 = arith.constant 0 : i32
      %dma_wait3A_45 = tpu.memref_slice %arg3[%multiple_of3A, %dma_wait3A_44] : memref<640x128xi32, #tpu.memory_space<hbm>> -> memref<24x128xi32, #tpu.memory_space<hbm>>
      tpu.wait_dma2 semaphore(%run_scoped3A : memref<!tpu.dma_semaphore, #tpu.memory_space<semaphore_mem>>) src(%dma_wait3A_45 : memref<24x128xi32, #tpu.memory_space<hbm>>) dst(%arg6 : memref<24x128xi32, #tpu.memory_space<vmem>>)
      tpu.yield
    }) : () -> ()
    %barrier3A = arith.constant 0 : index
    tpu.barrier barrier_id(%barrier3A)
    %mul3A_26 = arith.constant 20 : i32
    %mul3A_27 = arith.muli %add3A, %mul3A_26 : i32
    %mul3A_28 = arith.constant 128 : i32
    %mul3A_29 = arith.muli %mul3A_27, %mul3A_28 : i32
    %scan3A = arith.constant 0 : i32
    %scan3A_30 = arith.constant 0 : i32
    %scan3A_31 = arith.constant 10 : i32
    %scan3A_32 = arith.addi %scan3A_30, %scan3A_31 : i32
    %scan3A_33 = arith.constant 1 : i32
    scf.for %scan3A_40 = %scan3A_30 to %scan3A_32 step %scan3A_33  : i32 {
      %mul3A_41 = arith.constant 2 : i32
      %mul3A_42 = arith.muli %mul3A_41, %scan3A_40 : i32
      %mul3A_43 = arith.constant 2 : i32
      %mul3A_44 = arith.muli %mul3A_43, %scan3A_40 : i32
      %add3A_45 = arith.constant 1 : i32
      %add3A_46 = arith.addi %mul3A_44, %add3A_45 : i32
      %mul3A_47 = arith.constant 128 : i32
      %mul3A_48 = arith.muli %mul3A_42, %mul3A_47 : i32
      %add3A_49 = arith.addi %mul3A_29, %mul3A_48 : i32
      %dma_start3A = arith.constant 0 : i32
      %dma_start3A_50 = tpu.memref_slice %arg2[%add3A_49, %dma_start3A] : memref<81920x128xf32, #tpu.memory_space<hbm>> -> memref<128x128xf32, #tpu.memory_space<hbm>>
      %dma_start3A_51 = arith.constant 0 : i32
      %dma_start3A_52 = tpu.memref_slice %arg2[%add3A_49, %dma_start3A_51] : memref<81920x128xf32, #tpu.memory_space<hbm>> -> memref<128x128xf32, #tpu.memory_space<hbm>>
      tpu.enqueue_dma source(%dma_start3A_52 : memref<128x128xf32, #tpu.memory_space<hbm>>) target(%arg7 : memref<128x128xf32, #tpu.memory_space<vmem>>) target_semaphore(%arg10 : memref<!tpu.dma_semaphore, #tpu.memory_space<semaphore_mem>>)
      %mul3A_53 = arith.constant 128 : i32
      %mul3A_54 = arith.muli %add3A_46, %mul3A_53 : i32
      %add3A_55 = arith.addi %mul3A_29, %mul3A_54 : i32
      %dma_start3A_56 = arith.constant 0 : i32
      %dma_start3A_57 = tpu.memref_slice %arg2[%add3A_55, %dma_start3A_56] : memref<81920x128xf32, #tpu.memory_space<hbm>> -> memref<128x128xf32, #tpu.memory_space<hbm>>
      %dma_start3A_58 = arith.constant 0 : i32
      %dma_start3A_59 = tpu.memref_slice %arg2[%add3A_55, %dma_start3A_58] : memref<81920x128xf32, #tpu.memory_space<hbm>> -> memref<128x128xf32, #tpu.memory_space<hbm>>
      tpu.enqueue_dma source(%dma_start3A_59 : memref<128x128xf32, #tpu.memory_space<hbm>>) target(%arg8 : memref<128x128xf32, #tpu.memory_space<vmem>>) target_semaphore(%arg10 : memref<!tpu.dma_semaphore, #tpu.memory_space<semaphore_mem>>)
      %dma_wait3A = arith.constant 0 : i32
      %dma_wait3A_60 = tpu.memref_slice %arg2[%add3A_49, %dma_wait3A] : memref<81920x128xf32, #tpu.memory_space<hbm>> -> memref<128x128xf32, #tpu.memory_space<hbm>>
      %dma_wait3A_61 = arith.constant 0 : i32
      %dma_wait3A_62 = tpu.memref_slice %arg2[%add3A_49, %dma_wait3A_61] : memref<81920x128xf32, #tpu.memory_space<hbm>> -> memref<128x128xf32, #tpu.memory_space<hbm>>
      tpu.wait_dma2 semaphore(%arg10 : memref<!tpu.dma_semaphore, #tpu.memory_space<semaphore_mem>>) src(%dma_wait3A_62 : memref<128x128xf32, #tpu.memory_space<hbm>>) dst(%arg7 : memref<128x128xf32, #tpu.memory_space<vmem>>)
      %add3A_63 = arith.addi %sub3A_25, %mul3A_42 : i32
      "tpu.region"() ({
        %run_scoped3A = tpu.sem_alloc : memref<!tpu.dma_semaphore, #tpu.memory_space<semaphore_mem>>
        %dma_start3A_69 = arith.constant 0 : i32
        %dma_start3A_70 = tpu.memref_slice %arg6[%add3A_63, %dma_start3A_69] : memref<24x128xi32, #tpu.memory_space<vmem>> -> memref<1x128xi32, #tpu.memory_space<vmem>>
        %dma_start3A_71 = tpu.memref_squeeze %dma_start3A_70 : memref<1x128xi32, #tpu.memory_space<vmem>> -> memref<128xi32, #tpu.memory_space<vmem>>
        %dma_start3A_72 = arith.constant 0 : i32
        %dma_start3A_73 = arith.constant 0 : i32
        %dma_start3A_74 = tpu.memref_slice %arg9[%dma_start3A_72, %dma_start3A_73] : memref<10240x128xf32, #tpu.memory_space<vmem_shared>> -> memref<10240x128xf32, #tpu.memory_space<vmem_shared>>
        tpu.enqueue_indirect_dma source(%arg7 : memref<128x128xf32, #tpu.memory_space<vmem>>) target(%dma_start3A_74 : memref<10240x128xf32, #tpu.memory_space<vmem_shared>>) offsets(%dma_start3A_71 : memref<128xi32, #tpu.memory_space<vmem>>) semaphore(%run_scoped3A : memref<!tpu.dma_semaphore, #tpu.memory_space<semaphore_mem>>) {add = true}
        %dma_wait3A_75 = arith.constant 0 : i32
        %dma_wait3A_76 = tpu.memref_slice %arg6[%add3A_63, %dma_wait3A_75] : memref<24x128xi32, #tpu.memory_space<vmem>> -> memref<1x128xi32, #tpu.memory_space<vmem>>
        %dma_wait3A_77 = tpu.memref_squeeze %dma_wait3A_76 : memref<1x128xi32, #tpu.memory_space<vmem>> -> memref<128xi32, #tpu.memory_space<vmem>>
        %dma_wait3A_78 = arith.constant 0 : i32
        %dma_wait3A_79 = arith.constant 0 : i32
        %dma_wait3A_80 = tpu.memref_slice %arg9[%dma_wait3A_78, %dma_wait3A_79] : memref<10240x128xf32, #tpu.memory_space<vmem_shared>> -> memref<10240x128xf32, #tpu.memory_space<vmem_shared>>
        tpu.wait_indirect_dma semaphore(%run_scoped3A : memref<!tpu.dma_semaphore, #tpu.memory_space<semaphore_mem>>) src(%arg7 : memref<128x128xf32, #tpu.memory_space<vmem>>) dst(%dma_wait3A_80 : memref<10240x128xf32, #tpu.memory_space<vmem_shared>>)
        tpu.yield
      }) : () -> ()
      %dma_wait3A_64 = arith.constant 0 : i32
      %dma_wait3A_65 = tpu.memref_slice %arg2[%add3A_55, %dma_wait3A_64] : memref<81920x128xf32, #tpu.memory_space<hbm>> -> memref<128x128xf32, #tpu.memory_space<hbm>>
      %dma_wait3A_66 = arith.constant 0 : i32
      %dma_wait3A_67 = tpu.memref_slice %arg2[%add3A_55, %dma_wait3A_66] : memref<81920x128xf32, #tpu.memory_space<hbm>> -> memref<128x128xf32, #tpu.memory_space<hbm>>
      tpu.wait_dma2 semaphore(%arg10 : memref<!tpu.dma_semaphore, #tpu.memory_space<semaphore_mem>>) src(%dma_wait3A_67 : memref<128x128xf32, #tpu.memory_space<hbm>>) dst(%arg8 : memref<128x128xf32, #tpu.memory_space<vmem>>)
      %add3A_68 = arith.addi %sub3A_25, %add3A_46 : i32
      "tpu.region"() ({
        %run_scoped3A = tpu.sem_alloc : memref<!tpu.dma_semaphore, #tpu.memory_space<semaphore_mem>>
        %dma_start3A_69 = arith.constant 0 : i32
        %dma_start3A_70 = tpu.memref_slice %arg6[%add3A_68, %dma_start3A_69] : memref<24x128xi32, #tpu.memory_space<vmem>> -> memref<1x128xi32, #tpu.memory_space<vmem>>
        %dma_start3A_71 = tpu.memref_squeeze %dma_start3A_70 : memref<1x128xi32, #tpu.memory_space<vmem>> -> memref<128xi32, #tpu.memory_space<vmem>>
        %dma_start3A_72 = arith.constant 0 : i32
        %dma_start3A_73 = arith.constant 0 : i32
        %dma_start3A_74 = tpu.memref_slice %arg9[%dma_start3A_72, %dma_start3A_73] : memref<10240x128xf32, #tpu.memory_space<vmem_shared>> -> memref<10240x128xf32, #tpu.memory_space<vmem_shared>>
        tpu.enqueue_indirect_dma source(%arg8 : memref<128x128xf32, #tpu.memory_space<vmem>>) target(%dma_start3A_74 : memref<10240x128xf32, #tpu.memory_space<vmem_shared>>) offsets(%dma_start3A_71 : memref<128xi32, #tpu.memory_space<vmem>>) semaphore(%run_scoped3A : memref<!tpu.dma_semaphore, #tpu.memory_space<semaphore_mem>>) {add = true}
        %dma_wait3A_75 = arith.constant 0 : i32
        %dma_wait3A_76 = tpu.memref_slice %arg6[%add3A_68, %dma_wait3A_75] : memref<24x128xi32, #tpu.memory_space<vmem>> -> memref<1x128xi32, #tpu.memory_space<vmem>>
        %dma_wait3A_77 = tpu.memref_squeeze %dma_wait3A_76 : memref<1x128xi32, #tpu.memory_space<vmem>> -> memref<128xi32, #tpu.memory_space<vmem>>
        %dma_wait3A_78 = arith.constant 0 : i32
        %dma_wait3A_79 = arith.constant 0 : i32
        %dma_wait3A_80 = tpu.memref_slice %arg9[%dma_wait3A_78, %dma_wait3A_79] : memref<10240x128xf32, #tpu.memory_space<vmem_shared>> -> memref<10240x128xf32, #tpu.memory_space<vmem_shared>>
        tpu.wait_indirect_dma semaphore(%run_scoped3A : memref<!tpu.dma_semaphore, #tpu.memory_space<semaphore_mem>>) src(%arg8 : memref<128x128xf32, #tpu.memory_space<vmem>>) dst(%dma_wait3A_80 : memref<10240x128xf32, #tpu.memory_space<vmem_shared>>)
        tpu.yield
      }) : () -> ()
    }
    %scan3A_34 = arith.constant 10 : i32
    %barrier3A_35 = arith.constant 0 : index
    tpu.barrier barrier_id(%barrier3A_35)
    %mul3A_36 = arith.constant 640 : i32
    %mul3A_37 = arith.muli %arg1, %mul3A_36 : i32
    %mul3A_38 = arith.constant 640 : i32
    %mul3A_39 = arith.muli %arg1, %mul3A_38 : i32
    "tpu.region"() ({
      %run_scoped3A = tpu.sem_alloc : memref<!tpu.dma_semaphore, #tpu.memory_space<semaphore_mem>>
      %dma_start3A = arith.constant 0 : i32
      %dma_start3A_40 = tpu.memref_slice %arg5[%arg0, %mul3A_39, %dma_start3A] : memref<2x10240x128xf32, #tpu.memory_space<hbm>> -> memref<1x640x128xf32, #tpu.memory_space<hbm>>
      %dma_start3A_41 = tpu.memref_squeeze %dma_start3A_40 : memref<1x640x128xf32, #tpu.memory_space<hbm>> -> memref<640x128xf32, #tpu.memory_space<hbm>>
      %dma_start3A_42 = arith.constant 0 : i32
      %dma_start3A_43 = tpu.memref_slice %arg9[%mul3A_37, %dma_start3A_42] : memref<10240x128xf32, #tpu.memory_space<vmem_shared>> -> memref<640x128xf32, #tpu.memory_space<vmem_shared>>
      tpu.enqueue_dma source(%dma_start3A_43 : memref<640x128xf32, #tpu.memory_space<vmem_shared>>) target(%dma_start3A_41 : memref<640x128xf32, #tpu.memory_space<hbm>>) target_semaphore(%run_scoped3A : memref<!tpu.dma_semaphore, #tpu.memory_space<semaphore_mem>>)
      %dma_wait3A = arith.constant 0 : i32
      %dma_wait3A_44 = tpu.memref_slice %arg5[%arg0, %mul3A_39, %dma_wait3A] : memref<2x10240x128xf32, #tpu.memory_space<hbm>> -> memref<1x640x128xf32, #tpu.memory_space<hbm>>
      %dma_wait3A_45 = tpu.memref_squeeze %dma_wait3A_44 : memref<1x640x128xf32, #tpu.memory_space<hbm>> -> memref<640x128xf32, #tpu.memory_space<hbm>>
      %dma_wait3A_46 = arith.constant 0 : i32
      %dma_wait3A_47 = tpu.memref_slice %arg9[%mul3A_37, %dma_wait3A_46] : memref<10240x128xf32, #tpu.memory_space<vmem_shared>> -> memref<640x128xf32, #tpu.memory_space<vmem_shared>>
      tpu.wait_dma2 semaphore(%run_scoped3A : memref<!tpu.dma_semaphore, #tpu.memory_space<semaphore_mem>>) src(%dma_wait3A_47 : memref<640x128xf32, #tpu.memory_space<vmem_shared>>) dst(%dma_wait3A_45 : memref<640x128xf32, #tpu.memory_space<hbm>>)
      tpu.yield
    }) : () -> ()
    return
  }
}

#map = affine_map<(d0, d1) -> (0, 0)>
#map1 = affine_map<(d0, d1) -> (0, 0, 0)>
module attributes {stable_mosaic.version = 14 : i64} {
  func.func @_scatter_body(%arg0: i32, %arg1: i32, %arg2: memref<81920x128xf32, #tpu.memory_space<hbm>>, %arg3: memref<640x128xi32, #tpu.memory_space<hbm>>, %arg4: memref<10240x128xf32, #tpu.memory_space<hbm>>, %arg5: memref<2x10240x128xf32, #tpu.memory_space<hbm>>, %arg6: memref<24x128xi32, #tpu.memory_space<vmem>>, %arg7: memref<128x128xf32, #tpu.memory_space<vmem>>, %arg8: memref<128x128xf32, #tpu.memory_space<vmem>>, %arg9: memref<10240x128xf32, #tpu.memory_space<vmem_shared>>, %arg10: memref<!tpu.dma_semaphore, #tpu.memory_space<semaphore_mem>>) attributes {dimension_semantics = [#tpu.dimension_semantics<core_parallel>, #tpu.dimension_semantics<subcore_parallel>], iteration_bounds = array<i64: 2, 16>, scalar_prefetch = 0 : i64, scratch_operands = 5 : i64, tpu.core_type = #tpu.core_type<sc_vector_subcore>, window_params = [{transform_indices = #map}, {transform_indices = #map}, {transform_indices = #map}, {transform_indices = #map1}]} {
    %mul3A = arith.constant 2 : i32
    %mul3A_0 = arith.muli %arg1, %mul3A : i32
    %add3A = arith.addi %mul3A_0, %arg0 : i32
    %mul3A_1 = arith.constant 640 : i32
    %mul3A_2 = arith.muli %arg1, %mul3A_1 : i32
    %mul3A_3 = arith.constant 640 : i32
    %mul3A_4 = arith.muli %arg1, %mul3A_3 : i32
    "tpu.region"() ({
      %run_scoped3A = tpu.sem_alloc : memref<!tpu.dma_semaphore, #tpu.memory_space<semaphore_mem>>
      %dma_start3A = arith.constant 0 : i32
      %dma_start3A_40 = tpu.memref_slice %arg9[%mul3A_4, %dma_start3A] : memref<10240x128xf32, #tpu.memory_space<vmem_shared>> -> memref<640x128xf32, #tpu.memory_space<vmem_shared>>
      %dma_start3A_41 = arith.constant 0 : i32
      %dma_start3A_42 = tpu.memref_slice %arg4[%mul3A_2, %dma_start3A_41] : memref<10240x128xf32, #tpu.memory_space<hbm>> -> memref<640x128xf32, #tpu.memory_space<hbm>>
      tpu.enqueue_dma source(%dma_start3A_42 : memref<640x128xf32, #tpu.memory_space<hbm>>) target(%dma_start3A_40 : memref<640x128xf32, #tpu.memory_space<vmem_shared>>) target_semaphore(%run_scoped3A : memref<!tpu.dma_semaphore, #tpu.memory_space<semaphore_mem>>)
      %dma_wait3A = arith.constant 0 : i32
      %dma_wait3A_43 = tpu.memref_slice %arg9[%mul3A_4, %dma_wait3A] : memref<10240x128xf32, #tpu.memory_space<vmem_shared>> -> memref<640x128xf32, #tpu.memory_space<vmem_shared>>
      %dma_wait3A_44 = arith.constant 0 : i32
      %dma_wait3A_45 = tpu.memref_slice %arg4[%mul3A_2, %dma_wait3A_44] : memref<10240x128xf32, #tpu.memory_space<hbm>> -> memref<640x128xf32, #tpu.memory_space<hbm>>
      tpu.wait_dma2 semaphore(%run_scoped3A : memref<!tpu.dma_semaphore, #tpu.memory_space<semaphore_mem>>) src(%dma_wait3A_45 : memref<640x128xf32, #tpu.memory_space<hbm>>) dst(%dma_wait3A_43 : memref<640x128xf32, #tpu.memory_space<vmem_shared>>)
      tpu.yield
    }) : () -> ()
    %mul3A_5 = arith.constant 20 : i32
    %mul3A_6 = arith.muli %add3A, %mul3A_5 : i32
    %jit3A = arith.constant 8 : i32
    %div3A = arith.divsi %mul3A_6, %jit3A : i32
    %sign3A = arith.constant 0 : i32
    %sign3A_7 = arith.cmpi sgt, %mul3A_6, %sign3A : i32
    %sign3A_8 = arith.extui %sign3A_7 : i1 to i32
    %sign3A_9 = arith.constant 0 : i32
    %sign3A_10 = arith.cmpi slt, %mul3A_6, %sign3A_9 : i32
    %sign3A_11 = arith.extui %sign3A_10 : i1 to i32
    %sign3A_12 = arith.subi %sign3A_8, %sign3A_11 : i32
    %sign3A_13 = arith.constant 0 : i32
    %sign3A_14 = arith.cmpi sgt, %jit3A, %sign3A_13 : i32
    %sign3A_15 = arith.extui %sign3A_14 : i1 to i32
    %sign3A_16 = arith.constant 0 : i32
    %sign3A_17 = arith.cmpi slt, %jit3A, %sign3A_16 : i32
    %sign3A_18 = arith.extui %sign3A_17 : i1 to i32
    %sign3A_19 = arith.subi %sign3A_15, %sign3A_18 : i32
    %ne3A = arith.cmpi ne, %sign3A_12, %sign3A_19 : i32
    %rem3A = arith.remsi %mul3A_6, %jit3A : i32
    %ne3A_20 = arith.constant 0 : i32
    %ne3A_21 = arith.cmpi ne, %rem3A, %ne3A_20 : i32
    %and3A = arith.andi %ne3A, %ne3A_21 : i1
    %sub3A = arith.constant 1 : i32
    %sub3A_22 = arith.subi %div3A, %sub3A : i32
    %select_n3A = arith.select %and3A, %sub3A_22, %div3A : i32
    %mul3A_23 = arith.constant 8 : i32
    %mul3A_24 = arith.muli %select_n3A, %mul3A_23 : i32
    %multiple_of3A = tpu.assume_multiple %mul3A_24, 8 : i32
    %sub3A_25 = arith.subi %mul3A_6, %multiple_of3A : i32
    "tpu.region"() ({
      %run_scoped3A = tpu.sem_alloc : memref<!tpu.dma_semaphore, #tpu.memory_space<semaphore_mem>>
      %dma_start3A = arith.constant 0 : i32
      %dma_start3A_40 = tpu.memref_slice %arg3[%multiple_of3A, %dma_start3A] : memref<640x128xi32, #tpu.memory_space<hbm>> -> memref<24x128xi32, #tpu.memory_space<hbm>>
      %dma_start3A_41 = arith.constant 0 : i32
      %dma_start3A_42 = tpu.memref_slice %arg3[%multiple_of3A, %dma_start3A_41] : memref<640x128xi32, #tpu.memory_space<hbm>> -> memref<24x128xi32, #tpu.memory_space<hbm>>
      tpu.enqueue_dma source(%dma_start3A_42 : memref<24x128xi32, #tpu.memory_space<hbm>>) target(%arg6 : memref<24x128xi32, #tpu.memory_space<vmem>>) target_semaphore(%run_scoped3A : memref<!tpu.dma_semaphore, #tpu.memory_space<semaphore_mem>>)
      %dma_wait3A = arith.constant 0 : i32
      %dma_wait3A_43 = tpu.memref_slice %arg3[%multiple_of3A, %dma_wait3A] : memref<640x128xi32, #tpu.memory_space<hbm>> -> memref<24x128xi32, #tpu.memory_space<hbm>>
      %dma_wait3A_44 = arith.constant 0 : i32
      %dma_wait3A_45 = tpu.memref_slice %arg3[%multiple_of3A, %dma_wait3A_44] : memref<640x128xi32, #tpu.memory_space<hbm>> -> memref<24x128xi32, #tpu.memory_space<hbm>>
      tpu.wait_dma2 semaphore(%run_scoped3A : memref<!tpu.dma_semaphore, #tpu.memory_space<semaphore_mem>>) src(%dma_wait3A_45 : memref<24x128xi32, #tpu.memory_space<hbm>>) dst(%arg6 : memref<24x128xi32, #tpu.memory_space<vmem>>)
      tpu.yield
    }) : () -> ()
    %barrier3A = arith.constant 0 : index
    tpu.barrier barrier_id(%barrier3A)
    %mul3A_26 = arith.constant 20 : i32
    %mul3A_27 = arith.muli %add3A, %mul3A_26 : i32
    %mul3A_28 = arith.constant 128 : i32
    %mul3A_29 = arith.muli %mul3A_27, %mul3A_28 : i32
    %scan3A = arith.constant 0 : i32
    %scan3A_30 = arith.constant 0 : i32
    %scan3A_31 = arith.constant 10 : i32
    %scan3A_32 = arith.addi %scan3A_30, %scan3A_31 : i32
    %scan3A_33 = arith.constant 1 : i32
    scf.for %scan3A_40 = %scan3A_30 to %scan3A_32 step %scan3A_33  : i32 {
      %mul3A_41 = arith.constant 2 : i32
      %mul3A_42 = arith.muli %mul3A_41, %scan3A_40 : i32
      %mul3A_43 = arith.constant 2 : i32
      %mul3A_44 = arith.muli %mul3A_43, %scan3A_40 : i32
      %add3A_45 = arith.constant 1 : i32
      %add3A_46 = arith.addi %mul3A_44, %add3A_45 : i32
      %mul3A_47 = arith.constant 128 : i32
      %mul3A_48 = arith.muli %mul3A_42, %mul3A_47 : i32
      %add3A_49 = arith.addi %mul3A_29, %mul3A_48 : i32
      %dma_start3A = arith.constant 0 : i32
      %dma_start3A_50 = tpu.memref_slice %arg2[%add3A_49, %dma_start3A] : memref<81920x128xf32, #tpu.memory_space<hbm>> -> memref<128x128xf32, #tpu.memory_space<hbm>>
      %dma_start3A_51 = arith.constant 0 : i32
      %dma_start3A_52 = tpu.memref_slice %arg2[%add3A_49, %dma_start3A_51] : memref<81920x128xf32, #tpu.memory_space<hbm>> -> memref<128x128xf32, #tpu.memory_space<hbm>>
      tpu.enqueue_dma source(%dma_start3A_52 : memref<128x128xf32, #tpu.memory_space<hbm>>) target(%arg7 : memref<128x128xf32, #tpu.memory_space<vmem>>) target_semaphore(%arg10 : memref<!tpu.dma_semaphore, #tpu.memory_space<semaphore_mem>>)
      %mul3A_53 = arith.constant 128 : i32
      %mul3A_54 = arith.muli %add3A_46, %mul3A_53 : i32
      %add3A_55 = arith.addi %mul3A_29, %mul3A_54 : i32
      %dma_start3A_56 = arith.constant 0 : i32
      %dma_start3A_57 = tpu.memref_slice %arg2[%add3A_55, %dma_start3A_56] : memref<81920x128xf32, #tpu.memory_space<hbm>> -> memref<128x128xf32, #tpu.memory_space<hbm>>
      %dma_start3A_58 = arith.constant 0 : i32
      %dma_start3A_59 = tpu.memref_slice %arg2[%add3A_55, %dma_start3A_58] : memref<81920x128xf32, #tpu.memory_space<hbm>> -> memref<128x128xf32, #tpu.memory_space<hbm>>
      tpu.enqueue_dma source(%dma_start3A_59 : memref<128x128xf32, #tpu.memory_space<hbm>>) target(%arg8 : memref<128x128xf32, #tpu.memory_space<vmem>>) target_semaphore(%arg10 : memref<!tpu.dma_semaphore, #tpu.memory_space<semaphore_mem>>)
      %dma_wait3A = arith.constant 0 : i32
      %dma_wait3A_60 = tpu.memref_slice %arg2[%add3A_49, %dma_wait3A] : memref<81920x128xf32, #tpu.memory_space<hbm>> -> memref<128x128xf32, #tpu.memory_space<hbm>>
      %dma_wait3A_61 = arith.constant 0 : i32
      %dma_wait3A_62 = tpu.memref_slice %arg2[%add3A_49, %dma_wait3A_61] : memref<81920x128xf32, #tpu.memory_space<hbm>> -> memref<128x128xf32, #tpu.memory_space<hbm>>
      tpu.wait_dma2 semaphore(%arg10 : memref<!tpu.dma_semaphore, #tpu.memory_space<semaphore_mem>>) src(%dma_wait3A_62 : memref<128x128xf32, #tpu.memory_space<hbm>>) dst(%arg7 : memref<128x128xf32, #tpu.memory_space<vmem>>)
      %add3A_63 = arith.addi %sub3A_25, %mul3A_42 : i32
      "tpu.region"() ({
        %run_scoped3A = tpu.sem_alloc : memref<!tpu.dma_semaphore, #tpu.memory_space<semaphore_mem>>
        %dma_start3A_69 = arith.constant 0 : i32
        %dma_start3A_70 = tpu.memref_slice %arg6[%add3A_63, %dma_start3A_69] : memref<24x128xi32, #tpu.memory_space<vmem>> -> memref<1x128xi32, #tpu.memory_space<vmem>>
        %dma_start3A_71 = tpu.memref_squeeze %dma_start3A_70 : memref<1x128xi32, #tpu.memory_space<vmem>> -> memref<128xi32, #tpu.memory_space<vmem>>
        %dma_start3A_72 = arith.constant 0 : i32
        %dma_start3A_73 = arith.constant 0 : i32
        %dma_start3A_74 = tpu.memref_slice %arg9[%dma_start3A_72, %dma_start3A_73] : memref<10240x128xf32, #tpu.memory_space<vmem_shared>> -> memref<10240x128xf32, #tpu.memory_space<vmem_shared>>
        tpu.enqueue_indirect_dma source(%arg7 : memref<128x128xf32, #tpu.memory_space<vmem>>) target(%dma_start3A_74 : memref<10240x128xf32, #tpu.memory_space<vmem_shared>>) offsets(%dma_start3A_71 : memref<128xi32, #tpu.memory_space<vmem>>) semaphore(%run_scoped3A : memref<!tpu.dma_semaphore, #tpu.memory_space<semaphore_mem>>) {add = true}
        %dma_wait3A_75 = arith.constant 0 : i32
        %dma_wait3A_76 = tpu.memref_slice %arg6[%add3A_63, %dma_wait3A_75] : memref<24x128xi32, #tpu.memory_space<vmem>> -> memref<1x128xi32, #tpu.memory_space<vmem>>
        %dma_wait3A_77 = tpu.memref_squeeze %dma_wait3A_76 : memref<1x128xi32, #tpu.memory_space<vmem>> -> memref<128xi32, #tpu.memory_space<vmem>>
        %dma_wait3A_78 = arith.constant 0 : i32
        %dma_wait3A_79 = arith.constant 0 : i32
        %dma_wait3A_80 = tpu.memref_slice %arg9[%dma_wait3A_78, %dma_wait3A_79] : memref<10240x128xf32, #tpu.memory_space<vmem_shared>> -> memref<10240x128xf32, #tpu.memory_space<vmem_shared>>
        tpu.wait_indirect_dma semaphore(%run_scoped3A : memref<!tpu.dma_semaphore, #tpu.memory_space<semaphore_mem>>) src(%arg7 : memref<128x128xf32, #tpu.memory_space<vmem>>) dst(%dma_wait3A_80 : memref<10240x128xf32, #tpu.memory_space<vmem_shared>>)
        tpu.yield
      }) : () -> ()
      %dma_wait3A_64 = arith.constant 0 : i32
      %dma_wait3A_65 = tpu.memref_slice %arg2[%add3A_55, %dma_wait3A_64] : memref<81920x128xf32, #tpu.memory_space<hbm>> -> memref<128x128xf32, #tpu.memory_space<hbm>>
      %dma_wait3A_66 = arith.constant 0 : i32
      %dma_wait3A_67 = tpu.memref_slice %arg2[%add3A_55, %dma_wait3A_66] : memref<81920x128xf32, #tpu.memory_space<hbm>> -> memref<128x128xf32, #tpu.memory_space<hbm>>
      tpu.wait_dma2 semaphore(%arg10 : memref<!tpu.dma_semaphore, #tpu.memory_space<semaphore_mem>>) src(%dma_wait3A_67 : memref<128x128xf32, #tpu.memory_space<hbm>>) dst(%arg8 : memref<128x128xf32, #tpu.memory_space<vmem>>)
      %add3A_68 = arith.addi %sub3A_25, %add3A_46 : i32
      "tpu.region"() ({
        %run_scoped3A = tpu.sem_alloc : memref<!tpu.dma_semaphore, #tpu.memory_space<semaphore_mem>>
        %dma_start3A_69 = arith.constant 0 : i32
        %dma_start3A_70 = tpu.memref_slice %arg6[%add3A_68, %dma_start3A_69] : memref<24x128xi32, #tpu.memory_space<vmem>> -> memref<1x128xi32, #tpu.memory_space<vmem>>
        %dma_start3A_71 = tpu.memref_squeeze %dma_start3A_70 : memref<1x128xi32, #tpu.memory_space<vmem>> -> memref<128xi32, #tpu.memory_space<vmem>>
        %dma_start3A_72 = arith.constant 0 : i32
        %dma_start3A_73 = arith.constant 0 : i32
        %dma_start3A_74 = tpu.memref_slice %arg9[%dma_start3A_72, %dma_start3A_73] : memref<10240x128xf32, #tpu.memory_space<vmem_shared>> -> memref<10240x128xf32, #tpu.memory_space<vmem_shared>>
        tpu.enqueue_indirect_dma source(%arg8 : memref<128x128xf32, #tpu.memory_space<vmem>>) target(%dma_start3A_74 : memref<10240x128xf32, #tpu.memory_space<vmem_shared>>) offsets(%dma_start3A_71 : memref<128xi32, #tpu.memory_space<vmem>>) semaphore(%run_scoped3A : memref<!tpu.dma_semaphore, #tpu.memory_space<semaphore_mem>>) {add = true}
        %dma_wait3A_75 = arith.constant 0 : i32
        %dma_wait3A_76 = tpu.memref_slice %arg6[%add3A_68, %dma_wait3A_75] : memref<24x128xi32, #tpu.memory_space<vmem>> -> memref<1x128xi32, #tpu.memory_space<vmem>>
        %dma_wait3A_77 = tpu.memref_squeeze %dma_wait3A_76 : memref<1x128xi32, #tpu.memory_space<vmem>> -> memref<128xi32, #tpu.memory_space<vmem>>
        %dma_wait3A_78 = arith.constant 0 : i32
        %dma_wait3A_79 = arith.constant 0 : i32
        %dma_wait3A_80 = tpu.memref_slice %arg9[%dma_wait3A_78, %dma_wait3A_79] : memref<10240x128xf32, #tpu.memory_space<vmem_shared>> -> memref<10240x128xf32, #tpu.memory_space<vmem_shared>>
        tpu.wait_indirect_dma semaphore(%run_scoped3A : memref<!tpu.dma_semaphore, #tpu.memory_space<semaphore_mem>>) src(%arg8 : memref<128x128xf32, #tpu.memory_space<vmem>>) dst(%dma_wait3A_80 : memref<10240x128xf32, #tpu.memory_space<vmem_shared>>)
        tpu.yield
      }) : () -> ()
    }
    %scan3A_34 = arith.constant 10 : i32
    %barrier3A_35 = arith.constant 0 : index
    tpu.barrier barrier_id(%barrier3A_35)
    %mul3A_36 = arith.constant 640 : i32
    %mul3A_37 = arith.muli %arg1, %mul3A_36 : i32
    %mul3A_38 = arith.constant 640 : i32
    %mul3A_39 = arith.muli %arg1, %mul3A_38 : i32
    "tpu.region"() ({
      %run_scoped3A = tpu.sem_alloc : memref<!tpu.dma_semaphore, #tpu.memory_space<semaphore_mem>>
      %dma_start3A = arith.constant 0 : i32
      %dma_start3A_40 = tpu.memref_slice %arg5[%arg0, %mul3A_39, %dma_start3A] : memref<2x10240x128xf32, #tpu.memory_space<hbm>> -> memref<1x640x128xf32, #tpu.memory_space<hbm>>
      %dma_start3A_41 = tpu.memref_squeeze %dma_start3A_40 : memref<1x640x128xf32, #tpu.memory_space<hbm>> -> memref<640x128xf32, #tpu.memory_space<hbm>>
      %dma_start3A_42 = arith.constant 0 : i32
      %dma_start3A_43 = tpu.memref_slice %arg9[%mul3A_37, %dma_start3A_42] : memref<10240x128xf32, #tpu.memory_space<vmem_shared>> -> memref<640x128xf32, #tpu.memory_space<vmem_shared>>
      tpu.enqueue_dma source(%dma_start3A_43 : memref<640x128xf32, #tpu.memory_space<vmem_shared>>) target(%dma_start3A_41 : memref<640x128xf32, #tpu.memory_space<hbm>>) target_semaphore(%run_scoped3A : memref<!tpu.dma_semaphore, #tpu.memory_space<semaphore_mem>>)
      %dma_wait3A = arith.constant 0 : i32
      %dma_wait3A_44 = tpu.memref_slice %arg5[%arg0, %mul3A_39, %dma_wait3A] : memref<2x10240x128xf32, #tpu.memory_space<hbm>> -> memref<1x640x128xf32, #tpu.memory_space<hbm>>
      %dma_wait3A_45 = tpu.memref_squeeze %dma_wait3A_44 : memref<1x640x128xf32, #tpu.memory_space<hbm>> -> memref<640x128xf32, #tpu.memory_space<hbm>>
      %dma_wait3A_46 = arith.constant 0 : i32
      %dma_wait3A_47 = tpu.memref_slice %arg9[%mul3A_37, %dma_wait3A_46] : memref<10240x128xf32, #tpu.memory_space<vmem_shared>> -> memref<640x128xf32, #tpu.memory_space<vmem_shared>>
      tpu.wait_dma2 semaphore(%run_scoped3A : memref<!tpu.dma_semaphore, #tpu.memory_space<semaphore_mem>>) src(%dma_wait3A_47 : memref<640x128xf32, #tpu.memory_space<vmem_shared>>) dst(%dma_wait3A_45 : memref<640x128xf32, #tpu.memory_space<hbm>>)
      tpu.yield
    }) : () -> ()
    return
  }
}

module attributes {stable_mosaic.version = 14 : i64} {
  func.func @_node_pre_body(%arg0: i32, %arg1: memref<1000x128xf32, #tpu.memory_space<vmem>>, %arg2: memref<128x32xf32, #tpu.memory_space<vmem>>, %arg3: memref<32x16xf32, #tpu.memory_space<vmem>>, %arg4: memref<16x16xf32, #tpu.memory_space<vmem>>, %arg5: memref<1000x128xf32, #tpu.memory_space<vmem>>) attributes {dimension_semantics = [#tpu.dimension_semantics<arbitrary>], iteration_bounds = array<i64: 10>, scalar_prefetch = 0 : i64, scratch_operands = 0 : i64, tpu.core_type = #tpu.core_type<tc>, window_params = [{transform_indices = @transform_0, window_bounds = array<i64: 1000, 128>}, {pipeline_mode = #tpu.pipeline_mode<synchronous>, transform_indices = @transform_1, window_bounds = array<i64: 128, 32>}, {pipeline_mode = #tpu.pipeline_mode<synchronous>, transform_indices = @transform_2, window_bounds = array<i64: 32, 16>}, {pipeline_mode = #tpu.pipeline_mode<synchronous>, transform_indices = @transform_3, window_bounds = array<i64: 16, 16>}, {transform_indices = @transform_4, window_bounds = array<i64: 1000, 128>}]} {
    %get3A = arith.constant 0 : index
    %get3A_0 = arith.constant 0 : index
    %get3A_1 = vector.load %arg1[%get3A, %get3A_0] : memref<1000x128xf32, #tpu.memory_space<vmem>>, vector<1000x128xf32>
    %get3A_2 = arith.constant 0 : index
    %get3A_3 = arith.constant 0 : index
    %get3A_4 = vector.load %arg2[%get3A_2, %get3A_3] : memref<128x32xf32, #tpu.memory_space<vmem>>, vector<128x32xf32>
    %dot_general3A = arith.constant dense<0.000000e+00> : vector<1000x32xf32>
    %dot_general3A_5 = tpu.matmul %get3A_1, %get3A_4, %dot_general3A {dimension_numbers = #tpu.dot_dimension_numbers<[1], [0], [0], [1], [0, 0, 1, 1], [], []>, transpose_lhs_hint = false} : vector<1000x128xf32>, vector<128x32xf32>, vector<1000x32xf32> -> vector<1000x32xf32>
    %mul3A = arith.constant 0.0883883461 : f32
    %mul3A_6 = vector.broadcast %mul3A : f32 to vector<1000x32xf32>
    %mul3A_7 = arith.mulf %dot_general3A_5, %mul3A_6 : vector<1000x32xf32>
    %get3A_8 = arith.constant 0 : index
    %get3A_9 = arith.constant 0 : index
    %get3A_10 = vector.load %arg3[%get3A_8, %get3A_9] : memref<32x16xf32, #tpu.memory_space<vmem>>, vector<32x16xf32>
    %dot_general3A_11 = arith.constant dense<0.000000e+00> : vector<1000x16xf32>
    %dot_general3A_12 = tpu.matmul %mul3A_7, %get3A_10, %dot_general3A_11 {dimension_numbers = #tpu.dot_dimension_numbers<[1], [0], [0], [1], [0, 0, 1, 1], [], []>, transpose_lhs_hint = false} : vector<1000x32xf32>, vector<32x16xf32>, vector<1000x16xf32> -> vector<1000x16xf32>
    %mul3A_13 = arith.constant 0.176776692 : f32
    %mul3A_14 = vector.broadcast %mul3A_13 : f32 to vector<1000x16xf32>
    %mul3A_15 = arith.mulf %dot_general3A_12, %mul3A_14 : vector<1000x16xf32>
    %get3A_16 = arith.constant 0 : index
    %get3A_17 = arith.constant 0 : index
    %get3A_18 = vector.load %arg4[%get3A_16, %get3A_17] : memref<16x16xf32, #tpu.memory_space<vmem>>, vector<16x16xf32>
    %dot_general3A_19 = arith.constant dense<0.000000e+00> : vector<1000x16xf32>
    %dot_general3A_20 = tpu.matmul %mul3A_15, %get3A_18, %dot_general3A_19 {dimension_numbers = #tpu.dot_dimension_numbers<[1], [0], [0], [1], [0, 0, 1, 1], [], []>, transpose_lhs_hint = false} : vector<1000x16xf32>, vector<16x16xf32>, vector<1000x16xf32> -> vector<1000x16xf32>
    %mul3A_21 = arith.constant 6.250000e-02 : f32
    %mul3A_22 = vector.broadcast %mul3A_21 : f32 to vector<1000x16xf32>
    %mul3A_23 = arith.mulf %dot_general3A_20, %mul3A_22 : vector<1000x16xf32>
    %swap3A = arith.constant 0 : index
    %swap3A_24 = arith.constant 0 : index
    %swap3A_25 = vector.load %arg5[%swap3A, %swap3A_24] : memref<1000x128xf32, #tpu.memory_space<vmem>>, vector<1000x32xf32>
    tpu.vector_store %arg5[%swap3A, %swap3A_24], %mul3A_7 {strides = array<i32>} : memref<1000x128xf32, #tpu.memory_space<vmem>>, vector<1000x32xf32>,
    %swap3A_26 = arith.constant 0 : index
    %swap3A_27 = arith.constant 32 : index
    %swap3A_28 = vector.load %arg5[%swap3A_26, %swap3A_27] : memref<1000x128xf32, #tpu.memory_space<vmem>>, vector<1000x16xf32>
    tpu.vector_store %arg5[%swap3A_26, %swap3A_27], %mul3A_23 {strides = array<i32>} : memref<1000x128xf32, #tpu.memory_space<vmem>>, vector<1000x16xf32>,
    %broadcast_in_dim3A = arith.constant 0.000000e+00 : f32
    %broadcast_in_dim3A_29 = vector.broadcast %broadcast_in_dim3A : f32 to vector<1000x80xf32>
    %swap3A_30 = arith.constant 0 : index
    %swap3A_31 = arith.constant 48 : index
    %swap3A_32 = vector.load %arg5[%swap3A_30, %swap3A_31] : memref<1000x128xf32, #tpu.memory_space<vmem>>, vector<1000x80xf32>
    tpu.vector_store %arg5[%swap3A_30, %swap3A_31], %broadcast_in_dim3A_29 {strides = array<i32>} : memref<1000x128xf32, #tpu.memory_space<vmem>>, vector<1000x80xf32>,
    return
  }
  func.func @transform_0(%arg0: i32) -> (i32, i32) {
    %c0_i32 = arith.constant 0 : i32
    %c0_i32_0 = arith.constant 0 : i32
    return %arg0, %c0_i32 : i32, i32
  }
  func.func @transform_1(%arg0: i32) -> (i32, i32) {
    %c0_i32 = arith.constant 0 : i32
    %c0_i32_0 = arith.constant 0 : i32
    %c0_i32_1 = arith.constant 0 : i32
    return %c0_i32, %c0_i32_0 : i32, i32
  }
  func.func @transform_2(%arg0: i32) -> (i32, i32) {
    %c0_i32 = arith.constant 0 : i32
    %c0_i32_0 = arith.constant 0 : i32
    %c0_i32_1 = arith.constant 0 : i32
    return %c0_i32, %c0_i32_0 : i32, i32
  }
  func.func @transform_3(%arg0: i32) -> (i32, i32) {
    %c0_i32 = arith.constant 0 : i32
    %c0_i32_0 = arith.constant 0 : i32
    %c0_i32_1 = arith.constant 0 : i32
    return %c0_i32, %c0_i32_0 : i32, i32
  }
  func.func @transform_4(%arg0: i32) -> (i32, i32) {
    %c0_i32 = arith.constant 0 : i32
    %c0_i32_0 = arith.constant 0 : i32
    return %arg0, %c0_i32 : i32, i32
  }
}

module attributes {stable_mosaic.version = 14 : i64} {
  func.func @_edge1_body(%arg0: i32, %arg1: memref<2048x16xf32, #tpu.memory_space<vmem>>, %arg2: memref<2048x128xf32, #tpu.memory_space<vmem>>, %arg3: memref<2048x128xf32, #tpu.memory_space<vmem>>, %arg4: memref<2048x1xf32, #tpu.memory_space<vmem>>, %arg5: memref<16x128xbf16, #tpu.memory_space<vmem>>, %arg6: memref<1x128xf32, #tpu.memory_space<vmem>>, %arg7: memref<128x128xbf16, #tpu.memory_space<vmem>>, %arg8: memref<1x128xf32, #tpu.memory_space<vmem>>, %arg9: memref<128x512xbf16, #tpu.memory_space<vmem>>, %arg10: memref<32x16xf32, #tpu.memory_space<vmem>>, %arg11: memref<16x128xbf16, #tpu.memory_space<vmem>>, %arg12: memref<1x128xf32, #tpu.memory_space<vmem>>, %arg13: memref<128x128xbf16, #tpu.memory_space<vmem>>, %arg14: memref<1x128xf32, #tpu.memory_space<vmem>>, %arg15: memref<128x1024xbf16, #tpu.memory_space<vmem>>, %arg16: memref<32x32xf32, #tpu.memory_space<vmem>>, %arg17: memref<512x16xbf16, #tpu.memory_space<vmem>>, %arg18: memref<1024x32xbf16, #tpu.memory_space<vmem>>, %arg19: memref<2048x48xf32, #tpu.memory_space<vmem>>, %arg20: memref<1x1xf32, #tpu.memory_space<smem>>) attributes {dimension_semantics = [#tpu.dimension_semantics<arbitrary>], iteration_bounds = array<i64: 40>, scalar_prefetch = 0 : i64, scratch_operands = 0 : i64, tpu.core_type = #tpu.core_type<tc>, window_params = [{transform_indices = @transform_0, window_bounds = array<i64: 2048, 16>}, {transform_indices = @transform_1, window_bounds = array<i64: 2048, 128>}, {transform_indices = @transform_2, window_bounds = array<i64: 2048, 128>}, {transform_indices = @transform_3, window_bounds = array<i64: 2048, 1>}, {pipeline_mode = #tpu.pipeline_mode<synchronous>, transform_indices = @transform_4, window_bounds = array<i64: 16, 128>}, {pipeline_mode = #tpu.pipeline_mode<synchronous>, transform_indices = @transform_5, window_bounds = array<i64: 1, 128>}, {pipeline_mode = #tpu.pipeline_mode<synchronous>, transform_indices = @transform_6, window_bounds = array<i64: 128, 128>}, {pipeline_mode = #tpu.pipeline_mode<synchronous>, transform_indices = @transform_7, window_bounds = array<i64: 1, 128>}, {pipeline_mode = #tpu.pipeline_mode<synchronous>, transform_indices = @transform_8, window_bounds = array<i64: 128, 512>}, {pipeline_mode = #tpu.pipeline_mode<synchronous>, transform_indices = @transform_9, window_bounds = array<i64: 32, 16>}, {pipeline_mode = #tpu.pipeline_mode<synchronous>, transform_indices = @transform_10, window_bounds = array<i64: 16, 128>}, {pipeline_mode = #tpu.pipeline_mode<synchronous>, transform_indices = @transform_11, window_bounds = array<i64: 1, 128>}, {pipeline_mode = #tpu.pipeline_mode<synchronous>, transform_indices = @transform_12, window_bounds = array<i64: 128, 128>}, {pipeline_mode = #tpu.pipeline_mode<synchronous>, transform_indices = @transform_13, window_bounds = array<i64: 1, 128>}, {pipeline_mode = #tpu.pipeline_mode<synchronous>, transform_indices = @transform_14, window_bounds = array<i64: 128, 1024>}, {pipeline_mode = #tpu.pipeline_mode<synchronous>, transform_indices = @transform_15, window_bounds = array<i64: 32, 32>}, {pipeline_mode = #tpu.pipeline_mode<synchronous>, transform_indices = @transform_16, window_bounds = array<i64: 512, 16>}, {pipeline_mode = #tpu.pipeline_mode<synchronous>, transform_indices = @transform_17, window_bounds = array<i64: 1024, 32>}, {transform_indices = @transform_18, window_bounds = array<i64: 2048, 48>}, {transform_indices = @transform_19, window_bounds = array<i64: 1, 1>}]} {
    %get3A = arith.constant 0 : index
    %get3A_0 = arith.constant 0 : index
    %get3A_1 = vector.load %arg1[%get3A, %get3A_0] : memref<2048x16xf32, #tpu.memory_space<vmem>>, vector<2048x16xf32>
    %convert_element_type3A = arith.truncf %get3A_1 : vector<2048x16xf32> to vector<2048x16xbf16>
    %get3A_2 = arith.constant 0 : index
    %get3A_3 = arith.constant 0 : index
    %get3A_4 = vector.load %arg2[%get3A_2, %get3A_3] : memref<2048x128xf32, #tpu.memory_space<vmem>>, vector<2048x32xf32>
    %get3A_5 = arith.constant 0 : index
    %get3A_6 = arith.constant 32 : index
    %get3A_7 = vector.load %arg3[%get3A_5, %get3A_6] : memref<2048x128xf32, #tpu.memory_space<vmem>>, vector<2048x16xf32>
    %get3A_8 = arith.constant 0 : index
    %get3A_9 = arith.constant 0 : index
    %get3A_10 = vector.load %arg4[%get3A_8, %get3A_9] : memref<2048x1xf32, #tpu.memory_space<vmem>>, vector<2048x1xf32>
    %get3A_11 = arith.constant 0 : index
    %get3A_12 = arith.constant 0 : index
    %get3A_13 = vector.load %arg5[%get3A_11, %get3A_12] : memref<16x128xbf16, #tpu.memory_space<vmem>>, vector<16x128xbf16>
    %dot_general3A = arith.constant dense<0.000000e+00> : vector<2048x128xf32>
    %dot_general3A_14 = tpu.matmul %convert_element_type3A, %get3A_13, %dot_general3A {dimension_numbers = #tpu.dot_dimension_numbers<[1], [0], [0], [1], [0, 0, 1, 1], [], []>, transpose_lhs_hint = false} : vector<2048x16xbf16>, vector<16x128xbf16>, vector<2048x128xf32> -> vector<2048x128xf32>
    %get3A_15 = arith.constant 0 : index
    %get3A_16 = arith.constant 0 : index
    %get3A_17 = vector.load %arg6[%get3A_15, %get3A_16] : memref<1x128xf32, #tpu.memory_space<vmem>>, vector<1x128xf32>
    %add3A = vector.broadcast %get3A_17 : vector<1x128xf32> to vector<2048x128xf32>
    %add3A_18 = arith.addf %dot_general3A_14, %add3A : vector<2048x128xf32>
    %max3A = arith.constant 0.000000e+00 : f32
    %max3A_19 = vector.broadcast %max3A : f32 to vector<2048x128xf32>
    %max3A_20 = arith.maximumf %add3A_18, %max3A_19 : vector<2048x128xf32>
    %convert_element_type3A_21 = arith.truncf %max3A_20 : vector<2048x128xf32> to vector<2048x128xbf16>
    %get3A_22 = arith.constant 0 : index
    %get3A_23 = arith.constant 0 : index
    %get3A_24 = vector.load %arg7[%get3A_22, %get3A_23] : memref<128x128xbf16, #tpu.memory_space<vmem>>, vector<128x128xbf16>
    %dot_general3A_25 = arith.constant dense<0.000000e+00> : vector<2048x128xf32>
    %dot_general3A_26 = tpu.matmul %convert_element_type3A_21, %get3A_24, %dot_general3A_25 {dimension_numbers = #tpu.dot_dimension_numbers<[1], [0], [0], [1], [0, 0, 1, 1], [], []>, transpose_lhs_hint = false} : vector<2048x128xbf16>, vector<128x128xbf16>, vector<2048x128xf32> -> vector<2048x128xf32>
    %get3A_27 = arith.constant 0 : index
    %get3A_28 = arith.constant 0 : index
    %get3A_29 = vector.load %arg8[%get3A_27, %get3A_28] : memref<1x128xf32, #tpu.memory_space<vmem>>, vector<1x128xf32>
    %add3A_30 = vector.broadcast %get3A_29 : vector<1x128xf32> to vector<2048x128xf32>
    %add3A_31 = arith.addf %dot_general3A_26, %add3A_30 : vector<2048x128xf32>
    %max3A_32 = arith.constant 0.000000e+00 : f32
    %max3A_33 = vector.broadcast %max3A_32 : f32 to vector<2048x128xf32>
    %max3A_34 = arith.maximumf %add3A_31, %max3A_33 : vector<2048x128xf32>
    %convert_element_type3A_35 = arith.truncf %max3A_34 : vector<2048x128xf32> to vector<2048x128xbf16>
    %get3A_36 = arith.constant 0 : index
    %get3A_37 = arith.constant 0 : index
    %get3A_38 = vector.load %arg9[%get3A_36, %get3A_37] : memref<128x512xbf16, #tpu.memory_space<vmem>>, vector<128x512xbf16>
    %dot_general3A_39 = arith.constant dense<0.000000e+00> : vector<2048x512xf32>
    %dot_general3A_40 = tpu.matmul %convert_element_type3A_35, %get3A_38, %dot_general3A_39 {dimension_numbers = #tpu.dot_dimension_numbers<[1], [0], [0], [1], [0, 0, 1, 1], [], []>, transpose_lhs_hint = false} : vector<2048x128xbf16>, vector<128x512xbf16>, vector<2048x512xf32> -> vector<2048x512xf32>
    %get3A_41 = arith.constant 0 : index
    %get3A_42 = arith.constant 0 : index
    %get3A_43 = vector.load %arg11[%get3A_41, %get3A_42] : memref<16x128xbf16, #tpu.memory_space<vmem>>, vector<16x128xbf16>
    %dot_general3A_44 = arith.constant dense<0.000000e+00> : vector<2048x128xf32>
    %dot_general3A_45 = tpu.matmul %convert_element_type3A, %get3A_43, %dot_general3A_44 {dimension_numbers = #tpu.dot_dimension_numbers<[1], [0], [0], [1], [0, 0, 1, 1], [], []>, transpose_lhs_hint = false} : vector<2048x16xbf16>, vector<16x128xbf16>, vector<2048x128xf32> -> vector<2048x128xf32>
    %get3A_46 = arith.constant 0 : index
    %get3A_47 = arith.constant 0 : index
    %get3A_48 = vector.load %arg12[%get3A_46, %get3A_47] : memref<1x128xf32, #tpu.memory_space<vmem>>, vector<1x128xf32>
    %add3A_49 = vector.broadcast %get3A_48 : vector<1x128xf32> to vector<2048x128xf32>
    %add3A_50 = arith.addf %dot_general3A_45, %add3A_49 : vector<2048x128xf32>
    %max3A_51 = arith.constant 0.000000e+00 : f32
    %max3A_52 = vector.broadcast %max3A_51 : f32 to vector<2048x128xf32>
    %max3A_53 = arith.maximumf %add3A_50, %max3A_52 : vector<2048x128xf32>
    %convert_element_type3A_54 = arith.truncf %max3A_53 : vector<2048x128xf32> to vector<2048x128xbf16>
    %get3A_55 = arith.constant 0 : index
    %get3A_56 = arith.constant 0 : index
    %get3A_57 = vector.load %arg13[%get3A_55, %get3A_56] : memref<128x128xbf16, #tpu.memory_space<vmem>>, vector<128x128xbf16>
    %dot_general3A_58 = arith.constant dense<0.000000e+00> : vector<2048x128xf32>
    %dot_general3A_59 = tpu.matmul %convert_element_type3A_54, %get3A_57, %dot_general3A_58 {dimension_numbers = #tpu.dot_dimension_numbers<[1], [0], [0], [1], [0, 0, 1, 1], [], []>, transpose_lhs_hint = false} : vector<2048x128xbf16>, vector<128x128xbf16>, vector<2048x128xf32> -> vector<2048x128xf32>
    %get3A_60 = arith.constant 0 : index
    %get3A_61 = arith.constant 0 : index
    %get3A_62 = vector.load %arg14[%get3A_60, %get3A_61] : memref<1x128xf32, #tpu.memory_space<vmem>>, vector<1x128xf32>
    %add3A_63 = vector.broadcast %get3A_62 : vector<1x128xf32> to vector<2048x128xf32>
    %add3A_64 = arith.addf %dot_general3A_59, %add3A_63 : vector<2048x128xf32>
    %max3A_65 = arith.constant 0.000000e+00 : f32
    %max3A_66 = vector.broadcast %max3A_65 : f32 to vector<2048x128xf32>
    %max3A_67 = arith.maximumf %add3A_64, %max3A_66 : vector<2048x128xf32>
    %convert_element_type3A_68 = arith.truncf %max3A_67 : vector<2048x128xf32> to vector<2048x128xbf16>
    %get3A_69 = arith.constant 0 : index
    %get3A_70 = arith.constant 0 : index
    %get3A_71 = vector.load %arg15[%get3A_69, %get3A_70] : memref<128x1024xbf16, #tpu.memory_space<vmem>>, vector<128x1024xbf16>
    %dot_general3A_72 = arith.constant dense<0.000000e+00> : vector<2048x1024xf32>
    %dot_general3A_73 = tpu.matmul %convert_element_type3A_68, %get3A_71, %dot_general3A_72 {dimension_numbers = #tpu.dot_dimension_numbers<[1], [0], [0], [1], [0, 0, 1, 1], [], []>, transpose_lhs_hint = false} : vector<2048x128xbf16>, vector<128x1024xbf16>, vector<2048x1024xf32> -> vector<2048x1024xf32>
    %concatenate3A = tpu.concatenate %get3A_4, %get3A_4, %get3A_4, %get3A_4, %get3A_4, %get3A_4, %get3A_4, %get3A_4, %get3A_4, %get3A_4, %get3A_4, %get3A_4, %get3A_4, %get3A_4, %get3A_4, %get3A_4 in 1 : vector<2048x32xf32>, vector<2048x32xf32>, vector<2048x32xf32>, vector<2048x32xf32>, vector<2048x32xf32>, vector<2048x32xf32>, vector<2048x32xf32>, vector<2048x32xf32>, vector<2048x32xf32>, vector<2048x32xf32>, vector<2048x32xf32>, vector<2048x32xf32>, vector<2048x32xf32>, vector<2048x32xf32>, vector<2048x32xf32>, vector<2048x32xf32> -> vector<2048x512xf32>
    %concatenate3A_74 = tpu.concatenate %get3A_4, %get3A_4, %get3A_4, %get3A_4, %get3A_4, %get3A_4, %get3A_4, %get3A_4, %get3A_4, %get3A_4, %get3A_4, %get3A_4, %get3A_4, %get3A_4, %get3A_4, %get3A_4, %get3A_4, %get3A_4, %get3A_4, %get3A_4, %get3A_4, %get3A_4, %get3A_4, %get3A_4, %get3A_4, %get3A_4, %get3A_4, %get3A_4, %get3A_4, %get3A_4, %get3A_4, %get3A_4 in 1 : vector<2048x32xf32>, vector<2048x32xf32>, vector<2048x32xf32>, vector<2048x32xf32>, vector<2048x32xf32>, vector<2048x32xf32>, vector<2048x32xf32>, vector<2048x32xf32>, vector<2048x32xf32>, vector<2048x32xf32>, vector<2048x32xf32>, vector<2048x32xf32>, vector<2048x32xf32>, vector<2048x32xf32>, vector<2048x32xf32>, vector<2048x32xf32>, vector<2048x32xf32>, vector<2048x32xf32>, vector<2048x32xf32>, vector<2048x32xf32>, vector<2048x32xf32>, vector<2048x32xf32>, vector<2048x32xf32>, vector<2048x32xf32>, vector<2048x32xf32>, vector<2048x32xf32>, vector<2048x32xf32>, vector<2048x32xf32>, vector<2048x32xf32>, vector<2048x32xf32>, vector<2048x32xf32>, vector<2048x32xf32> -> vector<2048x1024xf32>
    %mul3A = arith.mulf %dot_general3A_40, %concatenate3A : vector<2048x512xf32>
    %convert_element_type3A_75 = arith.truncf %mul3A : vector<2048x512xf32> to vector<2048x512xbf16>
    %get3A_76 = arith.constant 0 : index
    %get3A_77 = arith.constant 0 : index
    %get3A_78 = vector.load %arg17[%get3A_76, %get3A_77] : memref<512x16xbf16, #tpu.memory_space<vmem>>, vector<512x16xbf16>
    %dot_general3A_79 = arith.constant dense<0.000000e+00> : vector<2048x16xf32>
    %dot_general3A_80 = tpu.matmul %convert_element_type3A_75, %get3A_78, %dot_general3A_79 {dimension_numbers = #tpu.dot_dimension_numbers<[1], [0], [0], [1], [0, 0, 1, 1], [], []>, transpose_lhs_hint = false} : vector<2048x512xbf16>, vector<512x16xbf16>, vector<2048x16xf32> -> vector<2048x16xf32>
    %get3A_81 = arith.constant 0 : index
    %get3A_82 = arith.constant 0 : index
    %get3A_83 = vector.load %arg10[%get3A_81, %get3A_82] : memref<32x16xf32, #tpu.memory_space<vmem>>, vector<32x16xf32>
    %dot_general3A_84 = arith.constant dense<0.000000e+00> : vector<2048x16xf32>
    %dot_general3A_85 = tpu.matmul %get3A_4, %get3A_83, %dot_general3A_84 {dimension_numbers = #tpu.dot_dimension_numbers<[1], [0], [0], [1], [0, 0, 1, 1], [], []>, transpose_lhs_hint = false} : vector<2048x32xf32>, vector<32x16xf32>, vector<2048x16xf32> -> vector<2048x16xf32>
    %add3A_86 = arith.addf %dot_general3A_80, %dot_general3A_85 : vector<2048x16xf32>
    %mul3A_87 = arith.mulf %dot_general3A_73, %concatenate3A_74 : vector<2048x1024xf32>
    %convert_element_type3A_88 = arith.truncf %mul3A_87 : vector<2048x1024xf32> to vector<2048x1024xbf16>
    %get3A_89 = arith.constant 0 : index
    %get3A_90 = arith.constant 0 : index
    %get3A_91 = vector.load %arg18[%get3A_89, %get3A_90] : memref<1024x32xbf16, #tpu.memory_space<vmem>>, vector<1024x32xbf16>
    %dot_general3A_92 = arith.constant dense<0.000000e+00> : vector<2048x32xf32>
    %dot_general3A_93 = tpu.matmul %convert_element_type3A_88, %get3A_91, %dot_general3A_92 {dimension_numbers = #tpu.dot_dimension_numbers<[1], [0], [0], [1], [0, 0, 1, 1], [], []>, transpose_lhs_hint = false} : vector<2048x1024xbf16>, vector<1024x32xbf16>, vector<2048x32xf32> -> vector<2048x32xf32>
    %get3A_94 = arith.constant 0 : index
    %get3A_95 = arith.constant 0 : index
    %get3A_96 = vector.load %arg16[%get3A_94, %get3A_95] : memref<32x32xf32, #tpu.memory_space<vmem>>, vector<32x32xf32>
    %dot_general3A_97 = arith.constant dense<0.000000e+00> : vector<2048x32xf32>
    %dot_general3A_98 = tpu.matmul %get3A_4, %get3A_96, %dot_general3A_97 {dimension_numbers = #tpu.dot_dimension_numbers<[1], [0], [0], [1], [0, 0, 1, 1], [], []>, transpose_lhs_hint = false} : vector<2048x32xf32>, vector<32x32xf32>, vector<2048x32xf32> -> vector<2048x32xf32>
    %add3A_99 = arith.addf %dot_general3A_93, %dot_general3A_98 : vector<2048x32xf32>
    %mul3A_100 = arith.mulf %add3A_86, %get3A_7 : vector<2048x16xf32>
    %reduce_sum3A = arith.constant dense<0.000000e+00> : vector<2048xf32>
    %reduce_sum3A_101 = vector.multi_reduction <add>, %mul3A_100, %reduce_sum3A [1] : vector<2048x16xf32> to vector<2048xf32>
    %broadcast_in_dim3A = vector.shape_cast %reduce_sum3A_101 : vector<2048xf32> to vector<2048x1xf32>
    %mul3A_102 = arith.mulf %broadcast_in_dim3A, %get3A_10 : vector<2048x1xf32>
    %mul3A_103 = vector.broadcast %get3A_10 : vector<2048x1xf32> to vector<2048x32xf32>
    %mul3A_104 = arith.mulf %add3A_99, %mul3A_103 : vector<2048x32xf32>
    %swap3A = arith.constant 0 : index
    %swap3A_105 = arith.constant 0 : index
    %swap3A_106 = vector.load %arg19[%swap3A, %swap3A_105] : memref<2048x48xf32, #tpu.memory_space<vmem>>, vector<2048x32xf32>
    tpu.vector_store %arg19[%swap3A, %swap3A_105], %mul3A_104 {strides = array<i32>} : memref<2048x48xf32, #tpu.memory_space<vmem>>, vector<2048x32xf32>,
    %swap3A_107 = arith.constant 0 : index
    %swap3A_108 = arith.constant 32 : index
    %swap3A_109 = vector.load %arg19[%swap3A_107, %swap3A_108] : memref<2048x48xf32, #tpu.memory_space<vmem>>, vector<2048x1xf32>
    tpu.vector_store %arg19[%swap3A_107, %swap3A_108], %mul3A_102 {strides = array<i32>} : memref<2048x48xf32, #tpu.memory_space<vmem>>, vector<2048x1xf32>,
    %broadcast_in_dim3A_110 = arith.constant 0.000000e+00 : f32
    %broadcast_in_dim3A_111 = vector.broadcast %broadcast_in_dim3A_110 : f32 to vector<2048x15xf32>
    %swap3A_112 = arith.constant 0 : index
    %swap3A_113 = arith.constant 33 : index
    %swap3A_114 = vector.load %arg19[%swap3A_112, %swap3A_113] : memref<2048x48xf32, #tpu.memory_space<vmem>>, vector<2048x15xf32>
    tpu.vector_store %arg19[%swap3A_112, %swap3A_113], %broadcast_in_dim3A_111 {strides = array<i32>} : memref<2048x48xf32, #tpu.memory_space<vmem>>, vector<2048x15xf32>,
    %eq3A = arith.constant 0 : i32
    %eq3A_115 = arith.cmpi eq, %arg0, %eq3A : i32
    %convert_element_type3A_116 = arith.extui %eq3A_115 : i1 to i32
    %cond3A = arith.constant 0 : i32
    %cond3A_117 = arith.cmpi ne, %convert_element_type3A_116, %cond3A : i32
    scf.if %cond3A_117 {
      %swap3A_129 = arith.constant -1.000000e+30 : f32
      %swap3A_130 = arith.constant 0 : index
      %swap3A_131 = arith.constant 0 : index
      %swap3A_132 = memref.load %arg20[%swap3A_130, %swap3A_131] : memref<1x1xf32, #tpu.memory_space<smem>>
      memref.store %swap3A_129, %arg20[%swap3A_130, %swap3A_131] : memref<1x1xf32, #tpu.memory_space<smem>>
    } else {
    }
    %get3A_118 = arith.constant 0 : index
    %get3A_119 = arith.constant 0 : index
    %get3A_120 = memref.load %arg20[%get3A_118, %get3A_119] : memref<1x1xf32, #tpu.memory_space<smem>>
    %reduce_max3A = vector.shape_cast %mul3A_102 : vector<2048x1xf32> to vector<1x2048x1xf32>
    %reduce_max3A_121 = arith.constant dense<0xFF800000> : vector<1xf32>
    %reduce_max3A_122 = vector.multi_reduction <maximumf>, %reduce_max3A, %reduce_max3A_121 [1, 2] : vector<1x2048x1xf32> to vector<1xf32>
    %reduce_max3A_123 = vector.shape_cast %reduce_max3A_122 : vector<1xf32> to vector<1x1x1xf32>
    %reduce_max3A_124 = vector.extract %reduce_max3A_123[0, 0, 0] : f32 from vector<1x1x1xf32>
    %max3A_125 = arith.maximumf %get3A_120, %reduce_max3A_124 : f32
    %swap3A_126 = arith.constant 0 : index
    %swap3A_127 = arith.constant 0 : index
    %swap3A_128 = memref.load %arg20[%swap3A_126, %swap3A_127] : memref<1x1xf32, #tpu.memory_space<smem>>
    memref.store %max3A_125, %arg20[%swap3A_126, %swap3A_127] : memref<1x1xf32, #tpu.memory_space<smem>>
    return
  }
  func.func @transform_0(%arg0: i32) -> (i32, i32) {
    %c0_i32 = arith.constant 0 : i32
    %c0_i32_0 = arith.constant 0 : i32
    return %arg0, %c0_i32 : i32, i32
  }
  func.func @transform_1(%arg0: i32) -> (i32, i32) {
    %c0_i32 = arith.constant 0 : i32
    %c0_i32_0 = arith.constant 0 : i32
    return %arg0, %c0_i32 : i32, i32
  }
  func.func @transform_2(%arg0: i32) -> (i32, i32) {
    %c0_i32 = arith.constant 0 : i32
    %c0_i32_0 = arith.constant 0 : i32
    return %arg0, %c0_i32 : i32, i32
  }
  func.func @transform_3(%arg0: i32) -> (i32, i32) {
    %c0_i32 = arith.constant 0 : i32
    %c0_i32_0 = arith.constant 0 : i32
    return %arg0, %c0_i32 : i32, i32
  }
  func.func @transform_4(%arg0: i32) -> (i32, i32) {
    %c0_i32 = arith.constant 0 : i32
    %c0_i32_0 = arith.constant 0 : i32
    %c0_i32_1 = arith.constant 0 : i32
    return %c0_i32, %c0_i32_0 : i32, i32
  }
  func.func @transform_5(%arg0: i32) -> (i32, i32) {
    %c0_i32 = arith.constant 0 : i32
    %c0_i32_0 = arith.constant 0 : i32
    %c0_i32_1 = arith.constant 0 : i32
    return %c0_i32, %c0_i32_0 : i32, i32
  }
  func.func @transform_6(%arg0: i32) -> (i32, i32) {
    %c0_i32 = arith.constant 0 : i32
    %c0_i32_0 = arith.constant 0 : i32
    %c0_i32_1 = arith.constant 0 : i32
    return %c0_i32, %c0_i32_0 : i32, i32
  }
  func.func @transform_7(%arg0: i32) -> (i32, i32) {
    %c0_i32 = arith.constant 0 : i32
    %c0_i32_0 = arith.constant 0 : i32
    %c0_i32_1 = arith.constant 0 : i32
    return %c0_i32, %c0_i32_0 : i32, i32
  }
  func.func @transform_8(%arg0: i32) -> (i32, i32) {
    %c0_i32 = arith.constant 0 : i32
    %c0_i32_0 = arith.constant 0 : i32
    %c0_i32_1 = arith.constant 0 : i32
    return %c0_i32, %c0_i32_0 : i32, i32
  }
  func.func @transform_9(%arg0: i32) -> (i32, i32) {
    %c0_i32 = arith.constant 0 : i32
    %c0_i32_0 = arith.constant 0 : i32
    %c0_i32_1 = arith.constant 0 : i32
    return %c0_i32, %c0_i32_0 : i32, i32
  }
  func.func @transform_10(%arg0: i32) -> (i32, i32) {
    %c0_i32 = arith.constant 0 : i32
    %c0_i32_0 = arith.constant 0 : i32
    %c0_i32_1 = arith.constant 0 : i32
    return %c0_i32, %c0_i32_0 : i32, i32
  }
  func.func @transform_11(%arg0: i32) -> (i32, i32) {
    %c0_i32 = arith.constant 0 : i32
    %c0_i32_0 = arith.constant 0 : i32
    %c0_i32_1 = arith.constant 0 : i32
    return %c0_i32, %c0_i32_0 : i32, i32
  }
  func.func @transform_12(%arg0: i32) -> (i32, i32) {
    %c0_i32 = arith.constant 0 : i32
    %c0_i32_0 = arith.constant 0 : i32
    %c0_i32_1 = arith.constant 0 : i32
    return %c0_i32, %c0_i32_0 : i32, i32
  }
  func.func @transform_13(%arg0: i32) -> (i32, i32) {
    %c0_i32 = arith.constant 0 : i32
    %c0_i32_0 = arith.constant 0 : i32
    %c0_i32_1 = arith.constant 0 : i32
    return %c0_i32, %c0_i32_0 : i32, i32
  }
  func.func @transform_14(%arg0: i32) -> (i32, i32) {
    %c0_i32 = arith.constant 0 : i32
    %c0_i32_0 = arith.constant 0 : i32
    %c0_i32_1 = arith.constant 0 : i32
    return %c0_i32, %c0_i32_0 : i32, i32
  }
  func.func @transform_15(%arg0: i32) -> (i32, i32) {
    %c0_i32 = arith.constant 0 : i32
    %c0_i32_0 = arith.constant 0 : i32
    %c0_i32_1 = arith.constant 0 : i32
    return %c0_i32, %c0_i32_0 : i32, i32
  }
  func.func @transform_16(%arg0: i32) -> (i32, i32) {
    %c0_i32 = arith.constant 0 : i32
    %c0_i32_0 = arith.constant 0 : i32
    %c0_i32_1 = arith.constant 0 : i32
    return %c0_i32, %c0_i32_0 : i32, i32
  }
  func.func @transform_17(%arg0: i32) -> (i32, i32) {
    %c0_i32 = arith.constant 0 : i32
    %c0_i32_0 = arith.constant 0 : i32
    %c0_i32_1 = arith.constant 0 : i32
    return %c0_i32, %c0_i32_0 : i32, i32
  }
  func.func @transform_18(%arg0: i32) -> (i32, i32) {
    %c0_i32 = arith.constant 0 : i32
    %c0_i32_0 = arith.constant 0 : i32
    return %arg0, %c0_i32 : i32, i32
  }
  func.func @transform_19(%arg0: i32) -> (i32, i32) {
    %c0_i32 = arith.constant 0 : i32
    %c0_i32_0 = arith.constant 0 : i32
    %c0_i32_1 = arith.constant 0 : i32
    return %c0_i32, %c0_i32_0 : i32, i32
  }
}

module attributes {stable_mosaic.version = 14 : i64} {
  func.func @_edge2_body(%arg0: i32, %arg1: memref<4096x48xf32, #tpu.memory_space<vmem>>, %arg2: memref<1x1xf32, #tpu.memory_space<smem>>, %arg3: memref<4096x128xf32, #tpu.memory_space<vmem>>) attributes {dimension_semantics = [#tpu.dimension_semantics<arbitrary>], iteration_bounds = array<i64: 20>, scalar_prefetch = 0 : i64, scratch_operands = 0 : i64, tpu.core_type = #tpu.core_type<tc>, window_params = [{transform_indices = @transform_0, window_bounds = array<i64: 4096, 48>}, {transform_indices = @transform_1, window_bounds = array<i64: 1, 1>}, {transform_indices = @transform_2, window_bounds = array<i64: 4096, 128>}]} {
    %get3A = arith.constant 0 : index
    %get3A_0 = arith.constant 0 : index
    %get3A_1 = vector.load %arg1[%get3A, %get3A_0] : memref<4096x48xf32, #tpu.memory_space<vmem>>, vector<4096x48xf32>
    %slice3A = vector.extract_strided_slice %get3A_1 {offsets = [0, 32], sizes = [4096, 1], strides = [1, 1]} : vector<4096x48xf32> to vector<4096x1xf32>
    %get3A_2 = arith.constant 0 : index
    %get3A_3 = arith.constant 0 : index
    %get3A_4 = memref.load %arg2[%get3A_2, %get3A_3] : memref<1x1xf32, #tpu.memory_space<smem>>
    %sub3A = vector.broadcast %get3A_4 : f32 to vector<4096x1xf32>
    %sub3A_5 = arith.subf %slice3A, %sub3A : vector<4096x1xf32>
    %exp3A = math.exp %sub3A_5 : vector<4096x1xf32>
    %mul3A = arith.constant 4096 : i32
    %mul3A_6 = arith.muli %arg0, %mul3A : i32
    %iota3A = tpu.iota {dimensions = array<i32: 0>} : vector<4096x1xi32>
    %add3A = vector.broadcast %mul3A_6 : i32 to vector<4096x1xi32>
    %add3A_7 = arith.addi %add3A, %iota3A : vector<4096x1xi32>
    %lt3A = arith.constant 78080 : i32
    %lt3A_8 = vector.broadcast %lt3A : i32 to vector<4096x1xi32>
    %lt3A_9 = arith.cmpi slt, %add3A_7, %lt3A_8 : vector<4096x1xi32>
    %jit3A = arith.constant 0.000000e+00 : f32
    %broadcast_in_dim3A = vector.broadcast %jit3A : f32 to vector<4096x1xf32>
    %select_n3A = arith.select %lt3A_9, %exp3A, %broadcast_in_dim3A : vector<4096x1xi1>, vector<4096x1xf32>
    %slice3A_10 = vector.extract_strided_slice %get3A_1 {offsets = [0, 0], sizes = [4096, 32], strides = [1, 1]} : vector<4096x48xf32> to vector<4096x32xf32>
    %mul3A_11 = vector.broadcast %select_n3A : vector<4096x1xf32> to vector<4096x32xf32>
    %mul3A_12 = arith.mulf %mul3A_11, %slice3A_10 : vector<4096x32xf32>
    %swap3A = arith.constant 0 : index
    %swap3A_13 = arith.constant 0 : index
    %swap3A_14 = vector.load %arg3[%swap3A, %swap3A_13] : memref<4096x128xf32, #tpu.memory_space<vmem>>, vector<4096x32xf32>
    tpu.vector_store %arg3[%swap3A, %swap3A_13], %mul3A_12 {strides = array<i32>} : memref<4096x128xf32, #tpu.memory_space<vmem>>, vector<4096x32xf32>,
    %swap3A_15 = arith.constant 0 : index
    %swap3A_16 = arith.constant 32 : index
    %swap3A_17 = vector.load %arg3[%swap3A_15, %swap3A_16] : memref<4096x128xf32, #tpu.memory_space<vmem>>, vector<4096x1xf32>
    tpu.vector_store %arg3[%swap3A_15, %swap3A_16], %select_n3A {strides = array<i32>} : memref<4096x128xf32, #tpu.memory_space<vmem>>, vector<4096x1xf32>,
    %broadcast_in_dim3A_18 = arith.constant 0.000000e+00 : f32
    %broadcast_in_dim3A_19 = vector.broadcast %broadcast_in_dim3A_18 : f32 to vector<4096x95xf32>
    %swap3A_20 = arith.constant 0 : index
    %swap3A_21 = arith.constant 33 : index
    %swap3A_22 = vector.load %arg3[%swap3A_20, %swap3A_21] : memref<4096x128xf32, #tpu.memory_space<vmem>>, vector<4096x95xf32>
    tpu.vector_store %arg3[%swap3A_20, %swap3A_21], %broadcast_in_dim3A_19 {strides = array<i32>} : memref<4096x128xf32, #tpu.memory_space<vmem>>, vector<4096x95xf32>,
    return
  }
  func.func @transform_0(%arg0: i32) -> (i32, i32) {
    %c0_i32 = arith.constant 0 : i32
    %c0_i32_0 = arith.constant 0 : i32
    return %arg0, %c0_i32 : i32, i32
  }
  func.func @transform_1(%arg0: i32) -> (i32, i32) {
    %c0_i32 = arith.constant 0 : i32
    %c0_i32_0 = arith.constant 0 : i32
    %c0_i32_1 = arith.constant 0 : i32
    return %c0_i32, %c0_i32_0 : i32, i32
  }
  func.func @transform_2(%arg0: i32) -> (i32, i32) {
    %c0_i32 = arith.constant 0 : i32
    %c0_i32_0 = arith.constant 0 : i32
    return %arg0, %c0_i32 : i32, i32
  }
}

module attributes {stable_mosaic.version = 14 : i64} {
  func.func @_edge2_body(%arg0: i32, %arg1: memref<4096x48xf32, #tpu.memory_space<vmem>>, %arg2: memref<1x1xf32, #tpu.memory_space<smem>>, %arg3: memref<4096x128xf32, #tpu.memory_space<vmem>>) attributes {dimension_semantics = [#tpu.dimension_semantics<arbitrary>], iteration_bounds = array<i64: 20>, scalar_prefetch = 0 : i64, scratch_operands = 0 : i64, tpu.core_type = #tpu.core_type<tc>, window_params = [{transform_indices = @transform_0, window_bounds = array<i64: 4096, 48>}, {transform_indices = @transform_1, window_bounds = array<i64: 1, 1>}, {transform_indices = @transform_2, window_bounds = array<i64: 4096, 128>}]} {
    %get3A = arith.constant 0 : index
    %get3A_0 = arith.constant 0 : index
    %get3A_1 = vector.load %arg1[%get3A, %get3A_0] : memref<4096x48xf32, #tpu.memory_space<vmem>>, vector<4096x48xf32>
    %slice3A = vector.extract_strided_slice %get3A_1 {offsets = [0, 32], sizes = [4096, 1], strides = [1, 1]} : vector<4096x48xf32> to vector<4096x1xf32>
    %get3A_2 = arith.constant 0 : index
    %get3A_3 = arith.constant 0 : index
    %get3A_4 = memref.load %arg2[%get3A_2, %get3A_3] : memref<1x1xf32, #tpu.memory_space<smem>>
    %sub3A = vector.broadcast %get3A_4 : f32 to vector<4096x1xf32>
    %sub3A_5 = arith.subf %slice3A, %sub3A : vector<4096x1xf32>
    %exp3A = math.exp %sub3A_5 : vector<4096x1xf32>
    %mul3A = arith.constant 4096 : i32
    %mul3A_6 = arith.muli %arg0, %mul3A : i32
    %iota3A = tpu.iota {dimensions = array<i32: 0>} : vector<4096x1xi32>
    %add3A = vector.broadcast %mul3A_6 : i32 to vector<4096x1xi32>
    %add3A_7 = arith.addi %add3A, %iota3A : vector<4096x1xi32>
    %lt3A = arith.constant 81920 : i32
    %lt3A_8 = vector.broadcast %lt3A : i32 to vector<4096x1xi32>
    %lt3A_9 = arith.cmpi slt, %add3A_7, %lt3A_8 : vector<4096x1xi32>
    %jit3A = arith.constant 0.000000e+00 : f32
    %broadcast_in_dim3A = vector.broadcast %jit3A : f32 to vector<4096x1xf32>
    %select_n3A = arith.select %lt3A_9, %exp3A, %broadcast_in_dim3A : vector<4096x1xi1>, vector<4096x1xf32>
    %slice3A_10 = vector.extract_strided_slice %get3A_1 {offsets = [0, 0], sizes = [4096, 32], strides = [1, 1]} : vector<4096x48xf32> to vector<4096x32xf32>
    %mul3A_11 = vector.broadcast %select_n3A : vector<4096x1xf32> to vector<4096x32xf32>
    %mul3A_12 = arith.mulf %mul3A_11, %slice3A_10 : vector<4096x32xf32>
    %swap3A = arith.constant 0 : index
    %swap3A_13 = arith.constant 0 : index
    %swap3A_14 = vector.load %arg3[%swap3A, %swap3A_13] : memref<4096x128xf32, #tpu.memory_space<vmem>>, vector<4096x32xf32>
    tpu.vector_store %arg3[%swap3A, %swap3A_13], %mul3A_12 {strides = array<i32>} : memref<4096x128xf32, #tpu.memory_space<vmem>>, vector<4096x32xf32>,
    %swap3A_15 = arith.constant 0 : index
    %swap3A_16 = arith.constant 32 : index
    %swap3A_17 = vector.load %arg3[%swap3A_15, %swap3A_16] : memref<4096x128xf32, #tpu.memory_space<vmem>>, vector<4096x1xf32>
    tpu.vector_store %arg3[%swap3A_15, %swap3A_16], %select_n3A {strides = array<i32>} : memref<4096x128xf32, #tpu.memory_space<vmem>>, vector<4096x1xf32>,
    %broadcast_in_dim3A_18 = arith.constant 0.000000e+00 : f32
    %broadcast_in_dim3A_19 = vector.broadcast %broadcast_in_dim3A_18 : f32 to vector<4096x95xf32>
    %swap3A_20 = arith.constant 0 : index
    %swap3A_21 = arith.constant 33 : index
    %swap3A_22 = vector.load %arg3[%swap3A_20, %swap3A_21] : memref<4096x128xf32, #tpu.memory_space<vmem>>, vector<4096x95xf32>
    tpu.vector_store %arg3[%swap3A_20, %swap3A_21], %broadcast_in_dim3A_19 {strides = array<i32>} : memref<4096x128xf32, #tpu.memory_space<vmem>>, vector<4096x95xf32>,
    return
  }
  func.func @transform_0(%arg0: i32) -> (i32, i32) {
    %c0_i32 = arith.constant 0 : i32
    %c0_i32_0 = arith.constant 0 : i32
    return %arg0, %c0_i32 : i32, i32
  }
  func.func @transform_1(%arg0: i32) -> (i32, i32) {
    %c0_i32 = arith.constant 0 : i32
    %c0_i32_0 = arith.constant 0 : i32
    %c0_i32_1 = arith.constant 0 : i32
    return %c0_i32, %c0_i32_0 : i32, i32
  }
  func.func @transform_2(%arg0: i32) -> (i32, i32) {
    %c0_i32 = arith.constant 0 : i32
    %c0_i32_0 = arith.constant 0 : i32
    return %arg0, %c0_i32 : i32, i32
  }
}

module attributes {stable_mosaic.version = 14 : i64} {
  func.func @_post_a_body(%arg0: i32, %arg1: memref<2x1000x128xf32, #tpu.memory_space<vmem>>, %arg2: memref<2x1000x128xf32, #tpu.memory_space<vmem>>, %arg3: memref<1x1xf32, #tpu.memory_space<smem>>, %arg4: memref<1x1xf32, #tpu.memory_space<smem>>, %arg5: memref<1000x128xf32, #tpu.memory_space<vmem>>, %arg6: memref<32x128xf32, #tpu.memory_space<vmem>>, %arg7: memref<1000x128xf32, #tpu.memory_space<vmem>>, %arg8: memref<2x128xf32, #tpu.memory_space<vmem>>) attributes {dimension_semantics = [#tpu.dimension_semantics<arbitrary>], iteration_bounds = array<i64: 10>, scalar_prefetch = 0 : i64, scratch_operands = 0 : i64, tpu.core_type = #tpu.core_type<tc>, window_params = [{transform_indices = @transform_0, window_bounds = array<i64: 2, 1000, 128>}, {transform_indices = @transform_1, window_bounds = array<i64: 2, 1000, 128>}, {transform_indices = @transform_2, window_bounds = array<i64: 1, 1>}, {transform_indices = @transform_3, window_bounds = array<i64: 1, 1>}, {transform_indices = @transform_4, window_bounds = array<i64: 1000, 128>}, {pipeline_mode = #tpu.pipeline_mode<synchronous>, transform_indices = @transform_5, window_bounds = array<i64: 32, 128>}, {transform_indices = @transform_6, window_bounds = array<i64: 1000, 128>}, {pipeline_mode = #tpu.pipeline_mode<synchronous>, transform_indices = @transform_7, window_bounds = array<i64: 2, 128>}]} {
    %get3A = arith.constant 0 : index
    %get3A_0 = arith.constant 0 : index
    %get3A_1 = arith.constant 0 : index
    %get3A_2 = vector.load %arg1[%get3A, %get3A_0, %get3A_1] : memref<2x1000x128xf32, #tpu.memory_space<vmem>>, vector<2x1000x128xf32>
    %get3A_3 = arith.constant 0 : index
    %get3A_4 = arith.constant 0 : index
    %get3A_5 = arith.constant 0 : index
    %get3A_6 = vector.load %arg2[%get3A_3, %get3A_4, %get3A_5] : memref<2x1000x128xf32, #tpu.memory_space<vmem>>, vector<2x1000x128xf32>
    %get3A_7 = arith.constant 0 : index
    %get3A_8 = arith.constant 0 : index
    %get3A_9 = memref.load %arg3[%get3A_7, %get3A_8] : memref<1x1xf32, #tpu.memory_space<smem>>
    %get3A_10 = arith.constant 0 : index
    %get3A_11 = arith.constant 0 : index
    %get3A_12 = memref.load %arg4[%get3A_10, %get3A_11] : memref<1x1xf32, #tpu.memory_space<smem>>
    %max3A = arith.maximumf %get3A_9, %get3A_12 : f32
    %slice3A = vector.extract_strided_slice %get3A_2 {offsets = [0, 0, 0], sizes = [1, 1000, 128], strides = [1, 1, 1]} : vector<2x1000x128xf32> to vector<1x1000x128xf32>
    %squeeze3A = vector.shape_cast %slice3A : vector<1x1000x128xf32> to vector<1000x128xf32>
    %slice3A_13 = vector.extract_strided_slice %get3A_2 {offsets = [1, 0, 0], sizes = [1, 1000, 128], strides = [1, 1, 1]} : vector<2x1000x128xf32> to vector<1x1000x128xf32>
    %squeeze3A_14 = vector.shape_cast %slice3A_13 : vector<1x1000x128xf32> to vector<1000x128xf32>
    %add3A = arith.addf %squeeze3A, %squeeze3A_14 : vector<1000x128xf32>
    %sub3A = arith.subf %get3A_9, %max3A : f32
    %exp3A = math.exp %sub3A : f32
    %mul3A = vector.broadcast %exp3A : f32 to vector<1000x128xf32>
    %mul3A_15 = arith.mulf %add3A, %mul3A : vector<1000x128xf32>
    %slice3A_16 = vector.extract_strided_slice %get3A_6 {offsets = [0, 0, 0], sizes = [1, 1000, 128], strides = [1, 1, 1]} : vector<2x1000x128xf32> to vector<1x1000x128xf32>
    %squeeze3A_17 = vector.shape_cast %slice3A_16 : vector<1x1000x128xf32> to vector<1000x128xf32>
    %slice3A_18 = vector.extract_strided_slice %get3A_6 {offsets = [1, 0, 0], sizes = [1, 1000, 128], strides = [1, 1, 1]} : vector<2x1000x128xf32> to vector<1x1000x128xf32>
    %squeeze3A_19 = vector.shape_cast %slice3A_18 : vector<1x1000x128xf32> to vector<1000x128xf32>
    %add3A_20 = arith.addf %squeeze3A_17, %squeeze3A_19 : vector<1000x128xf32>
    %sub3A_21 = arith.subf %get3A_12, %max3A : f32
    %exp3A_22 = math.exp %sub3A_21 : f32
    %mul3A_23 = vector.broadcast %exp3A_22 : f32 to vector<1000x128xf32>
    %mul3A_24 = arith.mulf %add3A_20, %mul3A_23 : vector<1000x128xf32>
    %add3A_25 = arith.addf %mul3A_15, %mul3A_24 : vector<1000x128xf32>
    %slice3A_26 = vector.extract_strided_slice %add3A_25 {offsets = [0, 32], sizes = [1000, 1], strides = [1, 1]} : vector<1000x128xf32> to vector<1000x1xf32>
    %gt3A = arith.constant 0.000000e+00 : f32
    %gt3A_27 = vector.broadcast %gt3A : f32 to vector<1000x1xf32>
    %gt3A_28 = arith.cmpf ogt, %slice3A_26, %gt3A_27 : vector<1000x1xf32>
    %slice3A_29 = vector.extract_strided_slice %add3A_25 {offsets = [0, 0], sizes = [1000, 32], strides = [1, 1]} : vector<1000x128xf32> to vector<1000x32xf32>
    %jit3A = arith.constant 0.000000e+00 : f32
    %broadcast_in_dim3A = vector.shape_cast %gt3A_28 : vector<1000x1xi1> to vector<1000x1xi1>
    %broadcast_in_dim3A_30 = vector.broadcast %broadcast_in_dim3A : vector<1000x1xi1> to vector<1000x32xi1>
    %broadcast_in_dim3A_31 = vector.broadcast %jit3A : f32 to vector<1000x32xf32>
    %select_n3A = arith.select %broadcast_in_dim3A_30, %slice3A_29, %broadcast_in_dim3A_31 : vector<1000x32xi1>, vector<1000x32xf32>
    %jit3A_32 = arith.constant 1.000000e+00 : f32
    %broadcast_in_dim3A_33 = vector.broadcast %jit3A_32 : f32 to vector<1000x1xf32>
    %select_n3A_34 = arith.select %gt3A_28, %slice3A_26, %broadcast_in_dim3A_33 : vector<1000x1xi1>, vector<1000x1xf32>
    %div3A = vector.broadcast %select_n3A_34 : vector<1000x1xf32> to vector<1000x32xf32>
    %div3A_35 = arith.divf %select_n3A, %div3A : vector<1000x32xf32>
    %get3A_36 = arith.constant 0 : index
    %get3A_37 = arith.constant 0 : index
    %get3A_38 = vector.load %arg6[%get3A_36, %get3A_37] : memref<32x128xf32, #tpu.memory_space<vmem>>, vector<32x128xf32>
    %dot_general3A = arith.constant dense<0.000000e+00> : vector<1000x128xf32>
    %dot_general3A_39 = tpu.matmul %div3A_35, %get3A_38, %dot_general3A {dimension_numbers = #tpu.dot_dimension_numbers<[1], [0], [0], [1], [0, 0, 1, 1], [], []>, transpose_lhs_hint = false} : vector<1000x32xf32>, vector<32x128xf32>, vector<1000x128xf32> -> vector<1000x128xf32>
    %mul3A_40 = arith.constant 0.176776692 : f32
    %mul3A_41 = vector.broadcast %mul3A_40 : f32 to vector<1000x128xf32>
    %mul3A_42 = arith.mulf %dot_general3A_39, %mul3A_41 : vector<1000x128xf32>
    %get3A_43 = arith.constant 0 : index
    %get3A_44 = arith.constant 0 : index
    %get3A_45 = vector.load %arg5[%get3A_43, %get3A_44] : memref<1000x128xf32, #tpu.memory_space<vmem>>, vector<1000x128xf32>
    %add3A_46 = arith.addf %mul3A_42, %get3A_45 : vector<1000x128xf32>
    %swap3A = arith.constant 0 : index
    %swap3A_47 = arith.constant 0 : index
    %swap3A_48 = vector.load %arg7[%swap3A, %swap3A_47] : memref<1000x128xf32, #tpu.memory_space<vmem>>, vector<1000x128xf32>
    tpu.vector_store %arg7[%swap3A, %swap3A_47], %add3A_46 {strides = array<i32>} : memref<1000x128xf32, #tpu.memory_space<vmem>>, vector<1000x128xf32>,
    %eq3A = arith.constant 0 : i32
    %eq3A_49 = arith.cmpi eq, %arg0, %eq3A : i32
    %convert_element_type3A = arith.extui %eq3A_49 : i1 to i32
    %cond3A = arith.constant 0 : i32
    %cond3A_50 = arith.cmpi ne, %convert_element_type3A, %cond3A : i32
    scf.if %cond3A_50 {
      %broadcast_in_dim3A_64 = arith.constant 0.000000e+00 : f32
      %broadcast_in_dim3A_65 = vector.broadcast %broadcast_in_dim3A_64 : f32 to vector<2x128xf32>
      %swap3A_66 = arith.constant 0 : index
      %swap3A_67 = arith.constant 0 : index
      %swap3A_68 = vector.load %arg8[%swap3A_66, %swap3A_67] : memref<2x128xf32, #tpu.memory_space<vmem>>, vector<2x128xf32>
      tpu.vector_store %arg8[%swap3A_66, %swap3A_67], %broadcast_in_dim3A_65 {strides = array<i32>} : memref<2x128xf32, #tpu.memory_space<vmem>>, vector<2x128xf32>,
    } else {
    }
    %get3A_51 = arith.constant 0 : index
    %get3A_52 = arith.constant 0 : index
    %get3A_53 = vector.load %arg8[%get3A_51, %get3A_52] : memref<2x128xf32, #tpu.memory_space<vmem>>, vector<2x128xf32>
    %reduce_sum3A = arith.constant dense<0.000000e+00> : vector<128xf32>
    %reduce_sum3A_54 = vector.multi_reduction <add>, %add3A_46, %reduce_sum3A [0] : vector<1000x128xf32> to vector<128xf32>
    %broadcast_in_dim3A_55 = vector.shape_cast %reduce_sum3A_54 : vector<128xf32> to vector<1x128xf32>
    %mul3A_56 = arith.mulf %add3A_46, %add3A_46 : vector<1000x128xf32>
    %reduce_sum3A_57 = arith.constant dense<0.000000e+00> : vector<128xf32>
    %reduce_sum3A_58 = vector.multi_reduction <add>, %mul3A_56, %reduce_sum3A_57 [0] : vector<1000x128xf32> to vector<128xf32>
    %broadcast_in_dim3A_59 = vector.shape_cast %reduce_sum3A_58 : vector<128xf32> to vector<1x128xf32>
    %concatenate3A = tpu.concatenate %broadcast_in_dim3A_55, %broadcast_in_dim3A_59 in 0 : vector<1x128xf32>, vector<1x128xf32> -> vector<2x128xf32>
    %add3A_60 = arith.addf %get3A_53, %concatenate3A : vector<2x128xf32>
    %swap3A_61 = arith.constant 0 : index
    %swap3A_62 = arith.constant 0 : index
    %swap3A_63 = vector.load %arg8[%swap3A_61, %swap3A_62] : memref<2x128xf32, #tpu.memory_space<vmem>>, vector<2x128xf32>
    tpu.vector_store %arg8[%swap3A_61, %swap3A_62], %add3A_60 {strides = array<i32>} : memref<2x128xf32, #tpu.memory_space<vmem>>, vector<2x128xf32>,
    return
  }
  func.func @transform_0(%arg0: i32) -> (i32, i32, i32) {
    %c0_i32 = arith.constant 0 : i32
    %c0_i32_0 = arith.constant 0 : i32
    %c0_i32_1 = arith.constant 0 : i32
    return %c0_i32, %arg0, %c0_i32_0 : i32, i32, i32
  }
  func.func @transform_1(%arg0: i32) -> (i32, i32, i32) {
    %c0_i32 = arith.constant 0 : i32
    %c0_i32_0 = arith.constant 0 : i32
    %c0_i32_1 = arith.constant 0 : i32
    return %c0_i32, %arg0, %c0_i32_0 : i32, i32, i32
  }
  func.func @transform_2(%arg0: i32) -> (i32, i32) {
    %c0_i32 = arith.constant 0 : i32
    %c0_i32_0 = arith.constant 0 : i32
    %c0_i32_1 = arith.constant 0 : i32
    return %c0_i32, %c0_i32_0 : i32, i32
  }
  func.func @transform_3(%arg0: i32) -> (i32, i32) {
    %c0_i32 = arith.constant 0 : i32
    %c0_i32_0 = arith.constant 0 : i32
    %c0_i32_1 = arith.constant 0 : i32
    return %c0_i32, %c0_i32_0 : i32, i32
  }
  func.func @transform_4(%arg0: i32) -> (i32, i32) {
    %c0_i32 = arith.constant 0 : i32
    %c0_i32_0 = arith.constant 0 : i32
    return %arg0, %c0_i32 : i32, i32
  }
  func.func @transform_5(%arg0: i32) -> (i32, i32) {
    %c0_i32 = arith.constant 0 : i32
    %c0_i32_0 = arith.constant 0 : i32
    %c0_i32_1 = arith.constant 0 : i32
    return %c0_i32, %c0_i32_0 : i32, i32
  }
  func.func @transform_6(%arg0: i32) -> (i32, i32) {
    %c0_i32 = arith.constant 0 : i32
    %c0_i32_0 = arith.constant 0 : i32
    return %arg0, %c0_i32 : i32, i32
  }
  func.func @transform_7(%arg0: i32) -> (i32, i32) {
    %c0_i32 = arith.constant 0 : i32
    %c0_i32_0 = arith.constant 0 : i32
    %c0_i32_1 = arith.constant 0 : i32
    return %c0_i32, %c0_i32_0 : i32, i32
  }
}

module attributes {stable_mosaic.version = 14 : i64} {
  func.func @_post_b_body(%arg0: i32, %arg1: memref<1000x128xf32, #tpu.memory_space<vmem>>, %arg2: memref<2x128xf32, #tpu.memory_space<vmem>>, %arg3: memref<1x128xf32, #tpu.memory_space<vmem>>, %arg4: memref<1x128xf32, #tpu.memory_space<vmem>>, %arg5: memref<1000x128xf32, #tpu.memory_space<vmem>>) attributes {dimension_semantics = [#tpu.dimension_semantics<arbitrary>], iteration_bounds = array<i64: 10>, scalar_prefetch = 0 : i64, scratch_operands = 0 : i64, tpu.core_type = #tpu.core_type<tc>, window_params = [{transform_indices = @transform_0, window_bounds = array<i64: 1000, 128>}, {pipeline_mode = #tpu.pipeline_mode<synchronous>, transform_indices = @transform_1, window_bounds = array<i64: 2, 128>}, {pipeline_mode = #tpu.pipeline_mode<synchronous>, transform_indices = @transform_2, window_bounds = array<i64: 1, 128>}, {pipeline_mode = #tpu.pipeline_mode<synchronous>, transform_indices = @transform_3, window_bounds = array<i64: 1, 128>}, {transform_indices = @transform_4, window_bounds = array<i64: 1000, 128>}]} {
    %get3A = arith.constant 0 : index
    %get3A_0 = arith.constant 0 : index
    %get3A_1 = vector.load %arg2[%get3A, %get3A_0] : memref<2x128xf32, #tpu.memory_space<vmem>>, vector<2x128xf32>
    %slice3A = vector.extract_strided_slice %get3A_1 {offsets = [0, 0], sizes = [1, 128], strides = [1, 1]} : vector<2x128xf32> to vector<1x128xf32>
    %mul3A = arith.constant 9.99999974E-5 : f32
    %mul3A_2 = vector.broadcast %mul3A : f32 to vector<1x128xf32>
    %mul3A_3 = arith.mulf %slice3A, %mul3A_2 : vector<1x128xf32>
    %slice3A_4 = vector.extract_strided_slice %get3A_1 {offsets = [1, 0], sizes = [1, 128], strides = [1, 1]} : vector<2x128xf32> to vector<1x128xf32>
    %mul3A_5 = arith.constant 9.99999974E-5 : f32
    %mul3A_6 = vector.broadcast %mul3A_5 : f32 to vector<1x128xf32>
    %mul3A_7 = arith.mulf %slice3A_4, %mul3A_6 : vector<1x128xf32>
    %mul3A_8 = arith.mulf %mul3A_3, %mul3A_3 : vector<1x128xf32>
    %sub3A = arith.subf %mul3A_7, %mul3A_8 : vector<1x128xf32>
    %add3A = arith.constant 9.99999974E-6 : f32
    %add3A_9 = vector.broadcast %add3A : f32 to vector<1x128xf32>
    %add3A_10 = arith.addf %sub3A, %add3A_9 : vector<1x128xf32>
    %rsqrt3A = math.rsqrt %add3A_10 : vector<1x128xf32>
    %get3A_11 = arith.constant 0 : index
    %get3A_12 = arith.constant 0 : index
    %get3A_13 = vector.load %arg1[%get3A_11, %get3A_12] : memref<1000x128xf32, #tpu.memory_space<vmem>>, vector<1000x128xf32>
    %sub3A_14 = vector.broadcast %mul3A_3 : vector<1x128xf32> to vector<1000x128xf32>
    %sub3A_15 = arith.subf %get3A_13, %sub3A_14 : vector<1000x128xf32>
    %mul3A_16 = vector.broadcast %rsqrt3A : vector<1x128xf32> to vector<1000x128xf32>
    %mul3A_17 = arith.mulf %sub3A_15, %mul3A_16 : vector<1000x128xf32>
    %get3A_18 = arith.constant 0 : index
    %get3A_19 = arith.constant 0 : index
    %get3A_20 = vector.load %arg3[%get3A_18, %get3A_19] : memref<1x128xf32, #tpu.memory_space<vmem>>, vector<1x128xf32>
    %mul3A_21 = vector.broadcast %get3A_20 : vector<1x128xf32> to vector<1000x128xf32>
    %mul3A_22 = arith.mulf %mul3A_17, %mul3A_21 : vector<1000x128xf32>
    %get3A_23 = arith.constant 0 : index
    %get3A_24 = arith.constant 0 : index
    %get3A_25 = vector.load %arg4[%get3A_23, %get3A_24] : memref<1x128xf32, #tpu.memory_space<vmem>>, vector<1x128xf32>
    %add3A_26 = vector.broadcast %get3A_25 : vector<1x128xf32> to vector<1000x128xf32>
    %add3A_27 = arith.addf %mul3A_22, %add3A_26 : vector<1000x128xf32>
    %swap3A = arith.constant 0 : index
    %swap3A_28 = arith.constant 0 : index
    %swap3A_29 = vector.load %arg5[%swap3A, %swap3A_28] : memref<1000x128xf32, #tpu.memory_space<vmem>>, vector<1000x128xf32>
    tpu.vector_store %arg5[%swap3A, %swap3A_28], %add3A_27 {strides = array<i32>} : memref<1000x128xf32, #tpu.memory_space<vmem>>, vector<1000x128xf32>,
    return
  }
  func.func @transform_0(%arg0: i32) -> (i32, i32) {
    %c0_i32 = arith.constant 0 : i32
    %c0_i32_0 = arith.constant 0 : i32
    return %arg0, %c0_i32 : i32, i32
  }
  func.func @transform_1(%arg0: i32) -> (i32, i32) {
    %c0_i32 = arith.constant 0 : i32
    %c0_i32_0 = arith.constant 0 : i32
    %c0_i32_1 = arith.constant 0 : i32
    return %c0_i32, %c0_i32_0 : i32, i32
  }
  func.func @transform_2(%arg0: i32) -> (i32, i32) {
    %c0_i32 = arith.constant 0 : i32
    %c0_i32_0 = arith.constant 0 : i32
    %c0_i32_1 = arith.constant 0 : i32
    return %c0_i32, %c0_i32_0 : i32, i32
  }
  func.func @transform_3(%arg0: i32) -> (i32, i32) {
    %c0_i32 = arith.constant 0 : i32
    %c0_i32_0 = arith.constant 0 : i32
    %c0_i32_1 = arith.constant 0 : i32
    return %c0_i32, %c0_i32_0 : i32, i32
  }
  func.func @transform_4(%arg0: i32) -> (i32, i32) {
    %c0_i32 = arith.constant 0 : i32
    %c0_i32_0 = arith.constant 0 : i32
    return %arg0, %c0_i32 : i32, i32
  }
}

</mosaic_0001>

<sc_bundles>
// kernel: kernel.13.cloned.1.call-start
scs
__scs_entry_jumppad:
0x0: {  	(pc) =	sbr.rel $0x88, $3  }
0x1: {  	(tag) =	ssettag $0x0;
	lr =	simm.s32 $0x1  }
0x2: {  	[smem:$0x3F8B] =	sst lr;
	_ =	strace $0xD0000000  }
0x3: {  	_ = 	snop  }
0x4: {  	_ = 	snop  }
0x5: {  	_ = 	snop  }
0x6: {  	_ = 	snop  }
0x7: {  	_ = 	snop  }
__scs_overlays_trampoline_lowered:
0x8: {  	[smem:$0x3F9A] =	sst s0  }
0x9: {  	[smem:$0x3F9B] =	sst s1  }
0xa: {  	[smem:$0x3F9C] =	sst s2  }
0xb: {  	[smem:$0x3F9D] =	sst s3  }
0xc: {  	[smem:$0x3F9E] =	sst s4  }
0xd: {  	[smem:$0x3F9F] =	sst s5  }
0xe: {  	[smem:$0x3FA0] =	sst s6  }
0xf: {  	[smem:$0x3FA1] =	sst s7  }
0x10: {  	[smem:$0x3FA2] =	sst s8  }
0x11: {  	[smem:$0x3FA3] =	sst s9;
	s0 =	simm.s32 @!p0 $0x0  }
0x12: {  	s1 =	sld [smem:$0x3F89];
	s0 =	simm.s32 @p0 $0x1  }
0x13: {  	[smem:$0x3FA4] =	sst s0;
	s0 =	simm.s32 @!p1 $0x0  }
0x14: {  	s2 =	sld [smem:$0x3F88];
	s0 =	simm.s32 @p1 $0x1  }
0x15: {  	[smem:$0x3FA5] =	sst s0;
	s0 =	simm.s32 @!p2 $0x0  }
0x16: {  	s3 =	sld [smem:$0x3FDB];
	s0 =	simm.s32 @p2 $0x1  }
0x17: {  	s4 =	simm.s32 $0x1BF5;
	[smem:$0x3FA7] =	sst s0  }
0x18: {  	s0 =	sld [smem:$0x3F8A];
	_ =	swait.ge [sflag:s4], $0x0  }
0x19: {  	s7 =	sld [smem:$0x3F8B]  }
0x1a: {  	s8 =	sadd.s32 $0xFFFFE003, lr  }
0x1b: {  	s9 =	sadd.s32 $0xFFFFFEF7, lr;
	s5 =	simm.s32 $0xFFFFFFFF;
	p2 =	slt.u32 s8, $0xFFFFF086  }
0x1c: {  	p1 =	slt.u32 s9, $0xF7A;
	s5 =	simm.s32 @!p2 $0x0  }
0x1d: {  	s5 =	simm.s32 @p1 $0x1;
	p0 =	seq.s32 s7, s2  }
0x1e: {  	s7 =	smul.u32 @!p0 $0xF7A, s2;
	p2 =	seq.s32 @!p0 s5, $0x0  }
0x1f: {  	s9 =	smul.u32 $0xF7A, s1;
	s8 =	simm.s32 @!p0 $0x1BF5;
	p2 =	por !p2, p0  }
0x20: {  	[sflag:s8] =	ssyncset.s32 @!p0 $0xFFFFF086;
	s6 =	sadd.s32 @!p0 s3, s7;
	s7 =	simm.s32 @!p0 $0x108  }
0x21: {  	s3 =	sadd.s32 s3, s9;
	s6 =	sadd.s32 @!p0 $0x88, s6;
	s7 =	simm.s32 @p2 $0x1082  }
0x22: {  	[simem:s7], [sflag:s8] =	dma.local @!p0 [hbm:s6], $0xF7A  }
0x23: {  	s9 =	sor.u32 $0xD0000000, s2;
	s6 =	simm.s32 $0x108;
	_ =	swait.ge @!p0 [sflag:s8], $0x0  }
0x24: {  	s3 =	sadd.s32 $0x88, s3;
	s6 =	simm.s32 @!p1 $0x1082;
	[sflag:s4] =	ssyncset.s32 $0xFFFFF086  }
0x25: {  	[simem:s6], [sflag:s4] =	dma.local [hbm:s3], $0xF7A  }
0x26: {  	[smem:$0x3F8B] =	sst s1;
	(tag) =	ssettag s2;
	_ =	strace s9  }
0x27: {  	s1 =	sld [smem:$0x3F9B]  }
0x28: {  	s2 =	sld [smem:$0x3F9C]  }
0x29: {  	s4 =	sld [smem:$0x3F9E]  }
0x2a: {  	p0 =	seq.s32 s5, $0x0;
	s5 =	sld [smem:$0x3F9F]  }
0x2b: {  	s6 =	sld [smem:$0x3FA0]  }
0x2c: {  	s7 =	sld [smem:$0x3FA1]  }
0x2d: {  	s3 =	simm.s32 $0x108;
	s8 =	sld [smem:$0x3FA2]  }
0x2e: {  	s3 =	simm.s32 @!p0 $0x1082;
	s9 =	sld [smem:$0x3FA3]  }
0x2f: {  	lr =	sadd.s32 s0, s3;
	s0 =	sld [smem:$0x3F9A]  }
0x30: {  	s3 =	sld [smem:$0x3F9D]  }
0x31: {  	[smem:$0x3FA6] =	sst s10  }
0x32: {  	s10 =	sld [smem:$0x3FA4];
	_ =	sdelay $0x3  }
0x33: {  	p0 =	seq.s32 s10, $0x1;
	s10 =	sld [smem:$0x3FA6];
	_ =	sdelay $0x3  }
0x34: {  	[smem:$0x3FA6] =	sst s10  }
0x35: {  	s10 =	sld [smem:$0x3FA5];
	_ =	sdelay $0x3  }
0x36: {  	p1 =	seq.s32 s10, $0x1;
	s10 =	sld [smem:$0x3FA6];
	_ =	sdelay $0x3  }
0x37: {  	[smem:$0x3FA6] =	sst s10  }
0x38: {  	s10 =	sld [smem:$0x3FA7]  }
0x39: {  	_ = 	snop;
	(pc) =	sbr.ind lr, $3  }
0x3a: {  	_ = 	snop  }
0x3b: {  	_ = 	snop  }
0x3c: {  	p2 =	seq.s32 s10, $0x1;
	s10 =	sld [smem:$0x3FA6]  }
0x3d: {  	_ =	shalt  }
0x3e: {  	_ =	shalt  }
0x3f: {  	_ =	shalt  }
0x40: {  	_ =	shalt  }
0x41: {  	_ =	shalt  }
0x42: {  	_ =	shalt  }
0x43: {  	_ =	shalt  }
0x44: {  	_ =	shalt  }
0x45: {  	_ =	shalt  }
0x46: {  	_ =	shalt  }
0x47: {  	_ =	shalt  }
0x48: {  	_ =	shalt  }
0x49: {  	_ =	shalt  }
0x4a: {  	_ =	shalt  }
0x4b: {  	_ =	shalt  }
0x4c: {  	_ =	shalt  }
0x4d: {  	_ =	shalt  }
0x4e: {  	_ =	shalt  }
0x4f: {  	_ =	shalt  }
0x50: {  	_ =	shalt  }
0x51: {  	_ =	shalt  }
0x52: {  	_ =	shalt  }
0x53: {  	_ =	shalt  }
0x54: {  	_ =	shalt  }
0x55: {  	_ =	shalt  }
0x56: {  	_ =	shalt  }
0x57: {  	_ =	shalt  }
0x58: {  	_ =	shalt  }
0x59: {  	_ =	shalt  }
0x5a: {  	_ =	shalt  }
0x5b: {  	_ =	shalt  }
0x5c: {  	_ =	shalt  }
0x5d: {  	_ =	shalt  }
0x5e: {  	_ =	shalt  }
0x5f: {  	_ =	shalt  }
0x60: {  	_ =	shalt  }
0x61: {  	_ =	shalt  }
0x62: {  	_ =	shalt  }
0x63: {  	_ =	shalt  }
0x64: {  	_ =	shalt  }
0x65: {  	_ =	shalt  }
0x66: {  	_ =	shalt  }
0x67: {  	_ =	shalt  }
0x68: {  	_ =	shalt  }
0x69: {  	_ =	shalt  }
0x6a: {  	_ =	shalt  }
0x6b: {  	_ =	shalt  }
0x6c: {  	_ =	shalt  }
0x6d: {  	_ =	shalt  }
0x6e: {  	_ =	shalt  }
0x6f: {  	_ =	shalt  }
0x70: {  	_ =	shalt  }
0x71: {  	_ =	shalt  }
0x72: {  	_ =	shalt  }
0x73: {  	_ =	shalt  }
0x74: {  	_ =	shalt  }
0x75: {  	_ =	shalt  }
0x76: {  	_ =	shalt  }
0x77: {  	_ =	shalt  }
0x78: {  	_ =	shalt  }
0x79: {  	_ =	shalt  }
0x7a: {  	_ =	shalt  }
0x7b: {  	_ =	shalt  }
0x7c: {  	_ =	shalt  }
0x7d: {  	_ =	shalt  }
0x7e: {  	_ =	shalt  }
0x7f: {  	_ =	shalt  }
0x80: {  	_ =	shalt  }
0x81: {  	_ =	shalt  }
0x82: {  	_ =	shalt  }
0x83: {  	_ =	shalt  }
0x84: {  	_ =	shalt  }
0x85: {  	_ =	shalt  }
0x86: {  	_ =	shalt  }
0x87: {  	_ =	shalt  }
.Lfunc_end0:
.L_simem_size_0:
called_computation_lowered:
.L_overlay_start_0:
0x88: {  	s2 =	sld [smem:$0x3FD9]  }
0x89: {  	s3 =	sld [smem:$0x3FFE];
	_ =	sdelay $0x1  }
0x8a: {  	s1 =	srdreg.scid  }
0x8b: {  	s0 =	sand.u32 $0x1, s1  }
0x8c: {  	s17 =	sshll.u32 s0, $0xA;
	s2 =	sadd.s32 s3, s2  }
0x8d: {  	s2 =	sadd.s32 s2, s17  }
0x8e: {  	[smem:$0x3FB2] =	sst s2  }
0x8f: {  	_ = 	snop  }
0x90: {  	s18 =	sld [smem:$0x3FD0];
	(tm) =	ssettm $0x1  }
0x91: {  	s19 =	sld [smem:$0x3FFB];
	_ =	sdelay $0x3  }
0x92: {  	_ =	strace s19  }
0x93: {  	s2 =	sld [smem:$0x3FFC];
	_ =	sdelay $0x3  }
0x94: {  	_ =	strace s2  }
0x95: {  	s2 =	sld [smem:$0x3FFD];
	_ =	sdelay $0x3  }
0x96: {  	_ =	strace s2  }
0x97: {  	_ =	strace $0x8FFFFFFF  }
0x98: {  	s20 =	sld [smem:$0x3FDB];
	_ =	sdelay $0x1  }
0x99: {  	s4 =	simm.s32 $_scs_section_size  }
0x9a: {  	s5 =	simm.s32 $_size__tile_overlayer_lowered;
	s6 =	simm.s32 $_tile_overlayer_lowered  }
0x9b: {  	s7 =	simm.s32 $0x1BFF;
	s21 =	sshll.u32 s6, $0x1;
	s4 =	sadd.s32 s4, s20  }
0x9c: {  	s22 =	simm.s32 $0x0;
	s5 =	sshll.u32 s5, $0x1;
	s6 =	sadd.s32 s21, s4  }
0x9d: {  	[timem:s22], [sflag:s7] =	dma.local [hbm:s6], s5  }
0x9e: {  	_ =	swait.ge [sflag:s7], s5  }
0x9f: {  	s5 =	ssub.s32 $0x0, s5;
	[sflag:s7] =	ssyncset.done $0x0  }
0xa0: {  	[sflag:s7] =	ssyncadd.s32 s5;
	_ =	sdelay $0x1  }
0xa1: {  	s23 =	simm.s32 $0x1B8B  }
0xa2: {  	_ =	swait.ge [sflag:s23], $0x1  }
0xa3: {  	[sflag:s23] =	ssyncset.done $0x0  }
0xa4: {  	[sflag:s23] =	ssyncadd.s32 $0xFFFFFFFF  }
0xa5: {  	s5 =	sld [smem:$0x0]  }
0xa6: {  	s6 =	sand.u32 $0xFFFFFFFE, s1  }
0xa7: {  	p0 =	sne.s32 s1, s6  }
0xa8: {  	s6 =	sshll.u32 @p0 s6, $0xE  }
0xa9: {  	s6 =	sadd.s32 @p0 $0x11B8D, s6;
	s7 =	sshll.u32 @p0 s5, $0x11  }
0xaa: {  	s6 =	sor.u32 @p0 s7, s6  }
0xab: {  	[sflag:s6] =	ssyncadd.remote.s32 @p0 $0x1;
	_ =	sdelay $0x1  }
0xac: {  	s6 =	simm.s32 @p0 $0x1B8D  }
0xad: {  	_ =	swait.eq @p0 [sflag:s6], $0x1  }
0xae: {  	[sflag:s6] =	ssyncadd.s32 @p0 $0xFFFFFFFF  }
0xaf: {  	s7 =	sshll.u32 @!p0 s1, $0xE  }
0xb0: {  	s7 =	sor.u32 @!p0 $0x4000, s7;
	s6 =	simm.s32 @!p0 $0x1B8D  }
0xb1: {  	s5 =	sshll.u32 @!p0 s5, $0x11;
	s7 =	sadd.s32 @!p0 $0x11B8D, s7;
	_ =	swait.eq @!p0 [sflag:s6], $0x1  }
0xb2: {  	s5 =	sor.u32 @!p0 s5, s7;
	[sflag:s6] =	ssyncadd.s32 @!p0 $0xFFFFFFFF  }
0xb3: {  	s25 =	simm.s32 $0x1B8E;
	s24 =	sld [smem:$0x3FFE];
	[sflag:s5] =	ssyncadd.remote.s32 @!p0 $0x1  }
0xb4: {  	s26 =	simm.s32 $execute0_lowered;
	[smem:$0x3FD2] =	sst s25  }
0xb5: {  	s6 =	sshll.u32 s26, $0x1;
	_ =	strace $0x80000049;
	[dreg:$0x1] =	wrdreg $0xFFFFFFFF  }
0xb6: {  	s28 =	simm.s32 $_size_execute0_lowered;
	s4 =	sadd.s32 s4, s6;
	[dreg:$0x0] =	wrdreg $0x0  }
0xb7: {  	s6 =	sshll.u32 s28, $0x1;
	[dreg:$0x2] =	wrdreg s4  }
0xb8: {  	[dreg:$0x3] =	wrdreg s6  }
0xb9: {  	[dreg:$0x4] =	wrdreg $0xC0  }
0xba: {  	_ =	task [dreg:s22], $0x5FFFF  }
0xbb: {  	[dreg:$0x1] =	wrdreg $0xFFFFFFFF  }
0xbc: {  	[dreg:$0x0] =	wrdreg $0x60  }
0xbd: {  	[dreg:$0x2] =	wrdreg s18  }
0xbe: {  	[dreg:$0x3] =	wrdreg s24  }
0xbf: {  	[dreg:$0x4] =	wrdreg $0x9  }
0xc0: {  	_ =	task.clear_ibuf [dreg:s22], $0x5FFFF;
	_ =	strace $0x90000049  }
0xc1: {  	s29 =	simm.s32 $0x9;
	_ =	strace $0x8000004B  }
0xc2: {  	_ =	swait.ge [sflag:s29], $0x1  }
0xc3: {  	[sflag:s29] =	ssyncadd.s32 $0xFFFFFFFF  }
0xc4: {  	_ =	strace $0x9000004B  }
0xc5: {  	_ =	sfence  }
0xc6: {  	s30 =	sld [smem:$0x0];
	_ =	sdelay $0x2  }
0xc7: {  	s31 =	sshll.u32 s1, $0xD;
	s1 =	sshrl.u32 s1, $0x2  }
0xc8: {  	s4 =	sand.u32 $0x4000, s31;
	s1 =	sadd.s32 s1, s30  }
0xc9: {  	s0 =	sor.u32 s4, s0;
	s1 =	sshll.u32 s1, $0x11  }
0xca: {  	s0 =	sor.u32 s1, s0  }
0xcb: {  	s0 =	sadd.s32 $0x8F2B, s0  }
0xcc: {  	[sflag:s0] =	ssyncadd.remote.s32 $0x1  }
0xcd: {  	_ =	sfence.sel $0xFFFF  }
0xce: {  	[dreg:$0x0] =	wrdreg $0xFFFFFFFF;
	(pc) =	sbr.abs _section_cstart, $3  }
0xcf: {  	[dreg:$0x1] =	wrdreg $0xFFFFFFFF  }
0xd0: {  	_ =	task.clear_ibuf [dreg:s22], $0x2FFFF;
	_ =	strace $0x9FFFFFFF  }
0xd1: {  	(tm) =	ssettm $0x7FFFFFFF  }
tec
execute0_lowered:
.L_overlay_start_1:
0x0: {  	(tag) =	ssettag $0x1  }
0x1: {  	s0 =	srdreg.scid;
	s2 =	rddreg [dreg:$0x0]  }
0x2: {  	s8 =	stileid.u32;
	s4 =	rddreg [dreg:$0x1];
	s3 =	simm.s32 $0x0  }
0x3: {  	s21 =	simm.s32 $0x3;
	s23 =	simm.s32 $0x80;
	s24 =	simm.s32 $0x1800  }
0x4: {  	s25 =	simm.s32 $0x9800;
	s26 =	simm.s32 $0x5800;
	s28 =	simm.s32 $0xD800  }
0x5: {  	s29 =	simm.s32 $0x1;
	s30 =	simm.s32 $0x2;
	s31 =	simm.s32 $0x0  }
0x6: {  	s0 =	sand.u32 $0x1, s0;
	s1 =	sshll.u32 s8, $0x1;
	[smem:$0x7FF] =	sst s3  }
0x7: {  	s12 =	smul.u32 $0xA0000, s8;
	s1 =	sor.u32 s0, s1;
	s6 =	ssub.s32 $0x2, s0  }
0x8: {  	s18 =	sadd.s32 $0x290E00, s4;
	s5 =	smul.u32 $0x140, s1;
	s7 =	sshrl.u32 s6, $0x1  }
0x9: {  	_ =	strace $0x8000004A;
	s1 =	smul.u32 $0x50000, s1;
	s6 =	ssub.s32 s6, s7  }
0xa: {  	s7 =	sshll.u32 s0, $0x9;
	s0 =	smul.u32 $0x50000, s0;
	s5 =	sand.u32 $0x3F80, s5  }
0xb: {  	s6 =	smax.u32 s6, $0x1;
	s8 =	sor.u32 $0xC00, s7;
	s1 =	sshrl.u32 s1, $0x3  }
0xc: {  	s10 =	sor.u32 $0xC80, s7;
	s19 =	sor.u32 $0x180, s7;
	s20 =	sor.u32 $0xD80, s7  }
0xd: {  	s5 =	sadd.s32 s5, s4;
	s4 =	sadd.s32 $0x3D0E00, s4;
	s11 =	sadd.s32 s18, s1  }
0xe: {  	s0 =	sadd.s32 s0, s12;
	s9 =	sadd.s32 $0x28BE00, s5;
	s5 =	sadd.s32 $0x28E600, s5  }
0xf: {  	s12 =	sadd.s32 s4, s1;
	s1 =	sor.u32 $0x800, s1;
	[dreg:$0x3] =	wrdreg s9  }
0x10: {  	s14 =	sor.u32 $0x8000, s0;
	s0 =	sor.u32 $0xC000, s0;
	[dreg:$0x4] =	wrdreg s5  }
0x11: {  	s9 =	sor.u32 $0x80, s7;
	s13 =	sadd.s32 s18, s1;
	s16 =	sshrl.u32 s14, $0x3  }
0x12: {  	s14 =	sadd.s32 s4, s1;
	s0 =	sshrl.u32 s0, $0x3;
	s15 =	sadd.s32 s16, s4  }
0x13: {  	s16 =	sadd.s32 s16, s18;
	s17 =	sadd.s32 s0, s4;
	s18 =	sadd.s32 s0, s18  }
.LBB2_1:
0x14: {  	s0 =	rddreg [dreg:$0x3]  }
0x15: {  	[tilespmem:s3], [sflag:$0x3] =	stream.linear.gather [hbm4b:s0+s3], $0xC00, $0x38;
	[tilespmem:$0x11800] =	vst v63  }
0x16: {  	_ =	swait.ge [sflag:s21], $0xC00  }
0x17: {  	[sflag:s21] =	ssyncset.done $0x0  }
0x18: {  	s1 =	simm.s32 $0xC00;
	s5 =	rddreg [dreg:$0x4];
	[sflag:s21] =	ssyncadd.s32 $0xFFFFF400  }
0x19: {  	[tilespmem:s1], [sflag:$0x3] =	stream.linear.gather [hbm4b:s5+s3], $0xC00, $0x38;
	[tilespmem:$0x11800] =	vst v63  }
0x1a: {  	_ =	swait.ge [sflag:s21], $0xC00  }
0x1b: {  	[sflag:s21] =	ssyncset.done $0x0  }
0x1c: {  	[sflag:s21] =	ssyncadd.s32 $0xFFFFF400  }
0x1d: {  	[tilespmem:s24], [sflag:$0x1] =	stream.indirect.gather [hbm4b:s2+s23], $0x80, s7, s23, $0xb8;
	[tilespmem:$0x11800] =	vst v63  }
0x1e: {  	_ = 	snop  }
0x1f: {  	[tilespmem:s25], [sflag:$0x1] =	stream.indirect.gather [hbm4b:s2+s23], $0x80, s8, s23, $0xb8;
	[tilespmem:$0x11800] =	vst v63  }
0x20: {  	_ = 	snop  }
0x21: {  	[tilespmem:s26], [sflag:$0x1] =	stream.indirect.gather [hbm4b:s2+s23], $0x80, s9, s23, $0xb8;
	[tilespmem:$0x11800] =	vst v63  }
0x22: {  	_ = 	snop  }
0x23: {  	[tilespmem:s28], [sflag:$0x1] =	stream.indirect.gather [hbm4b:s2+s23], $0x80, s10, s23, $0xb8;
	[tilespmem:$0x11800] =	vst v63  }
0x24: {  	_ =	swait.ge [sflag:s29], $0x4000  }
0x25: {  	[sflag:s29] =	ssyncset.done $0x0  }
0x26: {  	[sflag:s29] =	ssyncadd.s32 $0xFFFFC000  }
0x27: {  	[hbm4b:s11+s3] =	stream.linear.scatter [tilespmem:s24], [sflag:$0x2], $0x4000, $0x38;
	[tilespmem:$0x11800] =	vst v63  }
0x28: {  	_ =	swait.ge [sflag:s29], $0x4000  }
0x29: {  	[sflag:s29] =	ssyncset.done $0x0  }
0x2a: {  	[sflag:s29] =	ssyncadd.s32 $0xFFFFC000  }
0x2b: {  	[hbm4b:s12+s3] =	stream.linear.scatter [tilespmem:s25], [sflag:$0x2], $0x4000, $0x38;
	[tilespmem:$0x11800] =	vst v63  }
0x2c: {  	_ =	swait.ge [sflag:s29], $0x4000  }
0x2d: {  	[sflag:s29] =	ssyncset.done $0x0  }
0x2e: {  	[sflag:s29] =	ssyncadd.s32 $0xFFFFC000  }
0x2f: {  	[hbm4b:s13+s3] =	stream.linear.scatter [tilespmem:s26], [sflag:$0x2], $0x4000, $0x38;
	[tilespmem:$0x11800] =	vst v63  }
0x30: {  	_ =	swait.ge [sflag:s29], $0x4000  }
0x31: {  	[sflag:s29] =	ssyncset.done $0x0  }
0x32: {  	[sflag:s29] =	ssyncadd.s32 $0xFFFFC000  }
0x33: {  	[hbm4b:s14+s3] =	stream.linear.scatter [tilespmem:s28], [sflag:$0x2], $0x4000, $0x38;
	[tilespmem:$0x11800] =	vst v63  }
0x34: {  	s22 =	sadd.s32 $0xFFFFFF80, s19  }
0x35: {  	[tilespmem:s24], [sflag:$0x1] =	stream.indirect.gather [hbm4b:s2+s23], $0x80, s22, s23, $0xb8;
	[tilespmem:$0x11800] =	vst v63  }
0x36: {  	s1 =	sadd.s32 $0xFFFFFF80, s20  }
0x37: {  	[tilespmem:s25], [sflag:$0x1] =	stream.indirect.gather [hbm4b:s2+s23], $0x80, s1, s23, $0xb8;
	[tilespmem:$0x11800] =	vst v63  }
0x38: {  	_ = 	snop  }
0x39: {  	[tilespmem:s26], [sflag:$0x1] =	stream.indirect.gather [hbm4b:s2+s23], $0x80, s19, s23, $0xb8;
	[tilespmem:$0x11800] =	vst v63  }
0x3a: {  	_ = 	snop  }
0x3b: {  	[tilespmem:s28], [sflag:$0x1] =	stream.indirect.gather [hbm4b:s2+s23], $0x80, s20, s23, $0xb8;
	[tilespmem:$0x11800] =	vst v63  }
0x3c: {  	_ =	swait.ge [sflag:s30], $0x4000  }
0x3d: {  	[sflag:s30] =	ssyncset.done $0x0  }
0x3e: {  	[sflag:s30] =	ssyncadd.s32 $0xFFFFC000  }
0x3f: {  	_ =	swait.ge [sflag:s30], $0x4000  }
0x40: {  	[sflag:s30] =	ssyncset.done $0x0  }
0x41: {  	[sflag:s30] =	ssyncadd.s32 $0xFFFFC000  }
0x42: {  	_ =	swait.ge [sflag:s30], $0x4000  }
0x43: {  	[sflag:s30] =	ssyncset.done $0x0  }
0x44: {  	[sflag:s30] =	ssyncadd.s32 $0xFFFFC000  }
0x45: {  	_ =	swait.ge [sflag:s30], $0x4000  }
0x46: {  	[sflag:s30] =	ssyncset.done $0x0  }
0x47: {  	[sflag:s30] =	ssyncadd.s32 $0xFFFFC000  }
0x48: {  	_ =	swait.ge [sflag:s29], $0x4000  }
0x49: {  	[sflag:s29] =	ssyncset.done $0x0  }
0x4a: {  	s4 =	sadd.s32 $0x0, s16;
	[sflag:s29] =	ssyncadd.s32 $0xFFFFC000  }
0x4b: {  	[hbm4b:s4+s3] =	stream.linear.scatter [tilespmem:s24], [sflag:$0x2], $0x4000, $0x38;
	[tilespmem:$0x11800] =	vst v63  }
0x4c: {  	_ =	swait.ge [sflag:s29], $0x4000  }
0x4d: {  	[sflag:s29] =	ssyncset.done $0x0  }
0x4e: {  	s5 =	sadd.s32 $0x0, s15;
	[sflag:s29] =	ssyncadd.s32 $0xFFFFC000  }
0x4f: {  	[hbm4b:s5+s3] =	stream.linear.scatter [tilespmem:s25], [sflag:$0x2], $0x4000, $0x38;
	[tilespmem:$0x11800] =	vst v63  }
0x50: {  	_ =	swait.ge [sflag:s29], $0x4000  }
0x51: {  	[sflag:s29] =	ssyncset.done $0x0  }
0x52: {  	s22 =	sadd.s32 $0x0, s18;
	[sflag:s29] =	ssyncadd.s32 $0xFFFFC000  }
0x53: {  	[hbm4b:s22+s3] =	stream.linear.scatter [tilespmem:s26], [sflag:$0x2], $0x4000, $0x38;
	[tilespmem:$0x11800] =	vst v63  }
0x54: {  	_ =	swait.ge [sflag:s29], $0x4000  }
0x55: {  	s0 =	sadd.s32 $0x100, s20;
	s1 =	simm.s32 $0x1000;
	[sflag:s29] =	ssyncset.done $0x0  }
0x56: {  	s4 =	sadd.s32 $0x0, s17;
	s22 =	sadd.s32 $0x100, s19;
	[sflag:s29] =	ssyncadd.s32 $0xFFFFC000  }
.LBB2_2:
0x57: {  	[hbm4b:s4+s3] =	stream.linear.scatter [tilespmem:s28], [sflag:$0x2], $0x4000, $0x38;
	[tilespmem:$0x11800] =	vst v63  }
0x58: {  	s4 =	smov.u32 s1  }
0x59: {  	s5 =	sadd.s32 $0xFFFFFF80, s22;
	p0 =	sne.s32 s1, $0x8000;
	s1 =	sadd.s32 $0x1000, s1  }
0x5a: {  	[tilespmem:s24], [sflag:$0x1] =	stream.indirect.gather [hbm4b:s2+s23], $0x80, s5, s23, $0xb8;
	[tilespmem:$0x11800] =	vst v63  }
0x5b: {  	s5 =	sadd.s32 $0xFFFFFF80, s0  }
0x5c: {  	[tilespmem:s25], [sflag:$0x1] =	stream.indirect.gather [hbm4b:s2+s23], $0x80, s5, s23, $0xb8;
	[tilespmem:$0x11800] =	vst v63  }
0x5d: {  	_ = 	snop  }
0x5e: {  	[tilespmem:s26], [sflag:$0x1] =	stream.indirect.gather [hbm4b:s2+s23], $0x80, s22, s23, $0xb8;
	[tilespmem:$0x11800] =	vst v63  }
0x5f: {  	_ = 	snop  }
0x60: {  	[tilespmem:s28], [sflag:$0x1] =	stream.indirect.gather [hbm4b:s2+s23], $0x80, s0, s23, $0xb8;
	[tilespmem:$0x11800] =	vst v63  }
0x61: {  	_ =	swait.ge [sflag:s30], $0x4000  }
0x62: {  	[sflag:s30] =	ssyncset.done $0x0  }
0x63: {  	[sflag:s30] =	ssyncadd.s32 $0xFFFFC000  }
0x64: {  	_ =	swait.ge [sflag:s30], $0x4000  }
0x65: {  	[sflag:s30] =	ssyncset.done $0x0  }
0x66: {  	[sflag:s30] =	ssyncadd.s32 $0xFFFFC000  }
0x67: {  	_ =	swait.ge [sflag:s30], $0x4000  }
0x68: {  	[sflag:s30] =	ssyncset.done $0x0  }
0x69: {  	[sflag:s30] =	ssyncadd.s32 $0xFFFFC000  }
0x6a: {  	_ =	swait.ge [sflag:s30], $0x4000  }
0x6b: {  	[sflag:s30] =	ssyncset.done $0x0  }
0x6c: {  	[sflag:s30] =	ssyncadd.s32 $0xFFFFC000  }
0x6d: {  	_ =	swait.ge [sflag:s29], $0x4000  }
0x6e: {  	[sflag:s29] =	ssyncset.done $0x0  }
0x6f: {  	s5 =	sadd.s32 s4, s16;
	[sflag:s29] =	ssyncadd.s32 $0xFFFFC000  }
0x70: {  	[hbm4b:s5+s3] =	stream.linear.scatter [tilespmem:s24], [sflag:$0x2], $0x4000, $0x38;
	[tilespmem:$0x11800] =	vst v63  }
0x71: {  	_ =	swait.ge [sflag:s29], $0x4000  }
0x72: {  	[sflag:s29] =	ssyncset.done $0x0  }
0x73: {  	s5 =	sadd.s32 s4, s15;
	[sflag:s29] =	ssyncadd.s32 $0xFFFFC000  }
0x74: {  	[hbm4b:s5+s3] =	stream.linear.scatter [tilespmem:s25], [sflag:$0x2], $0x4000, $0x38;
	[tilespmem:$0x11800] =	vst v63  }
0x75: {  	_ =	swait.ge [sflag:s29], $0x4000  }
0x76: {  	[sflag:s29] =	ssyncset.done $0x0  }
.Ltmp0:
0x77: {  	s5 =	sadd.s32 s4, s18;
	[sflag:s29] =	ssyncadd.s32 $0xFFFFC000;
	(pc) =	sbr.rel @p0 .LBB2_2-.Ltmp0, $4  }
0x78: {  	[hbm4b:s5+s3] =	stream.linear.scatter [tilespmem:s26], [sflag:$0x2], $0x4000, $0x38;
	[tilespmem:$0x11800] =	vst v63  }
0x79: {  	_ =	swait.ge [sflag:s29], $0x4000  }
0x7a: {  	s0 =	sadd.s32 $0x100, s0;
	[sflag:s29] =	ssyncset.done $0x0  }
0x7b: {  	s22 =	sadd.s32 $0x100, s22;
	s4 =	sadd.s32 s4, s17;
	[sflag:s29] =	ssyncadd.s32 $0xFFFFC000  }
0x7c: {  	[hbm4b:s4+s3] =	stream.linear.scatter [tilespmem:s28], [sflag:$0x2], $0x4000, $0x38;
	[tilespmem:$0x11800] =	vst v63  }
0x7d: {  	_ =	swait.ge [sflag:s30], $0x4000  }
0x7e: {  	[sflag:s30] =	ssyncset.done $0x0  }
0x7f: {  	[sflag:s30] =	ssyncadd.s32 $0xFFFFC000  }
0x80: {  	_ =	swait.ge [sflag:s30], $0x4000  }
0x81: {  	[sflag:s30] =	ssyncset.done $0x0  }
0x82: {  	s31 =	sadd.s32 $0x1, s31;
	[sflag:s30] =	ssyncadd.s32 $0xFFFFC000  }
0x83: {  	p0 =	sne.s32 s31, s6;
	_ =	swait.ge [sflag:s30], $0x4000  }
.Ltmp1:
0x84: {  	[sflag:s30] =	ssyncset.done $0x0;
	(pc) =	sbr.rel @p0 .LBB2_1-.Ltmp1, $4  }
0x85: {  	[sflag:s30] =	ssyncadd.s32 $0xFFFFC000  }
0x86: {  	_ =	swait.ge [sflag:s30], $0x4000  }
0x87: {  	[sflag:s30] =	ssyncset.done $0x0  }
0x88: {  	[sflag:s30] =	ssyncadd.s32 $0xFFFFC000  }
0x89: {  	_ =	sfence.sel $0x180000  }
0x8a: {  	[bflag:$0x0] =	sbarrier.arrive $0xFFFF  }
0x8b: {  	_ =	strace $0x9000004A  }
0x8c: {  	s0 =	stileid.u32;
	[bflag:$0x2] =	sbarrier.arrive $0xFFFF  }
0x8d: {  	p0 =	sne.s32 s0, $0x0;
	s0 =	rddreg [dreg:$0x2]  }
0x8e: {  	s0 =	sadd.s32 @!p0 $0x100000, s0  }
0x8f: {  	[sflag:s0] =	ssyncadd.tile.s32 @!p0 $0x1;
	_ =	shalt  }
.Lfunc_end2:
_tile_overlayer_lowered:
.L_overlay_start_2:
0x90: {  	(tag) =	ssettag $0x2  }
0x91: {  	s0 =	rddreg [dreg:$0x0];
	s2 =	stileid.u32  }
0x92: {  	s1 =	rddreg [dreg:$0x1];
	p0 =	sne.s32 s2, $0x0  }
0x93: {  	s3 =	rddreg [dreg:$0x2];
	[bflag:$0x3] =	sbarrier.arrive $0xFFFF;
	s2 =	simm.s32 @!p0 $0x1C03  }
0x94: {  	[timem:s3], [sflag:s2] =	dma.local @!p0 [hbm:s0], s1  }
0x95: {  	s0 =	simm.s32 @!p0 $0x3  }
0x96: {  	_ =	swait.ge @!p0 [sflag:s0], s1  }
0x97: {  	s1 =	ssub.s32 @!p0 $0x0, s1;
	[sflag:s0] =	ssyncset.done @!p0 $0x0  }
0x98: {  	[sflag:s0] =	ssyncadd.s32 @!p0 s1  }
0x99: {  	[bflag:$0x3] =	sbarrier.arrive $0xFFFF  }
0x9a: {  	_ =	shalt  }

// kernel: kernel.16.cloned.1.call-start
scs
__scs_entry_jumppad:
0x0: {  	(pc) =	sbr.rel $0x88, $3  }
0x1: {  	(tag) =	ssettag $0x0;
	lr =	simm.s32 $0x1  }
0x2: {  	[smem:$0x3F8B] =	sst lr;
	_ =	strace $0xD0000000  }
0x3: {  	_ = 	snop  }
0x4: {  	_ = 	snop  }
0x5: {  	_ = 	snop  }
0x6: {  	_ = 	snop  }
0x7: {  	_ = 	snop  }
__scs_overlays_trampoline_lowered:
0x8: {  	[smem:$0x3F9A] =	sst s0  }
0x9: {  	[smem:$0x3F9B] =	sst s1  }
0xa: {  	[smem:$0x3F9C] =	sst s2  }
0xb: {  	[smem:$0x3F9D] =	sst s3  }
0xc: {  	[smem:$0x3F9E] =	sst s4  }
0xd: {  	[smem:$0x3F9F] =	sst s5  }
0xe: {  	[smem:$0x3FA0] =	sst s6  }
0xf: {  	[smem:$0x3FA1] =	sst s7  }
0x10: {  	[smem:$0x3FA2] =	sst s8  }
0x11: {  	[smem:$0x3FA3] =	sst s9;
	s0 =	simm.s32 @!p0 $0x0  }
0x12: {  	s1 =	sld [smem:$0x3F89];
	s0 =	simm.s32 @p0 $0x1  }
0x13: {  	[smem:$0x3FA4] =	sst s0;
	s0 =	simm.s32 @!p1 $0x0  }
0x14: {  	s2 =	sld [smem:$0x3F88];
	s0 =	simm.s32 @p1 $0x1  }
0x15: {  	[smem:$0x3FA5] =	sst s0;
	s0 =	simm.s32 @!p2 $0x0  }
0x16: {  	s3 =	sld [smem:$0x3FDB];
	s0 =	simm.s32 @p2 $0x1  }
0x17: {  	s4 =	simm.s32 $0x1BF5;
	[smem:$0x3FA7] =	sst s0  }
0x18: {  	s0 =	sld [smem:$0x3F8A];
	_ =	swait.ge [sflag:s4], $0x0  }
0x19: {  	s7 =	sld [smem:$0x3F8B]  }
0x1a: {  	s8 =	sadd.s32 $0xFFFFE003, lr  }
0x1b: {  	s9 =	sadd.s32 $0xFFFFFEF7, lr;
	s5 =	simm.s32 $0xFFFFFFFF;
	p2 =	slt.u32 s8, $0xFFFFF086  }
0x1c: {  	p1 =	slt.u32 s9, $0xF7A;
	s5 =	simm.s32 @!p2 $0x0  }
0x1d: {  	s5 =	simm.s32 @p1 $0x1;
	p0 =	seq.s32 s7, s2  }
0x1e: {  	s7 =	smul.u32 @!p0 $0xF7A, s2;
	p2 =	seq.s32 @!p0 s5, $0x0  }
0x1f: {  	s9 =	smul.u32 $0xF7A, s1;
	s8 =	simm.s32 @!p0 $0x1BF5;
	p2 =	por !p2, p0  }
0x20: {  	[sflag:s8] =	ssyncset.s32 @!p0 $0xFFFFF086;
	s6 =	sadd.s32 @!p0 s3, s7;
	s7 =	simm.s32 @!p0 $0x108  }
0x21: {  	s3 =	sadd.s32 s3, s9;
	s6 =	sadd.s32 @!p0 $0x88, s6;
	s7 =	simm.s32 @p2 $0x1082  }
0x22: {  	[simem:s7], [sflag:s8] =	dma.local @!p0 [hbm:s6], $0xF7A  }
0x23: {  	s9 =	sor.u32 $0xD0000000, s2;
	s6 =	simm.s32 $0x108;
	_ =	swait.ge @!p0 [sflag:s8], $0x0  }
0x24: {  	s3 =	sadd.s32 $0x88, s3;
	s6 =	simm.s32 @!p1 $0x1082;
	[sflag:s4] =	ssyncset.s32 $0xFFFFF086  }
0x25: {  	[simem:s6], [sflag:s4] =	dma.local [hbm:s3], $0xF7A  }
0x26: {  	[smem:$0x3F8B] =	sst s1;
	(tag) =	ssettag s2;
	_ =	strace s9  }
0x27: {  	s1 =	sld [smem:$0x3F9B]  }
0x28: {  	s2 =	sld [smem:$0x3F9C]  }
0x29: {  	s4 =	sld [smem:$0x3F9E]  }
0x2a: {  	p0 =	seq.s32 s5, $0x0;
	s5 =	sld [smem:$0x3F9F]  }
0x2b: {  	s6 =	sld [smem:$0x3FA0]  }
0x2c: {  	s7 =	sld [smem:$0x3FA1]  }
0x2d: {  	s3 =	simm.s32 $0x108;
	s8 =	sld [smem:$0x3FA2]  }
0x2e: {  	s3 =	simm.s32 @!p0 $0x1082;
	s9 =	sld [smem:$0x3FA3]  }
0x2f: {  	lr =	sadd.s32 s0, s3;
	s0 =	sld [smem:$0x3F9A]  }
0x30: {  	s3 =	sld [smem:$0x3F9D]  }
0x31: {  	[smem:$0x3FA6] =	sst s10  }
0x32: {  	s10 =	sld [smem:$0x3FA4];
	_ =	sdelay $0x3  }
0x33: {  	p0 =	seq.s32 s10, $0x1;
	s10 =	sld [smem:$0x3FA6];
	_ =	sdelay $0x3  }
0x34: {  	[smem:$0x3FA6] =	sst s10  }
0x35: {  	s10 =	sld [smem:$0x3FA5];
	_ =	sdelay $0x3  }
0x36: {  	p1 =	seq.s32 s10, $0x1;
	s10 =	sld [smem:$0x3FA6];
	_ =	sdelay $0x3  }
0x37: {  	[smem:$0x3FA6] =	sst s10  }
0x38: {  	s10 =	sld [smem:$0x3FA7]  }
0x39: {  	_ = 	snop;
	(pc) =	sbr.ind lr, $3  }
0x3a: {  	_ = 	snop  }
0x3b: {  	_ = 	snop  }
0x3c: {  	p2 =	seq.s32 s10, $0x1;
	s10 =	sld [smem:$0x3FA6]  }
0x3d: {  	_ =	shalt  }
0x3e: {  	_ =	shalt  }
0x3f: {  	_ =	shalt  }
0x40: {  	_ =	shalt  }
0x41: {  	_ =	shalt  }
0x42: {  	_ =	shalt  }
0x43: {  	_ =	shalt  }
0x44: {  	_ =	shalt  }
0x45: {  	_ =	shalt  }
0x46: {  	_ =	shalt  }
0x47: {  	_ =	shalt  }
0x48: {  	_ =	shalt  }
0x49: {  	_ =	shalt  }
0x4a: {  	_ =	shalt  }
0x4b: {  	_ =	shalt  }
0x4c: {  	_ =	shalt  }
0x4d: {  	_ =	shalt  }
0x4e: {  	_ =	shalt  }
0x4f: {  	_ =	shalt  }
0x50: {  	_ =	shalt  }
0x51: {  	_ =	shalt  }
0x52: {  	_ =	shalt  }
0x53: {  	_ =	shalt  }
0x54: {  	_ =	shalt  }
0x55: {  	_ =	shalt  }
0x56: {  	_ =	shalt  }
0x57: {  	_ =	shalt  }
0x58: {  	_ =	shalt  }
0x59: {  	_ =	shalt  }
0x5a: {  	_ =	shalt  }
0x5b: {  	_ =	shalt  }
0x5c: {  	_ =	shalt  }
0x5d: {  	_ =	shalt  }
0x5e: {  	_ =	shalt  }
0x5f: {  	_ =	shalt  }
0x60: {  	_ =	shalt  }
0x61: {  	_ =	shalt  }
0x62: {  	_ =	shalt  }
0x63: {  	_ =	shalt  }
0x64: {  	_ =	shalt  }
0x65: {  	_ =	shalt  }
0x66: {  	_ =	shalt  }
0x67: {  	_ =	shalt  }
0x68: {  	_ =	shalt  }
0x69: {  	_ =	shalt  }
0x6a: {  	_ =	shalt  }
0x6b: {  	_ =	shalt  }
0x6c: {  	_ =	shalt  }
0x6d: {  	_ =	shalt  }
0x6e: {  	_ =	shalt  }
0x6f: {  	_ =	shalt  }
0x70: {  	_ =	shalt  }
0x71: {  	_ =	shalt  }
0x72: {  	_ =	shalt  }
0x73: {  	_ =	shalt  }
0x74: {  	_ =	shalt  }
0x75: {  	_ =	shalt  }
0x76: {  	_ =	shalt  }
0x77: {  	_ =	shalt  }
0x78: {  	_ =	shalt  }
0x79: {  	_ =	shalt  }
0x7a: {  	_ =	shalt  }
0x7b: {  	_ =	shalt  }
0x7c: {  	_ =	shalt  }
0x7d: {  	_ =	shalt  }
0x7e: {  	_ =	shalt  }
0x7f: {  	_ =	shalt  }
0x80: {  	_ =	shalt  }
0x81: {  	_ =	shalt  }
0x82: {  	_ =	shalt  }
0x83: {  	_ =	shalt  }
0x84: {  	_ =	shalt  }
0x85: {  	_ =	shalt  }
0x86: {  	_ =	shalt  }
0x87: {  	_ =	shalt  }
.Lfunc_end0:
.L_simem_size_0:
called_computation.1_lowered:
.L_overlay_start_0:
0x88: {  	s2 =	sld [smem:$0x3FD9]  }
0x89: {  	s3 =	sld [smem:$0x3FFE];
	_ =	sdelay $0x1  }
0x8a: {  	s1 =	srdreg.scid  }
0x8b: {  	s0 =	sand.u32 $0x1, s1  }
0x8c: {  	s17 =	sshll.u32 s0, $0xA;
	s2 =	sadd.s32 s3, s2  }
0x8d: {  	s2 =	sadd.s32 s2, s17  }
0x8e: {  	[smem:$0x3FB2] =	sst s2  }
0x8f: {  	_ = 	snop  }
0x90: {  	s2 =	sld [smem:$0x3FD0];
	(tm) =	ssettm $0x1  }
0x91: {  	s18 =	sld [smem:$0x3FFB];
	_ =	sdelay $0x3  }
0x92: {  	_ =	strace s18  }
0x93: {  	s3 =	sld [smem:$0x3FFC];
	_ =	sdelay $0x3  }
0x94: {  	_ =	strace s3  }
0x95: {  	s3 =	sld [smem:$0x3FFD];
	_ =	sdelay $0x3  }
0x96: {  	_ =	strace s3  }
0x97: {  	_ =	strace $0x8FFFFFFF  }
0x98: {  	s19 =	sld [smem:$0x3FDB];
	_ =	sdelay $0x1  }
0x99: {  	s4 =	simm.s32 $_scs_section_size  }
0x9a: {  	s5 =	simm.s32 $_size__tile_overlayer_lowered;
	s6 =	simm.s32 $_tile_overlayer_lowered  }
0x9b: {  	s22 =	simm.s32 $0x1BFF;
	s21 =	sshll.u32 s6, $0x1;
	s3 =	sadd.s32 s4, s19  }
0x9c: {  	s7 =	simm.s32 $0x0;
	s20 =	sshll.u32 s5, $0x1;
	s5 =	sadd.s32 s21, s3  }
0x9d: {  	[timem:s7], [sflag:s22] =	dma.local [hbm:s5], s20  }
0x9e: {  	_ =	swait.ge [sflag:s22], s20  }
0x9f: {  	s4 =	ssub.s32 $0x0, s20;
	[sflag:s22] =	ssyncset.done $0x0  }
0xa0: {  	[sflag:s22] =	ssyncadd.s32 s4;
	_ =	sdelay $0x1  }
0xa1: {  	s23 =	simm.s32 $0x1B8B  }
0xa2: {  	_ =	swait.ge [sflag:s23], $0x1  }
0xa3: {  	[sflag:s23] =	ssyncset.done $0x0  }
0xa4: {  	s25 =	simm.s32 $0x1B8E;
	s24 =	sld [smem:$0x3FFE];
	[sflag:s23] =	ssyncadd.s32 $0xFFFFFFFF  }
0xa5: {  	s26 =	simm.s32 $execute0_lowered;
	[smem:$0x3FD2] =	sst s25  }
0xa6: {  	s5 =	sshll.u32 s26, $0x1;
	_ =	strace $0x80000046;
	[dreg:$0x1] =	wrdreg $0xFFFFFFFF  }
0xa7: {  	s28 =	simm.s32 $_size_execute0_lowered;
	s3 =	sadd.s32 s3, s5;
	[dreg:$0x0] =	wrdreg $0x0  }
0xa8: {  	s5 =	sshll.u32 s28, $0x1;
	[dreg:$0x2] =	wrdreg s3  }
0xa9: {  	[dreg:$0x3] =	wrdreg s5  }
0xaa: {  	[dreg:$0x4] =	wrdreg $0xC0  }
0xab: {  	_ =	task [dreg:s7], $0x5FFFF  }
0xac: {  	[dreg:$0x1] =	wrdreg $0xFFFFFFFF  }
0xad: {  	[dreg:$0x0] =	wrdreg $0x60  }
0xae: {  	[dreg:$0x2] =	wrdreg s2  }
0xaf: {  	[dreg:$0x3] =	wrdreg s24  }
0xb0: {  	[dreg:$0x4] =	wrdreg $0xA  }
0xb1: {  	_ =	task.clear_ibuf [dreg:s7], $0x5FFFF;
	_ =	strace $0x90000046  }
0xb2: {  	s29 =	simm.s32 $0xA;
	_ =	strace $0x80000048  }
0xb3: {  	_ =	swait.ge [sflag:s29], $0x1  }
0xb4: {  	[sflag:s29] =	ssyncadd.s32 $0xFFFFFFFF  }
0xb5: {  	_ =	strace $0x90000048  }
0xb6: {  	_ =	sfence  }
0xb7: {  	s30 =	sld [smem:$0x0];
	_ =	sdelay $0x2  }
0xb8: {  	s31 =	sshll.u32 s1, $0xD;
	s1 =	sshrl.u32 s1, $0x2  }
0xb9: {  	s3 =	sand.u32 $0x4000, s31;
	s1 =	sadd.s32 s1, s30  }
0xba: {  	s0 =	sor.u32 s3, s0;
	s1 =	sshll.u32 s1, $0x11  }
0xbb: {  	s0 =	sor.u32 s1, s0  }
0xbc: {  	s0 =	sadd.s32 $0x8F2B, s0  }
0xbd: {  	[sflag:s0] =	ssyncadd.remote.s32 $0x1  }
0xbe: {  	_ =	sfence.sel $0xFFFF  }
0xbf: {  	[dreg:$0x0] =	wrdreg $0xFFFFFFFF;
	(pc) =	sbr.abs _section_cstart, $3  }
0xc0: {  	[dreg:$0x1] =	wrdreg $0xFFFFFFFF  }
0xc1: {  	_ =	task.clear_ibuf [dreg:s7], $0x2FFFF;
	_ =	strace $0x9FFFFFFF  }
0xc2: {  	(tm) =	ssettm $0x7FFFFFFF  }
0xc3: {  	_ =	shalt  }
tec
execute0_lowered:
.L_overlay_start_1:
0x0: {  	(tag) =	ssettag $0x1  }
0x1: {  	s0 =	srdreg.scid;
	s2 =	rddreg [dreg:$0x0]  }
0x2: {  	s8 =	stileid.u32;
	s4 =	rddreg [dreg:$0x1];
	s3 =	simm.s32 $0x0  }
0x3: {  	s21 =	simm.s32 $0x3;
	s23 =	simm.s32 $0x80;
	s24 =	simm.s32 $0x1800  }
0x4: {  	s25 =	simm.s32 $0x9800;
	s28 =	simm.s32 $0xD800;
	s29 =	simm.s32 $0x1  }
0x5: {  	s30 =	simm.s32 $0x2;
	s31 =	simm.s32 $0x0;
	s0 =	sand.u32 $0x1, s0  }
0x6: {  	s1 =	sshll.u32 s8, $0x1;
	[smem:$0x7FF] =	sst s3;
	s18 =	sadd.s32 $0xBE00, s4  }
0x7: {  	s12 =	smul.u32 $0xA0000, s8;
	s1 =	sor.u32 s0, s1;
	s6 =	ssub.s32 $0x2, s0  }
0x8: {  	_ =	strace $0x80000047;
	s5 =	smul.u32 $0x140, s1;
	s7 =	sshrl.u32 s6, $0x1  }
0x9: {  	s1 =	smul.u32 $0x50000, s1;
	s6 =	ssub.s32 s6, s7;
	s7 =	sshll.u32 s0, $0x9  }
0xa: {  	s0 =	smul.u32 $0x50000, s0;
	s5 =	sand.u32 $0x3F80, s5;
	s6 =	smax.u32 s6, $0x1  }
0xb: {  	s8 =	sor.u32 $0xC00, s7;
	s9 =	sor.u32 $0x80, s7;
	s1 =	sshrl.u32 s1, $0x3  }
0xc: {  	s10 =	sor.u32 $0xC80, s7;
	s19 =	sor.u32 $0x180, s7;
	s20 =	sor.u32 $0xD80, s7  }
0xd: {  	s5 =	sadd.s32 s5, s4;
	s4 =	sadd.s32 $0x14BE00, s4;
	s11 =	sadd.s32 s18, s1  }
0xe: {  	s0 =	sadd.s32 s0, s12;
	s26 =	sadd.s32 $0x9600, s5;
	s5 =	sadd.s32 $0x6E00, s5  }
0xf: {  	s12 =	sadd.s32 s4, s1;
	s1 =	sor.u32 $0x800, s1;
	[dreg:$0x3] =	wrdreg s26  }
0x10: {  	s14 =	sor.u32 $0x8000, s0;
	s0 =	sor.u32 $0xC000, s0;
	[dreg:$0x4] =	wrdreg s5  }
0x11: {  	s13 =	sadd.s32 s18, s1;
	s16 =	sshrl.u32 s14, $0x3;
	s14 =	sadd.s32 s4, s1  }
0x12: {  	s0 =	sshrl.u32 s0, $0x3;
	s26 =	simm.s32 $0x5800;
	s15 =	sadd.s32 s16, s4  }
0x13: {  	s16 =	sadd.s32 s16, s18;
	s17 =	sadd.s32 s0, s4;
	s18 =	sadd.s32 s0, s18  }
.LBB2_1:
0x14: {  	s0 =	rddreg [dreg:$0x3]  }
0x15: {  	[tilespmem:s3], [sflag:$0x3] =	stream.linear.gather [hbm4b:s0+s3], $0xC00, $0x38;
	[tilespmem:$0x11800] =	vst v63  }
0x16: {  	_ =	swait.ge [sflag:s21], $0xC00  }
0x17: {  	[sflag:s21] =	ssyncset.done $0x0  }
0x18: {  	s1 =	simm.s32 $0xC00;
	s5 =	rddreg [dreg:$0x4];
	[sflag:s21] =	ssyncadd.s32 $0xFFFFF400  }
0x19: {  	[tilespmem:s1], [sflag:$0x3] =	stream.linear.gather [hbm4b:s5+s3], $0xC00, $0x38;
	[tilespmem:$0x11800] =	vst v63  }
0x1a: {  	_ =	swait.ge [sflag:s21], $0xC00  }
0x1b: {  	[sflag:s21] =	ssyncset.done $0x0  }
0x1c: {  	[sflag:s21] =	ssyncadd.s32 $0xFFFFF400  }
0x1d: {  	[tilespmem:s24], [sflag:$0x1] =	stream.indirect.gather [hbm4b:s2+s23], $0x80, s7, s23, $0xb8;
	[tilespmem:$0x11800] =	vst v63  }
0x1e: {  	_ = 	snop  }
0x1f: {  	[tilespmem:s25], [sflag:$0x1] =	stream.indirect.gather [hbm4b:s2+s23], $0x80, s8, s23, $0xb8;
	[tilespmem:$0x11800] =	vst v63  }
0x20: {  	_ = 	snop  }
0x21: {  	[tilespmem:s26], [sflag:$0x1] =	stream.indirect.gather [hbm4b:s2+s23], $0x80, s9, s23, $0xb8;
	[tilespmem:$0x11800] =	vst v63  }
0x22: {  	_ = 	snop  }
0x23: {  	[tilespmem:s28], [sflag:$0x1] =	stream.indirect.gather [hbm4b:s2+s23], $0x80, s10, s23, $0xb8;
	[tilespmem:$0x11800] =	vst v63  }
0x24: {  	_ =	swait.ge [sflag:s29], $0x4000  }
0x25: {  	[sflag:s29] =	ssyncset.done $0x0  }
0x26: {  	[sflag:s29] =	ssyncadd.s32 $0xFFFFC000  }
0x27: {  	[hbm4b:s11+s3] =	stream.linear.scatter [tilespmem:s24], [sflag:$0x2], $0x4000, $0x38;
	[tilespmem:$0x11800] =	vst v63  }
0x28: {  	_ =	swait.ge [sflag:s29], $0x4000  }
0x29: {  	[sflag:s29] =	ssyncset.done $0x0  }
0x2a: {  	[sflag:s29] =	ssyncadd.s32 $0xFFFFC000  }
0x2b: {  	[hbm4b:s12+s3] =	stream.linear.scatter [tilespmem:s25], [sflag:$0x2], $0x4000, $0x38;
	[tilespmem:$0x11800] =	vst v63  }
0x2c: {  	_ =	swait.ge [sflag:s29], $0x4000  }
0x2d: {  	[sflag:s29] =	ssyncset.done $0x0  }
0x2e: {  	[sflag:s29] =	ssyncadd.s32 $0xFFFFC000  }
0x2f: {  	[hbm4b:s13+s3] =	stream.linear.scatter [tilespmem:s26], [sflag:$0x2], $0x4000, $0x38;
	[tilespmem:$0x11800] =	vst v63  }
0x30: {  	_ =	swait.ge [sflag:s29], $0x4000  }
0x31: {  	[sflag:s29] =	ssyncset.done $0x0  }
0x32: {  	[sflag:s29] =	ssyncadd.s32 $0xFFFFC000  }
0x33: {  	[hbm4b:s14+s3] =	stream.linear.scatter [tilespmem:s28], [sflag:$0x2], $0x4000, $0x38;
	[tilespmem:$0x11800] =	vst v63  }
0x34: {  	s22 =	sadd.s32 $0xFFFFFF80, s19  }
0x35: {  	[tilespmem:s24], [sflag:$0x1] =	stream.indirect.gather [hbm4b:s2+s23], $0x80, s22, s23, $0xb8;
	[tilespmem:$0x11800] =	vst v63  }
0x36: {  	s1 =	sadd.s32 $0xFFFFFF80, s20  }
0x37: {  	[tilespmem:s25], [sflag:$0x1] =	stream.indirect.gather [hbm4b:s2+s23], $0x80, s1, s23, $0xb8;
	[tilespmem:$0x11800] =	vst v63  }
0x38: {  	_ = 	snop  }
0x39: {  	[tilespmem:s26], [sflag:$0x1] =	stream.indirect.gather [hbm4b:s2+s23], $0x80, s19, s23, $0xb8;
	[tilespmem:$0x11800] =	vst v63  }
0x3a: {  	_ = 	snop  }
0x3b: {  	[tilespmem:s28], [sflag:$0x1] =	stream.indirect.gather [hbm4b:s2+s23], $0x80, s20, s23, $0xb8;
	[tilespmem:$0x11800] =	vst v63  }
0x3c: {  	_ =	swait.ge [sflag:s30], $0x4000  }
0x3d: {  	[sflag:s30] =	ssyncset.done $0x0  }
0x3e: {  	[sflag:s30] =	ssyncadd.s32 $0xFFFFC000  }
0x3f: {  	_ =	swait.ge [sflag:s30], $0x4000  }
0x40: {  	[sflag:s30] =	ssyncset.done $0x0  }
0x41: {  	[sflag:s30] =	ssyncadd.s32 $0xFFFFC000  }
0x42: {  	_ =	swait.ge [sflag:s30], $0x4000  }
0x43: {  	[sflag:s30] =	ssyncset.done $0x0  }
0x44: {  	[sflag:s30] =	ssyncadd.s32 $0xFFFFC000  }
0x45: {  	_ =	swait.ge [sflag:s30], $0x4000  }
0x46: {  	[sflag:s30] =	ssyncset.done $0x0  }
0x47: {  	[sflag:s30] =	ssyncadd.s32 $0xFFFFC000  }
0x48: {  	_ =	swait.ge [sflag:s29], $0x4000  }
0x49: {  	[sflag:s29] =	ssyncset.done $0x0  }
0x4a: {  	s4 =	sadd.s32 $0x0, s16;
	[sflag:s29] =	ssyncadd.s32 $0xFFFFC000  }
0x4b: {  	[hbm4b:s4+s3] =	stream.linear.scatter [tilespmem:s24], [sflag:$0x2], $0x4000, $0x38;
	[tilespmem:$0x11800] =	vst v63  }
0x4c: {  	_ =	swait.ge [sflag:s29], $0x4000  }
0x4d: {  	[sflag:s29] =	ssyncset.done $0x0  }
0x4e: {  	s5 =	sadd.s32 $0x0, s15;
	[sflag:s29] =	ssyncadd.s32 $0xFFFFC000  }
0x4f: {  	[hbm4b:s5+s3] =	stream.linear.scatter [tilespmem:s25], [sflag:$0x2], $0x4000, $0x38;
	[tilespmem:$0x11800] =	vst v63  }
0x50: {  	_ =	swait.ge [sflag:s29], $0x4000  }
0x51: {  	[sflag:s29] =	ssyncset.done $0x0  }
0x52: {  	s22 =	sadd.s32 $0x0, s18;
	[sflag:s29] =	ssyncadd.s32 $0xFFFFC000  }
0x53: {  	[hbm4b:s22+s3] =	stream.linear.scatter [tilespmem:s26], [sflag:$0x2], $0x4000, $0x38;
	[tilespmem:$0x11800] =	vst v63  }
0x54: {  	_ =	swait.ge [sflag:s29], $0x4000  }
0x55: {  	s0 =	sadd.s32 $0x100, s20;
	s1 =	simm.s32 $0x1000;
	[sflag:s29] =	ssyncset.done $0x0  }
0x56: {  	s4 =	sadd.s32 $0x0, s17;
	s22 =	sadd.s32 $0x100, s19;
	[sflag:s29] =	ssyncadd.s32 $0xFFFFC000  }
.LBB2_2:
0x57: {  	[hbm4b:s4+s3] =	stream.linear.scatter [tilespmem:s28], [sflag:$0x2], $0x4000, $0x38;
	[tilespmem:$0x11800] =	vst v63  }
0x58: {  	s4 =	smov.u32 s1  }
0x59: {  	s5 =	sadd.s32 $0xFFFFFF80, s22;
	p0 =	sne.s32 s1, $0x8000;
	s1 =	sadd.s32 $0x1000, s1  }
0x5a: {  	[tilespmem:s24], [sflag:$0x1] =	stream.indirect.gather [hbm4b:s2+s23], $0x80, s5, s23, $0xb8;
	[tilespmem:$0x11800] =	vst v63  }
0x5b: {  	s5 =	sadd.s32 $0xFFFFFF80, s0  }
0x5c: {  	[tilespmem:s25], [sflag:$0x1] =	stream.indirect.gather [hbm4b:s2+s23], $0x80, s5, s23, $0xb8;
	[tilespmem:$0x11800] =	vst v63  }
0x5d: {  	_ = 	snop  }
0x5e: {  	[tilespmem:s26], [sflag:$0x1] =	stream.indirect.gather [hbm4b:s2+s23], $0x80, s22, s23, $0xb8;
	[tilespmem:$0x11800] =	vst v63  }
0x5f: {  	_ = 	snop  }
0x60: {  	[tilespmem:s28], [sflag:$0x1] =	stream.indirect.gather [hbm4b:s2+s23], $0x80, s0, s23, $0xb8;
	[tilespmem:$0x11800] =	vst v63  }
0x61: {  	_ =	swait.ge [sflag:s30], $0x4000  }
0x62: {  	[sflag:s30] =	ssyncset.done $0x0  }
0x63: {  	[sflag:s30] =	ssyncadd.s32 $0xFFFFC000  }
0x64: {  	_ =	swait.ge [sflag:s30], $0x4000  }
0x65: {  	[sflag:s30] =	ssyncset.done $0x0  }
0x66: {  	[sflag:s30] =	ssyncadd.s32 $0xFFFFC000  }
0x67: {  	_ =	swait.ge [sflag:s30], $0x4000  }
0x68: {  	[sflag:s30] =	ssyncset.done $0x0  }
0x69: {  	[sflag:s30] =	ssyncadd.s32 $0xFFFFC000  }
0x6a: {  	_ =	swait.ge [sflag:s30], $0x4000  }
0x6b: {  	[sflag:s30] =	ssyncset.done $0x0  }
0x6c: {  	[sflag:s30] =	ssyncadd.s32 $0xFFFFC000  }
0x6d: {  	_ =	swait.ge [sflag:s29], $0x4000  }
0x6e: {  	[sflag:s29] =	ssyncset.done $0x0  }
0x6f: {  	s5 =	sadd.s32 s4, s16;
	[sflag:s29] =	ssyncadd.s32 $0xFFFFC000  }
0x70: {  	[hbm4b:s5+s3] =	stream.linear.scatter [tilespmem:s24], [sflag:$0x2], $0x4000, $0x38;
	[tilespmem:$0x11800] =	vst v63  }
0x71: {  	_ =	swait.ge [sflag:s29], $0x4000  }
0x72: {  	[sflag:s29] =	ssyncset.done $0x0  }
0x73: {  	s5 =	sadd.s32 s4, s15;
	[sflag:s29] =	ssyncadd.s32 $0xFFFFC000  }
0x74: {  	[hbm4b:s5+s3] =	stream.linear.scatter [tilespmem:s25], [sflag:$0x2], $0x4000, $0x38;
	[tilespmem:$0x11800] =	vst v63  }
0x75: {  	_ =	swait.ge [sflag:s29], $0x4000  }
0x76: {  	[sflag:s29] =	ssyncset.done $0x0  }
.Ltmp0:
0x77: {  	s5 =	sadd.s32 s4, s18;
	[sflag:s29] =	ssyncadd.s32 $0xFFFFC000;
	(pc) =	sbr.rel @p0 .LBB2_2-.Ltmp0, $4  }
0x78: {  	[hbm4b:s5+s3] =	stream.linear.scatter [tilespmem:s26], [sflag:$0x2], $0x4000, $0x38;
	[tilespmem:$0x11800] =	vst v63  }
0x79: {  	_ =	swait.ge [sflag:s29], $0x4000  }
0x7a: {  	s0 =	sadd.s32 $0x100, s0;
	[sflag:s29] =	ssyncset.done $0x0  }
0x7b: {  	s22 =	sadd.s32 $0x100, s22;
	s4 =	sadd.s32 s4, s17;
	[sflag:s29] =	ssyncadd.s32 $0xFFFFC000  }
0x7c: {  	[hbm4b:s4+s3] =	stream.linear.scatter [tilespmem:s28], [sflag:$0x2], $0x4000, $0x38;
	[tilespmem:$0x11800] =	vst v63  }
0x7d: {  	_ =	swait.ge [sflag:s30], $0x4000  }
0x7e: {  	[sflag:s30] =	ssyncset.done $0x0  }
0x7f: {  	[sflag:s30] =	ssyncadd.s32 $0xFFFFC000  }
0x80: {  	_ =	swait.ge [sflag:s30], $0x4000  }
0x81: {  	[sflag:s30] =	ssyncset.done $0x0  }
0x82: {  	s31 =	sadd.s32 $0x1, s31;
	[sflag:s30] =	ssyncadd.s32 $0xFFFFC000  }
0x83: {  	p0 =	sne.s32 s31, s6;
	_ =	swait.ge [sflag:s30], $0x4000  }
.Ltmp1:
0x84: {  	[sflag:s30] =	ssyncset.done $0x0;
	(pc) =	sbr.rel @p0 .LBB2_1-.Ltmp1, $4  }
0x85: {  	[sflag:s30] =	ssyncadd.s32 $0xFFFFC000  }
0x86: {  	_ =	swait.ge [sflag:s30], $0x4000  }
0x87: {  	[sflag:s30] =	ssyncset.done $0x0  }
0x88: {  	[sflag:s30] =	ssyncadd.s32 $0xFFFFC000  }
0x89: {  	_ =	sfence.sel $0x180000  }
0x8a: {  	[bflag:$0x0] =	sbarrier.arrive $0xFFFF  }
0x8b: {  	_ =	strace $0x90000047  }
0x8c: {  	s0 =	stileid.u32;
	[bflag:$0x2] =	sbarrier.arrive $0xFFFF  }
0x8d: {  	p0 =	sne.s32 s0, $0x0;
	s0 =	rddreg [dreg:$0x2]  }
0x8e: {  	s0 =	sadd.s32 @!p0 $0x100000, s0  }
0x8f: {  	[sflag:s0] =	ssyncadd.tile.s32 @!p0 $0x1;
	_ =	shalt  }
.Lfunc_end2:
_tile_overlayer_lowered:
.L_overlay_start_2:
0x90: {  	(tag) =	ssettag $0x2  }
0x91: {  	s0 =	rddreg [dreg:$0x0];
	s2 =	stileid.u32  }
0x92: {  	s1 =	rddreg [dreg:$0x1];
	p0 =	sne.s32 s2, $0x0  }
0x93: {  	s3 =	rddreg [dreg:$0x2];
	[bflag:$0x3] =	sbarrier.arrive $0xFFFF;
	s2 =	simm.s32 @!p0 $0x1C03  }
0x94: {  	[timem:s3], [sflag:s2] =	dma.local @!p0 [hbm:s0], s1  }
0x95: {  	s0 =	simm.s32 @!p0 $0x3  }
0x96: {  	_ =	swait.ge @!p0 [sflag:s0], s1  }
0x97: {  	s1 =	ssub.s32 @!p0 $0x0, s1;
	[sflag:s0] =	ssyncset.done @!p0 $0x0  }
0x98: {  	[sflag:s0] =	ssyncadd.s32 @!p0 s1  }
0x99: {  	[bflag:$0x3] =	sbarrier.arrive $0xFFFF  }
0x9a: {  	_ =	shalt  }

// kernel: kernel.19.cloned.1.call-start
scs
__scs_entry_jumppad:
0x0: {  	(pc) =	sbr.rel $0x88, $3  }
0x1: {  	(tag) =	ssettag $0x0;
	lr =	simm.s32 $0x1  }
0x2: {  	[smem:$0x3F8B] =	sst lr;
	_ =	strace $0xD0000000  }
0x3: {  	_ = 	snop  }
0x4: {  	_ = 	snop  }
0x5: {  	_ = 	snop  }
0x6: {  	_ = 	snop  }
0x7: {  	_ = 	snop  }
__scs_overlays_trampoline_lowered:
0x8: {  	[smem:$0x3F9A] =	sst s0  }
0x9: {  	[smem:$0x3F9B] =	sst s1  }
0xa: {  	[smem:$0x3F9C] =	sst s2  }
0xb: {  	[smem:$0x3F9D] =	sst s3  }
0xc: {  	[smem:$0x3F9E] =	sst s4  }
0xd: {  	[smem:$0x3F9F] =	sst s5  }
0xe: {  	[smem:$0x3FA0] =	sst s6  }
0xf: {  	[smem:$0x3FA1] =	sst s7  }
0x10: {  	[smem:$0x3FA2] =	sst s8  }
0x11: {  	[smem:$0x3FA3] =	sst s9;
	s0 =	simm.s32 @!p0 $0x0  }
0x12: {  	s1 =	sld [smem:$0x3F89];
	s0 =	simm.s32 @p0 $0x1  }
0x13: {  	[smem:$0x3FA4] =	sst s0;
	s0 =	simm.s32 @!p1 $0x0  }
0x14: {  	s2 =	sld [smem:$0x3F88];
	s0 =	simm.s32 @p1 $0x1  }
0x15: {  	[smem:$0x3FA5] =	sst s0;
	s0 =	simm.s32 @!p2 $0x0  }
0x16: {  	s3 =	sld [smem:$0x3FDB];
	s0 =	simm.s32 @p2 $0x1  }
0x17: {  	s4 =	simm.s32 $0x1BF5;
	[smem:$0x3FA7] =	sst s0  }
0x18: {  	s0 =	sld [smem:$0x3F8A];
	_ =	swait.ge [sflag:s4], $0x0  }
0x19: {  	s7 =	sld [smem:$0x3F8B]  }
0x1a: {  	s8 =	sadd.s32 $0xFFFFE003, lr  }
0x1b: {  	s9 =	sadd.s32 $0xFFFFFEF7, lr;
	s5 =	simm.s32 $0xFFFFFFFF;
	p2 =	slt.u32 s8, $0xFFFFF086  }
0x1c: {  	p1 =	slt.u32 s9, $0xF7A;
	s5 =	simm.s32 @!p2 $0x0  }
0x1d: {  	s5 =	simm.s32 @p1 $0x1;
	p0 =	seq.s32 s7, s2  }
0x1e: {  	s7 =	smul.u32 @!p0 $0xF7A, s2;
	p2 =	seq.s32 @!p0 s5, $0x0  }
0x1f: {  	s9 =	smul.u32 $0xF7A, s1;
	s8 =	simm.s32 @!p0 $0x1BF5;
	p2 =	por !p2, p0  }
0x20: {  	[sflag:s8] =	ssyncset.s32 @!p0 $0xFFFFF086;
	s6 =	sadd.s32 @!p0 s3, s7;
	s7 =	simm.s32 @!p0 $0x108  }
0x21: {  	s3 =	sadd.s32 s3, s9;
	s6 =	sadd.s32 @!p0 $0x88, s6;
	s7 =	simm.s32 @p2 $0x1082  }
0x22: {  	[simem:s7], [sflag:s8] =	dma.local @!p0 [hbm:s6], $0xF7A  }
0x23: {  	s9 =	sor.u32 $0xD0000000, s2;
	s6 =	simm.s32 $0x108;
	_ =	swait.ge @!p0 [sflag:s8], $0x0  }
0x24: {  	s3 =	sadd.s32 $0x88, s3;
	s6 =	simm.s32 @!p1 $0x1082;
	[sflag:s4] =	ssyncset.s32 $0xFFFFF086  }
0x25: {  	[simem:s6], [sflag:s4] =	dma.local [hbm:s3], $0xF7A  }
0x26: {  	[smem:$0x3F8B] =	sst s1;
	(tag) =	ssettag s2;
	_ =	strace s9  }
0x27: {  	s1 =	sld [smem:$0x3F9B]  }
0x28: {  	s2 =	sld [smem:$0x3F9C]  }
0x29: {  	s4 =	sld [smem:$0x3F9E]  }
0x2a: {  	p0 =	seq.s32 s5, $0x0;
	s5 =	sld [smem:$0x3F9F]  }
0x2b: {  	s6 =	sld [smem:$0x3FA0]  }
0x2c: {  	s7 =	sld [smem:$0x3FA1]  }
0x2d: {  	s3 =	simm.s32 $0x108;
	s8 =	sld [smem:$0x3FA2]  }
0x2e: {  	s3 =	simm.s32 @!p0 $0x1082;
	s9 =	sld [smem:$0x3FA3]  }
0x2f: {  	lr =	sadd.s32 s0, s3;
	s0 =	sld [smem:$0x3F9A]  }
0x30: {  	s3 =	sld [smem:$0x3F9D]  }
0x31: {  	[smem:$0x3FA6] =	sst s10  }
0x32: {  	s10 =	sld [smem:$0x3FA4];
	_ =	sdelay $0x3  }
0x33: {  	p0 =	seq.s32 s10, $0x1;
	s10 =	sld [smem:$0x3FA6];
	_ =	sdelay $0x3  }
0x34: {  	[smem:$0x3FA6] =	sst s10  }
0x35: {  	s10 =	sld [smem:$0x3FA5];
	_ =	sdelay $0x3  }
0x36: {  	p1 =	seq.s32 s10, $0x1;
	s10 =	sld [smem:$0x3FA6];
	_ =	sdelay $0x3  }
0x37: {  	[smem:$0x3FA6] =	sst s10  }
0x38: {  	s10 =	sld [smem:$0x3FA7]  }
0x39: {  	_ = 	snop;
	(pc) =	sbr.ind lr, $3  }
0x3a: {  	_ = 	snop  }
0x3b: {  	_ = 	snop  }
0x3c: {  	p2 =	seq.s32 s10, $0x1;
	s10 =	sld [smem:$0x3FA6]  }
0x3d: {  	_ =	shalt  }
0x3e: {  	_ =	shalt  }
0x3f: {  	_ =	shalt  }
0x40: {  	_ =	shalt  }
0x41: {  	_ =	shalt  }
0x42: {  	_ =	shalt  }
0x43: {  	_ =	shalt  }
0x44: {  	_ =	shalt  }
0x45: {  	_ =	shalt  }
0x46: {  	_ =	shalt  }
0x47: {  	_ =	shalt  }
0x48: {  	_ =	shalt  }
0x49: {  	_ =	shalt  }
0x4a: {  	_ =	shalt  }
0x4b: {  	_ =	shalt  }
0x4c: {  	_ =	shalt  }
0x4d: {  	_ =	shalt  }
0x4e: {  	_ =	shalt  }
0x4f: {  	_ =	shalt  }
0x50: {  	_ =	shalt  }
0x51: {  	_ =	shalt  }
0x52: {  	_ =	shalt  }
0x53: {  	_ =	shalt  }
0x54: {  	_ =	shalt  }
0x55: {  	_ =	shalt  }
0x56: {  	_ =	shalt  }
0x57: {  	_ =	shalt  }
0x58: {  	_ =	shalt  }
0x59: {  	_ =	shalt  }
0x5a: {  	_ =	shalt  }
0x5b: {  	_ =	shalt  }
0x5c: {  	_ =	shalt  }
0x5d: {  	_ =	shalt  }
0x5e: {  	_ =	shalt  }
0x5f: {  	_ =	shalt  }
0x60: {  	_ =	shalt  }
0x61: {  	_ =	shalt  }
0x62: {  	_ =	shalt  }
0x63: {  	_ =	shalt  }
0x64: {  	_ =	shalt  }
0x65: {  	_ =	shalt  }
0x66: {  	_ =	shalt  }
0x67: {  	_ =	shalt  }
0x68: {  	_ =	shalt  }
0x69: {  	_ =	shalt  }
0x6a: {  	_ =	shalt  }
0x6b: {  	_ =	shalt  }
0x6c: {  	_ =	shalt  }
0x6d: {  	_ =	shalt  }
0x6e: {  	_ =	shalt  }
0x6f: {  	_ =	shalt  }
0x70: {  	_ =	shalt  }
0x71: {  	_ =	shalt  }
0x72: {  	_ =	shalt  }
0x73: {  	_ =	shalt  }
0x74: {  	_ =	shalt  }
0x75: {  	_ =	shalt  }
0x76: {  	_ =	shalt  }
0x77: {  	_ =	shalt  }
0x78: {  	_ =	shalt  }
0x79: {  	_ =	shalt  }
0x7a: {  	_ =	shalt  }
0x7b: {  	_ =	shalt  }
0x7c: {  	_ =	shalt  }
0x7d: {  	_ =	shalt  }
0x7e: {  	_ =	shalt  }
0x7f: {  	_ =	shalt  }
0x80: {  	_ =	shalt  }
0x81: {  	_ =	shalt  }
0x82: {  	_ =	shalt  }
0x83: {  	_ =	shalt  }
0x84: {  	_ =	shalt  }
0x85: {  	_ =	shalt  }
0x86: {  	_ =	shalt  }
0x87: {  	_ =	shalt  }
.Lfunc_end0:
.L_simem_size_0:
called_computation.2_lowered:
.L_overlay_start_0:
0x88: {  	s2 =	sld [smem:$0x3FD9]  }
0x89: {  	s3 =	sld [smem:$0x3FFE];
	_ =	sdelay $0x1  }
0x8a: {  	s1 =	srdreg.scid  }
0x8b: {  	s0 =	sand.u32 $0x1, s1  }
0x8c: {  	s17 =	sshll.u32 s0, $0xA;
	s2 =	sadd.s32 s3, s2  }
0x8d: {  	s2 =	sadd.s32 s2, s17  }
0x8e: {  	[smem:$0x3FB2] =	sst s2  }
0x8f: {  	_ = 	snop  }
0x90: {  	(tm) =	ssettm $0x1  }
0x91: {  	s18 =	sld [smem:$0x3FFB];
	_ =	sdelay $0x3  }
0x92: {  	_ =	strace s18  }
0x93: {  	s2 =	sld [smem:$0x3FFC];
	_ =	sdelay $0x3  }
0x94: {  	_ =	strace s2  }
0x95: {  	s2 =	sld [smem:$0x3FFD];
	_ =	sdelay $0x3  }
0x96: {  	_ =	strace s2  }
0x97: {  	_ =	strace $0x8FFFFFFF  }
0x98: {  	s19 =	sld [smem:$0x3FDB];
	_ =	sdelay $0x1  }
0x99: {  	s20 =	simm.s32 $_scs_section_size  }
0x9a: {  	s4 =	simm.s32 $_size__tile_overlayer_lowered;
	s5 =	simm.s32 $_tile_overlayer_lowered  }
0x9b: {  	s6 =	simm.s32 $0x1BFF;
	s21 =	sshll.u32 s5, $0x1;
	s3 =	sadd.s32 s20, s19  }
0x9c: {  	s22 =	simm.s32 $0x0;
	s4 =	sshll.u32 s4, $0x1;
	s5 =	sadd.s32 s21, s3  }
0x9d: {  	[timem:s22], [sflag:s6] =	dma.local [hbm:s5], s4  }
0x9e: {  	_ =	swait.ge [sflag:s6], s4  }
0x9f: {  	s4 =	ssub.s32 $0x0, s4;
	[sflag:s6] =	ssyncset.done $0x0  }
0xa0: {  	[sflag:s6] =	ssyncadd.s32 s4;
	_ =	sdelay $0x1  }
0xa1: {  	s23 =	simm.s32 $0x1B8B  }
0xa2: {  	_ =	swait.ge [sflag:s23], $0x1  }
0xa3: {  	[sflag:s23] =	ssyncset.done $0x0  }
0xa4: {  	[sflag:s23] =	ssyncadd.s32 $0xFFFFFFFF  }
0xa5: {  	s4 =	sld [smem:$0x0]  }
0xa6: {  	s5 =	sand.u32 $0xFFFFFFFE, s1  }
0xa7: {  	p0 =	sne.s32 s1, s5  }
0xa8: {  	s5 =	sshll.u32 @p0 s5, $0xE  }
0xa9: {  	s5 =	sadd.s32 @p0 $0x11B8D, s5;
	s6 =	sshll.u32 @p0 s4, $0x11  }
0xaa: {  	s5 =	sor.u32 @p0 s6, s5  }
0xab: {  	[sflag:s5] =	ssyncadd.remote.s32 @p0 $0x1;
	_ =	sdelay $0x1  }
0xac: {  	s5 =	simm.s32 @p0 $0x1B8D  }
0xad: {  	_ =	swait.eq @p0 [sflag:s5], $0x1  }
0xae: {  	[sflag:s5] =	ssyncadd.s32 @p0 $0xFFFFFFFF  }
0xaf: {  	s6 =	sshll.u32 @!p0 s1, $0xE  }
0xb0: {  	s6 =	sor.u32 @!p0 $0x4000, s6;
	s5 =	simm.s32 @!p0 $0x1B8D  }
0xb1: {  	s4 =	sshll.u32 @!p0 s4, $0x11;
	s6 =	sadd.s32 @!p0 $0x11B8D, s6;
	_ =	swait.eq @!p0 [sflag:s5], $0x1  }
0xb2: {  	s4 =	sor.u32 @!p0 s4, s6;
	[sflag:s5] =	ssyncadd.s32 @!p0 $0xFFFFFFFF  }
0xb3: {  	s25 =	simm.s32 $0x1B8E;
	s24 =	sld [smem:$0x3FFE];
	[sflag:s4] =	ssyncadd.remote.s32 @!p0 $0x1  }
0xb4: {  	s26 =	simm.s32 $execute0_lowered;
	[smem:$0x3FD2] =	sst s25  }
0xb5: {  	s5 =	sshll.u32 s26, $0x1;
	_ =	strace $0x8000004F;
	[dreg:$0x1] =	wrdreg $0xFFFFFFFF  }
0xb6: {  	s28 =	simm.s32 $_size_execute0_lowered;
	s3 =	sadd.s32 s3, s5;
	[dreg:$0x0] =	wrdreg $0x0  }
0xb7: {  	s5 =	sshll.u32 s28, $0x1;
	[dreg:$0x2] =	wrdreg s3  }
0xb8: {  	[dreg:$0x3] =	wrdreg s5  }
0xb9: {  	[dreg:$0x4] =	wrdreg $0xC0  }
0xba: {  	_ =	task [dreg:s22], $0x5FFFF  }
0xbb: {  	[dreg:$0x1] =	wrdreg $0xFFFFFFFF  }
0xbc: {  	[dreg:$0x0] =	wrdreg $0x60  }
0xbd: {  	[dreg:$0x2] =	wrdreg s24  }
0xbe: {  	[dreg:$0x3] =	wrdreg $0x8C000  }
0xbf: {  	[dreg:$0x4] =	wrdreg $0x9  }
0xc0: {  	_ =	task.clear_ibuf [dreg:s22], $0x5FFFF;
	_ =	strace $0x9000004F  }
0xc1: {  	s29 =	simm.s32 $0x9;
	_ =	strace $0x80000051  }
0xc2: {  	_ =	swait.ge [sflag:s29], $0x1  }
0xc3: {  	[sflag:s29] =	ssyncadd.s32 $0xFFFFFFFF  }
0xc4: {  	_ =	strace $0x90000051  }
0xc5: {  	_ =	sfence  }
0xc6: {  	s30 =	sld [smem:$0x0];
	_ =	sdelay $0x2  }
0xc7: {  	s31 =	sshll.u32 s1, $0xD;
	s1 =	sshrl.u32 s1, $0x2  }
0xc8: {  	s4 =	sand.u32 $0x4000, s31;
	s1 =	sadd.s32 s1, s30  }
0xc9: {  	s0 =	sor.u32 s4, s0;
	s1 =	sshll.u32 s1, $0x11  }
0xca: {  	s0 =	sor.u32 s1, s0  }
0xcb: {  	s0 =	sadd.s32 $0x8F2B, s0  }
0xcc: {  	[sflag:s0] =	ssyncadd.remote.s32 $0x1  }
0xcd: {  	_ =	sfence.sel $0xFFFF  }
0xce: {  	[dreg:$0x0] =	wrdreg $0xFFFFFFFF;
	(pc) =	sbr.abs _section_cstart, $3  }
0xcf: {  	[dreg:$0x1] =	wrdreg $0xFFFFFFFF  }
0xd0: {  	_ =	task.clear_ibuf [dreg:s22], $0x2FFFF;
	_ =	strace $0x9FFFFFFF  }
0xd1: {  	(tm) =	ssettm $0x7FFFFFFF  }
tec
execute0_lowered:
.L_overlay_start_1:
0x0: {  	(tag) =	ssettag $0x1  }
0x1: {  	s1 =	srdreg.scid  }
0x2: {  	s0 =	stileid.u32;
	s4 =	rddreg [dreg:$0x0]  }
0x3: {  	s2 =	rddreg [dreg:$0x1];
	s3 =	simm.s32 $0x0;
	s16 =	simm.s32 $0x1  }
0x4: {  	s17 =	simm.s32 $0x80;
	s18 =	simm.s32 $0x0;
	s6 =	smul.u32 $0x14000, s0  }
0x5: {  	s10 =	sand.u32 $0x1, s1;
	s1 =	rddreg [dreg:$0x2];
	s12 =	smul.u32 $0x50000, s0  }
0x6: {  	s23 =	sshll.u32 s0, $0x1;
	[smem:$0x7FF] =	sst s3;
	s14 =	smul.u32 $0xA0000, s0  }
0x7: {  	s11 =	sadd.s32 $0x290E00, s4;
	s28 =	sshll.u32 s0, $0x6;
	s7 =	smul.u32 $0x140000, s10  }
0x8: {  	s5 =	sor.u32 s10, s23;
	_ =	strace $0x80000050;
	s29 =	smul.u32 $0x50000, s10  }
0x9: {  	s25 =	ssub.s32 $0x2, s10;
	s31 =	sshll.u32 s10, $0x9;
	s5 =	smul.u32 $0x140, s5  }
0xa: {  	s24 =	sshrl.u32 s6, $0x3;
	s9 =	sshrl.u32 s25, $0x1;
	s26 =	sshrl.u32 s12, $0x2  }
0xb: {  	s6 =	sadd.s32 s6, s7;
	s9 =	ssub.s32 s25, s9;
	s15 =	sadd.s32 s26, s2  }
0xc: {  	s12 =	sadd.s32 s29, s14;
	s14 =	simm.s32 $0xC00;
	s5 =	sand.u32 $0x3F80, s5  }
0xd: {  	s6 =	sshrl.u32 s6, $0x3;
	s30 =	sshrl.u32 s12, $0x3;
	s12 =	sor.u32 $0x4000, s12  }
0xe: {  	s8 =	sadd.s32 s5, s4;
	s5 =	sadd.s32 s24, s4;
	s13 =	sadd.s32 s6, s4  }
0xf: {  	s12 =	sshrl.u32 s12, $0x3;
	s4 =	sadd.s32 $0x9800, s5;
	s5 =	sor.u32 $0x1C02, s28  }
0x10: {  	s6 =	sadd.s32 $0x28E600, s8;
	s7 =	sadd.s32 $0x3D0E00, s13;
	s8 =	smax.u32 s9, $0x1  }
0x11: {  	s9 =	sadd.s32 s30, s11;
	s10 =	sadd.s32 s12, s11;
	s11 =	sor.u32 $0x80, s31  }
0x12: {  	s12 =	sshrl.u32 s15, $0x3;
	s13 =	simm.s32 $0x2;
	s15 =	simm.s32 $0x4C00  }
.LBB2_1:
0x13: {  	[spmem:s12], [sflag:s5] =	dma.local [hbm:s4], $0x2800  }
0x14: {  	_ =	swait.ge [sflag:s13], $0x2800  }
0x15: {  	[sflag:s13] =	ssyncset.done $0x0  }
0x16: {  	[sflag:s13] =	ssyncadd.s32 $0xFFFFD800  }
0x17: {  	[tilespmem:s3], [sflag:$0x2] =	stream.linear.gather [hbm4b:s6+s3], $0xC00, $0x38;
	[tilespmem:$0x1CC00] =	vst v63  }
0x18: {  	_ =	swait.ge [sflag:s13], $0xC00  }
0x19: {  	[sflag:s13] =	ssyncset.done $0x0  }
0x1a: {  	[sflag:s13] =	ssyncadd.s32 $0xFFFFF400  }
0x1b: {  	s19 =	sadd.s32 $0x0, s9;
	[bflag:$0x0] =	sbarrier.arrive $0xFFFF  }
0x1c: {  	[tilespmem:s14], [sflag:$0x1] =	stream.linear.gather [hbm4b:s19+s3], $0x4000, $0x38;
	[tilespmem:$0x1CC00] =	vst v63  }
0x1d: {  	s30 =	sadd.s32 $0x0, s10  }
0x1e: {  	[tilespmem:s15], [sflag:$0x1] =	stream.linear.gather [hbm4b:s30+s3], $0x4000, $0x38;
	[tilespmem:$0x1CC00] =	vst v63  }
0x1f: {  	_ =	swait.ge [sflag:s16], $0x4000  }
0x20: {  	[sflag:s16] =	ssyncset.done $0x0  }
0x21: {  	s31 =	sadd.s32 $0xFFFFFF80, s11;
	[sflag:s16] =	ssyncadd.s32 $0xFFFFC000  }
0x22: {  	[spmem:s2] =	stream.indirect.scatter.add.f32 [tilespmem:s14], [sflag:$0x2], $0x80, s31, s17, $0xb8;
	[tilespmem:$0x1CC00] =	vst v63  }
0x23: {  	_ =	swait.ge [sflag:s13], $0x4000  }
0x24: {  	[sflag:s13] =	ssyncset.done $0x0  }
0x25: {  	[sflag:s13] =	ssyncadd.s32 $0xFFFFC000  }
0x26: {  	_ =	swait.ge [sflag:s16], $0x4000  }
0x27: {  	[sflag:s16] =	ssyncset.done $0x0  }
0x28: {  	[sflag:s16] =	ssyncadd.s32 $0xFFFFC000  }
0x29: {  	[spmem:s2] =	stream.indirect.scatter.add.f32 [tilespmem:s15], [sflag:$0x2], $0x80, s11, s17, $0xb8;
	[tilespmem:$0x1CC00] =	vst v63  }
0x2a: {  	s20 =	simm.s32 $0x1000;
	_ =	swait.ge [sflag:s13], $0x4000  }
0x2b: {  	s21 =	simm.s32 $0x2000;
	s19 =	sadd.s32 $0x100, s11;
	[sflag:s13] =	ssyncset.done $0x0  }
.LBB2_2:
0x2c: {  	s22 =	sadd.s32 s20, s9  }
0x2d: {  	[sflag:s13] =	ssyncadd.s32 $0xFFFFC000;
	s23 =	smov.u32 s21;
	s24 =	sadd.s32 $0x1000, s21  }
0x2e: {  	[tilespmem:s14], [sflag:$0x1] =	stream.linear.gather [hbm4b:s22+s3], $0x4000, $0x38;
	[tilespmem:$0x1CC00] =	vst v63  }
0x2f: {  	p0 =	sne.s32 s21, $0x9000;
	s21 =	sadd.s32 s20, s10;
	s20 =	smov.u32 s23  }
0x30: {  	[tilespmem:s15], [sflag:$0x1] =	stream.linear.gather [hbm4b:s21+s3], $0x4000, $0x38;
	[tilespmem:$0x1CC00] =	vst v63  }
0x31: {  	_ =	swait.ge [sflag:s16], $0x4000  }
0x32: {  	[sflag:s16] =	ssyncset.done $0x0  }
0x33: {  	s21 =	sadd.s32 $0xFFFFFF80, s19;
	[sflag:s16] =	ssyncadd.s32 $0xFFFFC000  }
0x34: {  	[spmem:s2] =	stream.indirect.scatter.add.f32 [tilespmem:s14], [sflag:$0x2], $0x80, s21, s17, $0xb8;
	[tilespmem:$0x1CC00] =	vst v63  }
0x35: {  	_ =	swait.ge [sflag:s13], $0x4000  }
0x36: {  	[sflag:s13] =	ssyncset.done $0x0  }
0x37: {  	[sflag:s13] =	ssyncadd.s32 $0xFFFFC000  }
0x38: {  	_ =	swait.ge [sflag:s16], $0x4000  }
.Ltmp0:
0x39: {  	[sflag:s16] =	ssyncset.done $0x0;
	(pc) =	sbr.rel @p0 .LBB2_2-.Ltmp0, $4  }
0x3a: {  	[sflag:s16] =	ssyncadd.s32 $0xFFFFC000  }
0x3b: {  	[spmem:s2] =	stream.indirect.scatter.add.f32 [tilespmem:s15], [sflag:$0x2], $0x80, s19, s17, $0xb8;
	[tilespmem:$0x1CC00] =	vst v63  }
0x3c: {  	_ =	swait.ge [sflag:s13], $0x4000  }
0x3d: {  	s21 =	smov.u32 s24;
	s19 =	sadd.s32 $0x100, s19;
	[sflag:s13] =	ssyncset.done $0x0  }
0x3e: {  	s21 =	sadd.s32 s20, s9;
	[sflag:s13] =	ssyncadd.s32 $0xFFFFC000  }
0x3f: {  	[tilespmem:s14], [sflag:$0x1] =	stream.linear.gather [hbm4b:s21+s3], $0x4000, $0x38;
	[tilespmem:$0x1CC00] =	vst v63  }
0x40: {  	s30 =	sadd.s32 s20, s10  }
0x41: {  	[tilespmem:s15], [sflag:$0x1] =	stream.linear.gather [hbm4b:s30+s3], $0x4000, $0x38;
	[tilespmem:$0x1CC00] =	vst v63  }
0x42: {  	_ =	swait.ge [sflag:s16], $0x4000  }
0x43: {  	[sflag:s16] =	ssyncset.done $0x0  }
0x44: {  	s31 =	sadd.s32 $0xFFFFFF80, s19;
	[sflag:s16] =	ssyncadd.s32 $0xFFFFC000  }
0x45: {  	[spmem:s2] =	stream.indirect.scatter.add.f32 [tilespmem:s14], [sflag:$0x2], $0x80, s31, s17, $0xb8;
	[tilespmem:$0x1CC00] =	vst v63  }
0x46: {  	_ =	swait.ge [sflag:s13], $0x4000  }
0x47: {  	[sflag:s13] =	ssyncset.done $0x0  }
0x48: {  	[sflag:s13] =	ssyncadd.s32 $0xFFFFC000  }
0x49: {  	_ =	swait.ge [sflag:s16], $0x4000  }
0x4a: {  	[sflag:s16] =	ssyncset.done $0x0  }
0x4b: {  	[sflag:s16] =	ssyncadd.s32 $0xFFFFC000  }
0x4c: {  	[spmem:s2] =	stream.indirect.scatter.add.f32 [tilespmem:s15], [sflag:$0x2], $0x80, s19, s17, $0xb8;
	[tilespmem:$0x1CC00] =	vst v63  }
0x4d: {  	_ =	swait.ge [sflag:s13], $0x4000  }
0x4e: {  	s18 =	sadd.s32 $0x1, s18;
	[sflag:s13] =	ssyncset.done $0x0  }
0x4f: {  	p0 =	sne.s32 s18, s8;
	[sflag:s13] =	ssyncadd.s32 $0xFFFFC000  }
.Ltmp1:
0x50: {  	[bflag:$0x0] =	sbarrier.arrive $0xFFFF;
	(pc) =	sbr.rel @p0 .LBB2_1-.Ltmp1, $4  }
0x51: {  	[hbm:s7], [sflag:s5] =	dma.local [spmem:s12], $0x2800  }
0x52: {  	_ =	swait.ge [sflag:s13], $0x2800  }
0x53: {  	[sflag:s13] =	ssyncset.done $0x0  }
0x54: {  	[sflag:s13] =	ssyncadd.s32 $0xFFFFD800  }
0x55: {  	_ =	sfence.sel $0x180000  }
0x56: {  	[bflag:$0x0] =	sbarrier.arrive $0xFFFF  }
0x57: {  	p0 =	sne.s32 s0, $0x0;
	_ =	strace $0x90000050  }
0x58: {  	s0 =	sadd.s32 @!p0 $0x100000, s1;
	[bflag:$0x2] =	sbarrier.arrive $0xFFFF  }
0x59: {  	[sflag:s0] =	ssyncadd.tile.s32 @!p0 $0x1;
	_ =	shalt  }
.Lfunc_end2:
_tile_overlayer_lowered:
.L_overlay_start_2:
0x5a: {  	(tag) =	ssettag $0x2  }
0x5b: {  	s0 =	rddreg [dreg:$0x0];
	s2 =	stileid.u32  }
0x5c: {  	s1 =	rddreg [dreg:$0x1];
	p0 =	sne.s32 s2, $0x0  }
0x5d: {  	s3 =	rddreg [dreg:$0x2];
	[bflag:$0x3] =	sbarrier.arrive $0xFFFF;
	s2 =	simm.s32 @!p0 $0x1C02  }
0x5e: {  	[timem:s3], [sflag:s2] =	dma.local @!p0 [hbm:s0], s1  }
0x5f: {  	s0 =	simm.s32 @!p0 $0x2  }
0x60: {  	_ =	swait.ge @!p0 [sflag:s0], s1  }
0x61: {  	s1 =	ssub.s32 @!p0 $0x0, s1;
	[sflag:s0] =	ssyncset.done @!p0 $0x0  }
0x62: {  	[sflag:s0] =	ssyncadd.s32 @!p0 s1  }
0x63: {  	[bflag:$0x3] =	sbarrier.arrive $0xFFFF  }
0x64: {  	_ =	shalt  }

// kernel: kernel.22.cloned.1.call-start
scs
__scs_entry_jumppad:
0x0: {  	(pc) =	sbr.rel $0x88, $3  }
0x1: {  	(tag) =	ssettag $0x0;
	lr =	simm.s32 $0x1  }
0x2: {  	[smem:$0x3F8B] =	sst lr;
	_ =	strace $0xD0000000  }
0x3: {  	_ = 	snop  }
0x4: {  	_ = 	snop  }
0x5: {  	_ = 	snop  }
0x6: {  	_ = 	snop  }
0x7: {  	_ = 	snop  }
__scs_overlays_trampoline_lowered:
0x8: {  	[smem:$0x3F9A] =	sst s0  }
0x9: {  	[smem:$0x3F9B] =	sst s1  }
0xa: {  	[smem:$0x3F9C] =	sst s2  }
0xb: {  	[smem:$0x3F9D] =	sst s3  }
0xc: {  	[smem:$0x3F9E] =	sst s4  }
0xd: {  	[smem:$0x3F9F] =	sst s5  }
0xe: {  	[smem:$0x3FA0] =	sst s6  }
0xf: {  	[smem:$0x3FA1] =	sst s7  }
0x10: {  	[smem:$0x3FA2] =	sst s8  }
0x11: {  	[smem:$0x3FA3] =	sst s9;
	s0 =	simm.s32 @!p0 $0x0  }
0x12: {  	s1 =	sld [smem:$0x3F89];
	s0 =	simm.s32 @p0 $0x1  }
0x13: {  	[smem:$0x3FA4] =	sst s0;
	s0 =	simm.s32 @!p1 $0x0  }
0x14: {  	s2 =	sld [smem:$0x3F88];
	s0 =	simm.s32 @p1 $0x1  }
0x15: {  	[smem:$0x3FA5] =	sst s0;
	s0 =	simm.s32 @!p2 $0x0  }
0x16: {  	s3 =	sld [smem:$0x3FDB];
	s0 =	simm.s32 @p2 $0x1  }
0x17: {  	s4 =	simm.s32 $0x1BF5;
	[smem:$0x3FA7] =	sst s0  }
0x18: {  	s0 =	sld [smem:$0x3F8A];
	_ =	swait.ge [sflag:s4], $0x0  }
0x19: {  	s7 =	sld [smem:$0x3F8B]  }
0x1a: {  	s8 =	sadd.s32 $0xFFFFE003, lr  }
0x1b: {  	s9 =	sadd.s32 $0xFFFFFEF7, lr;
	s5 =	simm.s32 $0xFFFFFFFF;
	p2 =	slt.u32 s8, $0xFFFFF086  }
0x1c: {  	p1 =	slt.u32 s9, $0xF7A;
	s5 =	simm.s32 @!p2 $0x0  }
0x1d: {  	s5 =	simm.s32 @p1 $0x1;
	p0 =	seq.s32 s7, s2  }
0x1e: {  	s7 =	smul.u32 @!p0 $0xF7A, s2;
	p2 =	seq.s32 @!p0 s5, $0x0  }
0x1f: {  	s9 =	smul.u32 $0xF7A, s1;
	s8 =	simm.s32 @!p0 $0x1BF5;
	p2 =	por !p2, p0  }
0x20: {  	[sflag:s8] =	ssyncset.s32 @!p0 $0xFFFFF086;
	s6 =	sadd.s32 @!p0 s3, s7;
	s7 =	simm.s32 @!p0 $0x108  }
0x21: {  	s3 =	sadd.s32 s3, s9;
	s6 =	sadd.s32 @!p0 $0x88, s6;
	s7 =	simm.s32 @p2 $0x1082  }
0x22: {  	[simem:s7], [sflag:s8] =	dma.local @!p0 [hbm:s6], $0xF7A  }
0x23: {  	s9 =	sor.u32 $0xD0000000, s2;
	s6 =	simm.s32 $0x108;
	_ =	swait.ge @!p0 [sflag:s8], $0x0  }
0x24: {  	s3 =	sadd.s32 $0x88, s3;
	s6 =	simm.s32 @!p1 $0x1082;
	[sflag:s4] =	ssyncset.s32 $0xFFFFF086  }
0x25: {  	[simem:s6], [sflag:s4] =	dma.local [hbm:s3], $0xF7A  }
0x26: {  	[smem:$0x3F8B] =	sst s1;
	(tag) =	ssettag s2;
	_ =	strace s9  }
0x27: {  	s1 =	sld [smem:$0x3F9B]  }
0x28: {  	s2 =	sld [smem:$0x3F9C]  }
0x29: {  	s4 =	sld [smem:$0x3F9E]  }
0x2a: {  	p0 =	seq.s32 s5, $0x0;
	s5 =	sld [smem:$0x3F9F]  }
0x2b: {  	s6 =	sld [smem:$0x3FA0]  }
0x2c: {  	s7 =	sld [smem:$0x3FA1]  }
0x2d: {  	s3 =	simm.s32 $0x108;
	s8 =	sld [smem:$0x3FA2]  }
0x2e: {  	s3 =	simm.s32 @!p0 $0x1082;
	s9 =	sld [smem:$0x3FA3]  }
0x2f: {  	lr =	sadd.s32 s0, s3;
	s0 =	sld [smem:$0x3F9A]  }
0x30: {  	s3 =	sld [smem:$0x3F9D]  }
0x31: {  	[smem:$0x3FA6] =	sst s10  }
0x32: {  	s10 =	sld [smem:$0x3FA4];
	_ =	sdelay $0x3  }
0x33: {  	p0 =	seq.s32 s10, $0x1;
	s10 =	sld [smem:$0x3FA6];
	_ =	sdelay $0x3  }
0x34: {  	[smem:$0x3FA6] =	sst s10  }
0x35: {  	s10 =	sld [smem:$0x3FA5];
	_ =	sdelay $0x3  }
0x36: {  	p1 =	seq.s32 s10, $0x1;
	s10 =	sld [smem:$0x3FA6];
	_ =	sdelay $0x3  }
0x37: {  	[smem:$0x3FA6] =	sst s10  }
0x38: {  	s10 =	sld [smem:$0x3FA7]  }
0x39: {  	_ = 	snop;
	(pc) =	sbr.ind lr, $3  }
0x3a: {  	_ = 	snop  }
0x3b: {  	_ = 	snop  }
0x3c: {  	p2 =	seq.s32 s10, $0x1;
	s10 =	sld [smem:$0x3FA6]  }
0x3d: {  	_ =	shalt  }
0x3e: {  	_ =	shalt  }
0x3f: {  	_ =	shalt  }
0x40: {  	_ =	shalt  }
0x41: {  	_ =	shalt  }
0x42: {  	_ =	shalt  }
0x43: {  	_ =	shalt  }
0x44: {  	_ =	shalt  }
0x45: {  	_ =	shalt  }
0x46: {  	_ =	shalt  }
0x47: {  	_ =	shalt  }
0x48: {  	_ =	shalt  }
0x49: {  	_ =	shalt  }
0x4a: {  	_ =	shalt  }
0x4b: {  	_ =	shalt  }
0x4c: {  	_ =	shalt  }
0x4d: {  	_ =	shalt  }
0x4e: {  	_ =	shalt  }
0x4f: {  	_ =	shalt  }
0x50: {  	_ =	shalt  }
0x51: {  	_ =	shalt  }
0x52: {  	_ =	shalt  }
0x53: {  	_ =	shalt  }
0x54: {  	_ =	shalt  }
0x55: {  	_ =	shalt  }
0x56: {  	_ =	shalt  }
0x57: {  	_ =	shalt  }
0x58: {  	_ =	shalt  }
0x59: {  	_ =	shalt  }
0x5a: {  	_ =	shalt  }
0x5b: {  	_ =	shalt  }
0x5c: {  	_ =	shalt  }
0x5d: {  	_ =	shalt  }
0x5e: {  	_ =	shalt  }
0x5f: {  	_ =	shalt  }
0x60: {  	_ =	shalt  }
0x61: {  	_ =	shalt  }
0x62: {  	_ =	shalt  }
0x63: {  	_ =	shalt  }
0x64: {  	_ =	shalt  }
0x65: {  	_ =	shalt  }
0x66: {  	_ =	shalt  }
0x67: {  	_ =	shalt  }
0x68: {  	_ =	shalt  }
0x69: {  	_ =	shalt  }
0x6a: {  	_ =	shalt  }
0x6b: {  	_ =	shalt  }
0x6c: {  	_ =	shalt  }
0x6d: {  	_ =	shalt  }
0x6e: {  	_ =	shalt  }
0x6f: {  	_ =	shalt  }
0x70: {  	_ =	shalt  }
0x71: {  	_ =	shalt  }
0x72: {  	_ =	shalt  }
0x73: {  	_ =	shalt  }
0x74: {  	_ =	shalt  }
0x75: {  	_ =	shalt  }
0x76: {  	_ =	shalt  }
0x77: {  	_ =	shalt  }
0x78: {  	_ =	shalt  }
0x79: {  	_ =	shalt  }
0x7a: {  	_ =	shalt  }
0x7b: {  	_ =	shalt  }
0x7c: {  	_ =	shalt  }
0x7d: {  	_ =	shalt  }
0x7e: {  	_ =	shalt  }
0x7f: {  	_ =	shalt  }
0x80: {  	_ =	shalt  }
0x81: {  	_ =	shalt  }
0x82: {  	_ =	shalt  }
0x83: {  	_ =	shalt  }
0x84: {  	_ =	shalt  }
0x85: {  	_ =	shalt  }
0x86: {  	_ =	shalt  }
0x87: {  	_ =	shalt  }
.Lfunc_end0:
.L_simem_size_0:
called_computation.3_lowered:
.L_overlay_start_0:
0x88: {  	s2 =	sld [smem:$0x3FD9]  }
0x89: {  	s3 =	sld [smem:$0x3FFE];
	_ =	sdelay $0x1  }
0x8a: {  	s1 =	srdreg.scid  }
0x8b: {  	s0 =	sand.u32 $0x1, s1  }
0x8c: {  	s17 =	sshll.u32 s0, $0xA;
	s2 =	sadd.s32 s3, s2  }
0x8d: {  	s2 =	sadd.s32 s2, s17  }
0x8e: {  	[smem:$0x3FB2] =	sst s2  }
0x8f: {  	_ = 	snop  }
0x90: {  	(tm) =	ssettm $0x1  }
0x91: {  	s18 =	sld [smem:$0x3FFB];
	_ =	sdelay $0x3  }
0x92: {  	_ =	strace s18  }
0x93: {  	s2 =	sld [smem:$0x3FFC];
	_ =	sdelay $0x3  }
0x94: {  	_ =	strace s2  }
0x95: {  	s2 =	sld [smem:$0x3FFD];
	_ =	sdelay $0x3  }
0x96: {  	_ =	strace s2  }
0x97: {  	_ =	strace $0x8FFFFFFF  }
0x98: {  	s19 =	sld [smem:$0x3FDB];
	_ =	sdelay $0x1  }
0x99: {  	s20 =	simm.s32 $_scs_section_size  }
0x9a: {  	s4 =	simm.s32 $_size__tile_overlayer_lowered;
	s5 =	simm.s32 $_tile_overlayer_lowered  }
0x9b: {  	s6 =	simm.s32 $0x1BFF;
	s21 =	sshll.u32 s5, $0x1;
	s3 =	sadd.s32 s20, s19  }
0x9c: {  	s22 =	simm.s32 $0x0;
	s4 =	sshll.u32 s4, $0x1;
	s5 =	sadd.s32 s21, s3  }
0x9d: {  	[timem:s22], [sflag:s6] =	dma.local [hbm:s5], s4  }
0x9e: {  	_ =	swait.ge [sflag:s6], s4  }
0x9f: {  	s4 =	ssub.s32 $0x0, s4;
	[sflag:s6] =	ssyncset.done $0x0  }
0xa0: {  	[sflag:s6] =	ssyncadd.s32 s4;
	_ =	sdelay $0x1  }
0xa1: {  	s23 =	simm.s32 $0x1B8B  }
0xa2: {  	_ =	swait.ge [sflag:s23], $0x1  }
0xa3: {  	[sflag:s23] =	ssyncset.done $0x0  }
0xa4: {  	[sflag:s23] =	ssyncadd.s32 $0xFFFFFFFF  }
0xa5: {  	s4 =	sld [smem:$0x0]  }
0xa6: {  	s5 =	sand.u32 $0xFFFFFFFE, s1  }
0xa7: {  	p0 =	sne.s32 s1, s5  }
0xa8: {  	s5 =	sshll.u32 @p0 s5, $0xE  }
0xa9: {  	s5 =	sadd.s32 @p0 $0x11B8D, s5;
	s6 =	sshll.u32 @p0 s4, $0x11  }
0xaa: {  	s5 =	sor.u32 @p0 s6, s5  }
0xab: {  	[sflag:s5] =	ssyncadd.remote.s32 @p0 $0x1;
	_ =	sdelay $0x1  }
0xac: {  	s5 =	simm.s32 @p0 $0x1B8D  }
0xad: {  	_ =	swait.eq @p0 [sflag:s5], $0x1  }
0xae: {  	[sflag:s5] =	ssyncadd.s32 @p0 $0xFFFFFFFF  }
0xaf: {  	s6 =	sshll.u32 @!p0 s1, $0xE  }
0xb0: {  	s6 =	sor.u32 @!p0 $0x4000, s6;
	s5 =	simm.s32 @!p0 $0x1B8D  }
0xb1: {  	s4 =	sshll.u32 @!p0 s4, $0x11;
	s6 =	sadd.s32 @!p0 $0x11B8D, s6;
	_ =	swait.eq @!p0 [sflag:s5], $0x1  }
0xb2: {  	s4 =	sor.u32 @!p0 s4, s6;
	[sflag:s5] =	ssyncadd.s32 @!p0 $0xFFFFFFFF  }
0xb3: {  	s25 =	simm.s32 $0x1B8E;
	s24 =	sld [smem:$0x3FFE];
	[sflag:s4] =	ssyncadd.remote.s32 @!p0 $0x1  }
0xb4: {  	s26 =	simm.s32 $execute0_lowered;
	[smem:$0x3FD2] =	sst s25  }
0xb5: {  	s5 =	sshll.u32 s26, $0x1;
	_ =	strace $0x8000004C;
	[dreg:$0x1] =	wrdreg $0xFFFFFFFF  }
0xb6: {  	s28 =	simm.s32 $_size_execute0_lowered;
	s3 =	sadd.s32 s3, s5;
	[dreg:$0x0] =	wrdreg $0x0  }
0xb7: {  	s5 =	sshll.u32 s28, $0x1;
	[dreg:$0x2] =	wrdreg s3  }
0xb8: {  	[dreg:$0x3] =	wrdreg s5  }
0xb9: {  	[dreg:$0x4] =	wrdreg $0xC0  }
0xba: {  	_ =	task [dreg:s22], $0x5FFFF  }
0xbb: {  	[dreg:$0x1] =	wrdreg $0xFFFFFFFF  }
0xbc: {  	[dreg:$0x0] =	wrdreg $0x60  }
0xbd: {  	[dreg:$0x2] =	wrdreg s24  }
0xbe: {  	[dreg:$0x3] =	wrdreg $0x8C000  }
0xbf: {  	[dreg:$0x4] =	wrdreg $0xA  }
0xc0: {  	_ =	task.clear_ibuf [dreg:s22], $0x5FFFF;
	_ =	strace $0x9000004C  }
0xc1: {  	s29 =	simm.s32 $0xA;
	_ =	strace $0x8000004E  }
0xc2: {  	_ =	swait.ge [sflag:s29], $0x1  }
0xc3: {  	[sflag:s29] =	ssyncadd.s32 $0xFFFFFFFF  }
0xc4: {  	_ =	strace $0x9000004E  }
0xc5: {  	_ =	sfence  }
0xc6: {  	s30 =	sld [smem:$0x0];
	_ =	sdelay $0x2  }
0xc7: {  	s31 =	sshll.u32 s1, $0xD;
	s1 =	sshrl.u32 s1, $0x2  }
0xc8: {  	s4 =	sand.u32 $0x4000, s31;
	s1 =	sadd.s32 s1, s30  }
0xc9: {  	s0 =	sor.u32 s4, s0;
	s1 =	sshll.u32 s1, $0x11  }
0xca: {  	s0 =	sor.u32 s1, s0  }
0xcb: {  	s0 =	sadd.s32 $0x8F2B, s0  }
0xcc: {  	[sflag:s0] =	ssyncadd.remote.s32 $0x1  }
0xcd: {  	_ =	sfence.sel $0xFFFF  }
0xce: {  	[dreg:$0x0] =	wrdreg $0xFFFFFFFF;
	(pc) =	sbr.abs _section_cstart, $3  }
0xcf: {  	[dreg:$0x1] =	wrdreg $0xFFFFFFFF  }
0xd0: {  	_ =	task.clear_ibuf [dreg:s22], $0x2FFFF;
	_ =	strace $0x9FFFFFFF  }
0xd1: {  	(tm) =	ssettm $0x7FFFFFFF  }
tec
execute0_lowered:
.L_overlay_start_1:
0x0: {  	(tag) =	ssettag $0x1  }
0x1: {  	s1 =	srdreg.scid  }
0x2: {  	s0 =	stileid.u32;
	s4 =	rddreg [dreg:$0x0]  }
0x3: {  	s2 =	rddreg [dreg:$0x1];
	s3 =	simm.s32 $0x0;
	s16 =	simm.s32 $0x1  }
0x4: {  	s17 =	simm.s32 $0x80;
	s18 =	simm.s32 $0x0;
	s6 =	smul.u32 $0x14000, s0  }
0x5: {  	s10 =	sand.u32 $0x1, s1;
	s1 =	rddreg [dreg:$0x2];
	s12 =	smul.u32 $0x50000, s0  }
0x6: {  	s23 =	sshll.u32 s0, $0x1;
	[smem:$0x7FF] =	sst s3;
	s14 =	smul.u32 $0xA0000, s0  }
0x7: {  	s11 =	sadd.s32 $0x510E00, s4;
	s28 =	sshll.u32 s0, $0x6;
	s7 =	smul.u32 $0x140000, s10  }
0x8: {  	s5 =	sor.u32 s10, s23;
	_ =	strace $0x8000004D;
	s29 =	smul.u32 $0x50000, s10  }
0x9: {  	s25 =	ssub.s32 $0x2, s10;
	s31 =	sshll.u32 s10, $0x9;
	s5 =	smul.u32 $0x140, s5  }
0xa: {  	s24 =	sshrl.u32 s6, $0x3;
	s9 =	sshrl.u32 s25, $0x1;
	s26 =	sshrl.u32 s12, $0x2  }
0xb: {  	s6 =	sadd.s32 s6, s7;
	s9 =	ssub.s32 s25, s9;
	s15 =	sadd.s32 s26, s2  }
0xc: {  	s12 =	sadd.s32 s29, s14;
	s14 =	simm.s32 $0xC00;
	s5 =	sand.u32 $0x3F80, s5  }
0xd: {  	s6 =	sshrl.u32 s6, $0x3;
	s30 =	sshrl.u32 s12, $0x3;
	s12 =	sor.u32 $0x4000, s12  }
0xe: {  	s8 =	sadd.s32 s5, s4;
	s5 =	sadd.s32 s24, s4;
	s13 =	sadd.s32 s6, s4  }
0xf: {  	s12 =	sshrl.u32 s12, $0x3;
	s4 =	sadd.s32 $0x9800, s5;
	s5 =	sor.u32 $0x1C02, s28  }
0x10: {  	s6 =	sadd.s32 $0x6E00, s8;
	s7 =	sadd.s32 $0x31800, s13;
	s8 =	smax.u32 s9, $0x1  }
0x11: {  	s9 =	sadd.s32 s30, s11;
	s10 =	sadd.s32 s12, s11;
	s11 =	sor.u32 $0x80, s31  }
0x12: {  	s12 =	sshrl.u32 s15, $0x3;
	s13 =	simm.s32 $0x2;
	s15 =	simm.s32 $0x4C00  }
.LBB2_1:
0x13: {  	[spmem:s12], [sflag:s5] =	dma.local [hbm:s4], $0x2800  }
0x14: {  	_ =	swait.ge [sflag:s13], $0x2800  }
0x15: {  	[sflag:s13] =	ssyncset.done $0x0  }
0x16: {  	[sflag:s13] =	ssyncadd.s32 $0xFFFFD800  }
0x17: {  	[tilespmem:s3], [sflag:$0x2] =	stream.linear.gather [hbm4b:s6+s3], $0xC00, $0x38;
	[tilespmem:$0x1CC00] =	vst v63  }
0x18: {  	_ =	swait.ge [sflag:s13], $0xC00  }
0x19: {  	[sflag:s13] =	ssyncset.done $0x0  }
0x1a: {  	[sflag:s13] =	ssyncadd.s32 $0xFFFFF400  }
0x1b: {  	s19 =	sadd.s32 $0x0, s9;
	[bflag:$0x0] =	sbarrier.arrive $0xFFFF  }
0x1c: {  	[tilespmem:s14], [sflag:$0x1] =	stream.linear.gather [hbm4b:s19+s3], $0x4000, $0x38;
	[tilespmem:$0x1CC00] =	vst v63  }
0x1d: {  	s30 =	sadd.s32 $0x0, s10  }
0x1e: {  	[tilespmem:s15], [sflag:$0x1] =	stream.linear.gather [hbm4b:s30+s3], $0x4000, $0x38;
	[tilespmem:$0x1CC00] =	vst v63  }
0x1f: {  	_ =	swait.ge [sflag:s16], $0x4000  }
0x20: {  	[sflag:s16] =	ssyncset.done $0x0  }
0x21: {  	s31 =	sadd.s32 $0xFFFFFF80, s11;
	[sflag:s16] =	ssyncadd.s32 $0xFFFFC000  }
0x22: {  	[spmem:s2] =	stream.indirect.scatter.add.f32 [tilespmem:s14], [sflag:$0x2], $0x80, s31, s17, $0xb8;
	[tilespmem:$0x1CC00] =	vst v63  }
0x23: {  	_ =	swait.ge [sflag:s13], $0x4000  }
0x24: {  	[sflag:s13] =	ssyncset.done $0x0  }
0x25: {  	[sflag:s13] =	ssyncadd.s32 $0xFFFFC000  }
0x26: {  	_ =	swait.ge [sflag:s16], $0x4000  }
0x27: {  	[sflag:s16] =	ssyncset.done $0x0  }
0x28: {  	[sflag:s16] =	ssyncadd.s32 $0xFFFFC000  }
0x29: {  	[spmem:s2] =	stream.indirect.scatter.add.f32 [tilespmem:s15], [sflag:$0x2], $0x80, s11, s17, $0xb8;
	[tilespmem:$0x1CC00] =	vst v63  }
0x2a: {  	s20 =	simm.s32 $0x1000;
	_ =	swait.ge [sflag:s13], $0x4000  }
0x2b: {  	s21 =	simm.s32 $0x2000;
	s19 =	sadd.s32 $0x100, s11;
	[sflag:s13] =	ssyncset.done $0x0  }
.LBB2_2:
0x2c: {  	s22 =	sadd.s32 s20, s9  }
0x2d: {  	[sflag:s13] =	ssyncadd.s32 $0xFFFFC000;
	s23 =	smov.u32 s21;
	s24 =	sadd.s32 $0x1000, s21  }
0x2e: {  	[tilespmem:s14], [sflag:$0x1] =	stream.linear.gather [hbm4b:s22+s3], $0x4000, $0x38;
	[tilespmem:$0x1CC00] =	vst v63  }
0x2f: {  	p0 =	sne.s32 s21, $0x9000;
	s21 =	sadd.s32 s20, s10;
	s20 =	smov.u32 s23  }
0x30: {  	[tilespmem:s15], [sflag:$0x1] =	stream.linear.gather [hbm4b:s21+s3], $0x4000, $0x38;
	[tilespmem:$0x1CC00] =	vst v63  }
0x31: {  	_ =	swait.ge [sflag:s16], $0x4000  }
0x32: {  	[sflag:s16] =	ssyncset.done $0x0  }
0x33: {  	s21 =	sadd.s32 $0xFFFFFF80, s19;
	[sflag:s16] =	ssyncadd.s32 $0xFFFFC000  }
0x34: {  	[spmem:s2] =	stream.indirect.scatter.add.f32 [tilespmem:s14], [sflag:$0x2], $0x80, s21, s17, $0xb8;
	[tilespmem:$0x1CC00] =	vst v63  }
0x35: {  	_ =	swait.ge [sflag:s13], $0x4000  }
0x36: {  	[sflag:s13] =	ssyncset.done $0x0  }
0x37: {  	[sflag:s13] =	ssyncadd.s32 $0xFFFFC000  }
0x38: {  	_ =	swait.ge [sflag:s16], $0x4000  }
.Ltmp0:
0x39: {  	[sflag:s16] =	ssyncset.done $0x0;
	(pc) =	sbr.rel @p0 .LBB2_2-.Ltmp0, $4  }
0x3a: {  	[sflag:s16] =	ssyncadd.s32 $0xFFFFC000  }
0x3b: {  	[spmem:s2] =	stream.indirect.scatter.add.f32 [tilespmem:s15], [sflag:$0x2], $0x80, s19, s17, $0xb8;
	[tilespmem:$0x1CC00] =	vst v63  }
0x3c: {  	_ =	swait.ge [sflag:s13], $0x4000  }
0x3d: {  	s21 =	smov.u32 s24;
	s19 =	sadd.s32 $0x100, s19;
	[sflag:s13] =	ssyncset.done $0x0  }
0x3e: {  	s21 =	sadd.s32 s20, s9;
	[sflag:s13] =	ssyncadd.s32 $0xFFFFC000  }
0x3f: {  	[tilespmem:s14], [sflag:$0x1] =	stream.linear.gather [hbm4b:s21+s3], $0x4000, $0x38;
	[tilespmem:$0x1CC00] =	vst v63  }
0x40: {  	s30 =	sadd.s32 s20, s10  }
0x41: {  	[tilespmem:s15], [sflag:$0x1] =	stream.linear.gather [hbm4b:s30+s3], $0x4000, $0x38;
	[tilespmem:$0x1CC00] =	vst v63  }
0x42: {  	_ =	swait.ge [sflag:s16], $0x4000  }
0x43: {  	[sflag:s16] =	ssyncset.done $0x0  }
0x44: {  	s31 =	sadd.s32 $0xFFFFFF80, s19;
	[sflag:s16] =	ssyncadd.s32 $0xFFFFC000  }
0x45: {  	[spmem:s2] =	stream.indirect.scatter.add.f32 [tilespmem:s14], [sflag:$0x2], $0x80, s31, s17, $0xb8;
	[tilespmem:$0x1CC00] =	vst v63  }
0x46: {  	_ =	swait.ge [sflag:s13], $0x4000  }
0x47: {  	[sflag:s13] =	ssyncset.done $0x0  }
0x48: {  	[sflag:s13] =	ssyncadd.s32 $0xFFFFC000  }
0x49: {  	_ =	swait.ge [sflag:s16], $0x4000  }
0x4a: {  	[sflag:s16] =	ssyncset.done $0x0  }
0x4b: {  	[sflag:s16] =	ssyncadd.s32 $0xFFFFC000  }
0x4c: {  	[spmem:s2] =	stream.indirect.scatter.add.f32 [tilespmem:s15], [sflag:$0x2], $0x80, s19, s17, $0xb8;
	[tilespmem:$0x1CC00] =	vst v63  }
0x4d: {  	_ =	swait.ge [sflag:s13], $0x4000  }
0x4e: {  	s18 =	sadd.s32 $0x1, s18;
	[sflag:s13] =	ssyncset.done $0x0  }
0x4f: {  	p0 =	sne.s32 s18, s8;
	[sflag:s13] =	ssyncadd.s32 $0xFFFFC000  }
.Ltmp1:
0x50: {  	[bflag:$0x0] =	sbarrier.arrive $0xFFFF;
	(pc) =	sbr.rel @p0 .LBB2_1-.Ltmp1, $4  }
0x51: {  	[hbm:s7], [sflag:s5] =	dma.local [spmem:s12], $0x2800  }
0x52: {  	_ =	swait.ge [sflag:s13], $0x2800  }
0x53: {  	[sflag:s13] =	ssyncset.done $0x0  }
0x54: {  	[sflag:s13] =	ssyncadd.s32 $0xFFFFD800  }
0x55: {  	_ =	sfence.sel $0x180000  }
0x56: {  	[bflag:$0x0] =	sbarrier.arrive $0xFFFF  }
0x57: {  	p0 =	sne.s32 s0, $0x0;
	_ =	strace $0x9000004D  }
0x58: {  	s0 =	sadd.s32 @!p0 $0x100000, s1;
	[bflag:$0x2] =	sbarrier.arrive $0xFFFF  }
0x59: {  	[sflag:s0] =	ssyncadd.tile.s32 @!p0 $0x1;
	_ =	shalt  }
.Lfunc_end2:
_tile_overlayer_lowered:
.L_overlay_start_2:
0x5a: {  	(tag) =	ssettag $0x2  }
0x5b: {  	s0 =	rddreg [dreg:$0x0];
	s2 =	stileid.u32  }
0x5c: {  	s1 =	rddreg [dreg:$0x1];
	p0 =	sne.s32 s2, $0x0  }
0x5d: {  	s3 =	rddreg [dreg:$0x2];
	[bflag:$0x3] =	sbarrier.arrive $0xFFFF;
	s2 =	simm.s32 @!p0 $0x1C02  }
0x5e: {  	[timem:s3], [sflag:s2] =	dma.local @!p0 [hbm:s0], s1  }
0x5f: {  	s0 =	simm.s32 @!p0 $0x2  }
0x60: {  	_ =	swait.ge @!p0 [sflag:s0], s1  }
0x61: {  	s1 =	ssub.s32 @!p0 $0x0, s1;
	[sflag:s0] =	ssyncset.done @!p0 $0x0  }
0x62: {  	[sflag:s0] =	ssyncadd.s32 @!p0 s1  }
0x63: {  	[bflag:$0x3] =	sbarrier.arrive $0xFFFF  }
0x64: {  	_ =	shalt  }

</sc_bundles>
